<compile_context>
chip_gen: v7x
topology: tpu7x:2x2x1
jax: 0.10.2.dev20260603
libtpu: 0.0.44.dev20260713+nightly
codegen_flags: <defaults>
</compile_context>

<pallas_src>
import functools

import jax
import jax.numpy as jnp
from jax import lax
from jax.experimental import pallas as pl
from jax.experimental.pallas import tpu as pltpu
from jax.experimental.pallas import tpu_sc as plsc

B = 16384
D = 128
NC = 2
NS = 16
NW = NC * NS
BPW = B // NW
CHUNK = 64
NCHUNK = BPW // CHUNK
NSETS = 7
LANES = 16


def _gmf_body(ut_hbm, it_hbm, ui_hbm, ii_hbm, out_hbm,
              ui_v, ii_v, u_buf, i_buf, *sems):
    sem_g = sems[:NSETS]
    sem_o = sems[NSETS:2 * NSETS]
    sem_ix = sems[2 * NSETS]
    wid = lax.axis_index("s") * NC + lax.axis_index("c")
    base = wid * BPW

    cu = pltpu.async_copy(ui_hbm.at[pl.ds(base, BPW)], ui_v, sem_ix)
    ci = pltpu.async_copy(ii_hbm.at[pl.ds(base, BPW)], ii_v, sem_ix)
    cu.wait()
    ci.wait()

    def gathers(j, s):
        isl = pl.ds(j * CHUNK, CHUNK)
        cu = pltpu.async_copy(ut_hbm.at[ui_v.at[isl]], u_buf.at[s], sem_g[s])
        ci = pltpu.async_copy(it_hbm.at[ii_v.at[isl]], i_buf.at[s], sem_g[s])
        return cu, ci

    pend_g = [gathers(k, k) for k in range(min(NSETS, NCHUNK))]
    pend_o = [None] * NSETS
    for j in range(NCHUNK):
        s = j % NSETS
        pend_g[s][0].wait()
        pend_g[s][1].wait()

        def row_body(r, carry):
            for g in range(D // LANES):
                sl = pl.ds(g * LANES, LANES)
                u_buf[s, r, sl] = u_buf[s, r, sl] * i_buf[s, r, sl]
            return carry

        lax.fori_loop(0, CHUNK, row_body, 0)
        pend_o[s] = pltpu.async_copy(
            u_buf.at[s], out_hbm.at[pl.ds(base + j * CHUNK, CHUNK)], sem_o[s])
        if j + NSETS < NCHUNK:
            pend_o[s].wait()
            pend_o[s] = None
            pend_g[s] = gathers(j + NSETS, s)
    for s in range(NSETS):
        if pend_o[s] is not None:
            pend_o[s].wait()


@functools.partial(jax.jit, static_argnames=())
def _gmf(user_table, item_table, user_indices, item_indices):
    mesh = plsc.VectorSubcoreMesh(core_axis_name="c", subcore_axis_name="s")
    call = pl.kernel(
        _gmf_body,
        mesh=mesh,
        out_type=jax.ShapeDtypeStruct((B, D), jnp.float32),
        scratch_types=[
            pltpu.VMEM((BPW,), jnp.int32),
            pltpu.VMEM((BPW,), jnp.int32),
            pltpu.VMEM((NSETS, CHUNK, D), jnp.float32),
            pltpu.VMEM((NSETS, CHUNK, D), jnp.float32),
        ] + [pltpu.SemaphoreType.DMA] * (2 * NSETS + 1),
    )
    return call(user_table, item_table, user_indices, item_indices)


def kernel(user_indices, item_indices, user_table, item_table):
    return _gmf(user_table, item_table,
                user_indices.astype(jnp.int32), item_indices.astype(jnp.int32))

# --- scband reference (transcript-rebuilt; emitter-appended) ---
"""Pipeline reference for scband-gmf-77575699300430 (READ-ONLY COPY).

The authoritative reference and input builder live on the scoring server;
editing this copy changes nothing except your own understanding.
"""

import jax, jax.numpy as jnp
import numpy as np

NUM_USERS = 100000
NUM_ITEMS = 100000
EMBED_DIM = 128
BATCH = 16384

def setup_inputs(seed: int = 0) -> dict:
    key = jax.random.key(seed)
    k_u, k_i, k_ut, k_it = jax.random.split(key, 4)
    user_indices = jax.random.randint(k_u, (BATCH,), 0, NUM_USERS, dtype=jnp.int64 if jax.config.jax_enable_x64 else jnp.int32)
    item_indices = jax.random.randint(k_i, (BATCH,), 0, NUM_ITEMS, dtype=jnp.int64 if jax.config.jax_enable_x64 else jnp.int32)
    user_table = jax.random.normal(k_ut, (NUM_USERS, EMBED_DIM), dtype=jnp.float32)
    item_table = jax.random.normal(k_it, (NUM_ITEMS, EMBED_DIM), dtype=jnp.float32)
    return {"user_indices": user_indices, "item_indices": item_indices, "user_table": user_table, "item_table": item_table}

def reference(user_indices, item_indices, user_table, item_table):
    # GMF forward: embedding gathers followed by elementwise (Hadamard) product
    user_embedding = jnp.take(user_table, user_indices, axis=0)
    item_embedding = jnp.take(item_table, item_indices, axis=0)
    x = user_embedding * item_embedding
    return x

if __name__ == "__main__":
    import jax
    _d = setup_inputs()
    print(jax.jit(kernel)(*tuple(_d.values())))

</pallas_src>

<mosaic_0001>
#map = affine_map<(d0, d1) -> (0, 0)>
#map1 = affine_map<(d0, d1) -> (0)>
module attributes {stable_mosaic.version = 14 : i64} {
  func.func @_gmf_body(%arg0: i32, %arg1: i32, %arg2: memref<100000x128xf32, #tpu.memory_space<hbm>>, %arg3: memref<100000x128xf32, #tpu.memory_space<hbm>>, %arg4: memref<16384xi32, #tpu.memory_space<hbm>>, %arg5: memref<16384xi32, #tpu.memory_space<hbm>>, %arg6: memref<16384x128xf32, #tpu.memory_space<hbm>>, %arg7: memref<512xi32, #tpu.memory_space<vmem>>, %arg8: memref<512xi32, #tpu.memory_space<vmem>>, %arg9: memref<7x64x128xf32, #tpu.memory_space<vmem>>, %arg10: memref<7x64x128xf32, #tpu.memory_space<vmem>>, %arg11: memref<!tpu.dma_semaphore, #tpu.memory_space<semaphore_mem>>, %arg12: memref<!tpu.dma_semaphore, #tpu.memory_space<semaphore_mem>>, %arg13: memref<!tpu.dma_semaphore, #tpu.memory_space<semaphore_mem>>, %arg14: memref<!tpu.dma_semaphore, #tpu.memory_space<semaphore_mem>>, %arg15: memref<!tpu.dma_semaphore, #tpu.memory_space<semaphore_mem>>, %arg16: memref<!tpu.dma_semaphore, #tpu.memory_space<semaphore_mem>>, %arg17: memref<!tpu.dma_semaphore, #tpu.memory_space<semaphore_mem>>, %arg18: memref<!tpu.dma_semaphore, #tpu.memory_space<semaphore_mem>>, %arg19: memref<!tpu.dma_semaphore, #tpu.memory_space<semaphore_mem>>, %arg20: memref<!tpu.dma_semaphore, #tpu.memory_space<semaphore_mem>>, %arg21: memref<!tpu.dma_semaphore, #tpu.memory_space<semaphore_mem>>, %arg22: memref<!tpu.dma_semaphore, #tpu.memory_space<semaphore_mem>>, %arg23: memref<!tpu.dma_semaphore, #tpu.memory_space<semaphore_mem>>, %arg24: memref<!tpu.dma_semaphore, #tpu.memory_space<semaphore_mem>>, %arg25: memref<!tpu.dma_semaphore, #tpu.memory_space<semaphore_mem>>) attributes {dimension_semantics = [#tpu.dimension_semantics<core_parallel>, #tpu.dimension_semantics<subcore_parallel>], iteration_bounds = array<i64: 2, 16>, scalar_prefetch = 0 : i64, scratch_operands = 19 : i64, tpu.core_type = #tpu.core_type<sc_vector_subcore>, window_params = [{transform_indices = #map}, {transform_indices = #map}, {transform_indices = #map1}, {transform_indices = #map1}, {transform_indices = #map}]} {
    %mul3A = arith.constant 2 : i32
    %mul3A_0 = arith.muli %arg1, %mul3A : i32
    %add3A = arith.addi %mul3A_0, %arg0 : i32
    %mul3A_1 = arith.constant 512 : i32
    %mul3A_2 = arith.muli %add3A, %mul3A_1 : i32
    %dma_start3A = tpu.memref_slice %arg4[%mul3A_2] : memref<16384xi32, #tpu.memory_space<hbm>> -> memref<512xi32, #tpu.memory_space<hbm>>
    %dma_start3A_3 = tpu.memref_slice %arg4[%mul3A_2] : memref<16384xi32, #tpu.memory_space<hbm>> -> memref<512xi32, #tpu.memory_space<hbm>>
    tpu.enqueue_dma source(%dma_start3A_3 : memref<512xi32, #tpu.memory_space<hbm>>) target(%arg7 : memref<512xi32, #tpu.memory_space<vmem>>) target_semaphore(%arg25 : memref<!tpu.dma_semaphore, #tpu.memory_space<semaphore_mem>>)
    %dma_start3A_4 = tpu.memref_slice %arg5[%mul3A_2] : memref<16384xi32, #tpu.memory_space<hbm>> -> memref<512xi32, #tpu.memory_space<hbm>>
    %dma_start3A_5 = tpu.memref_slice %arg5[%mul3A_2] : memref<16384xi32, #tpu.memory_space<hbm>> -> memref<512xi32, #tpu.memory_space<hbm>>
    tpu.enqueue_dma source(%dma_start3A_5 : memref<512xi32, #tpu.memory_space<hbm>>) target(%arg8 : memref<512xi32, #tpu.memory_space<vmem>>) target_semaphore(%arg25 : memref<!tpu.dma_semaphore, #tpu.memory_space<semaphore_mem>>)
    %dma_wait3A = tpu.memref_slice %arg4[%mul3A_2] : memref<16384xi32, #tpu.memory_space<hbm>> -> memref<512xi32, #tpu.memory_space<hbm>>
    %dma_wait3A_6 = tpu.memref_slice %arg4[%mul3A_2] : memref<16384xi32, #tpu.memory_space<hbm>> -> memref<512xi32, #tpu.memory_space<hbm>>
    tpu.wait_dma2 semaphore(%arg25 : memref<!tpu.dma_semaphore, #tpu.memory_space<semaphore_mem>>) src(%dma_wait3A_6 : memref<512xi32, #tpu.memory_space<hbm>>) dst(%arg7 : memref<512xi32, #tpu.memory_space<vmem>>)
    %dma_wait3A_7 = tpu.memref_slice %arg5[%mul3A_2] : memref<16384xi32, #tpu.memory_space<hbm>> -> memref<512xi32, #tpu.memory_space<hbm>>
    %dma_wait3A_8 = tpu.memref_slice %arg5[%mul3A_2] : memref<16384xi32, #tpu.memory_space<hbm>> -> memref<512xi32, #tpu.memory_space<hbm>>
    tpu.wait_dma2 semaphore(%arg25 : memref<!tpu.dma_semaphore, #tpu.memory_space<semaphore_mem>>) src(%dma_wait3A_8 : memref<512xi32, #tpu.memory_space<hbm>>) dst(%arg8 : memref<512xi32, #tpu.memory_space<vmem>>)
    %dma_start3A_9 = arith.constant 0 : i32
    %dma_start3A_10 = arith.constant 0 : i32
    %dma_start3A_11 = arith.constant 0 : i32
    %dma_start3A_12 = tpu.memref_slice %arg9[%dma_start3A_9, %dma_start3A_10, %dma_start3A_11] : memref<7x64x128xf32, #tpu.memory_space<vmem>> -> memref<1x64x128xf32, #tpu.memory_space<vmem>>
    %dma_start3A_13 = tpu.memref_squeeze %dma_start3A_12 : memref<1x64x128xf32, #tpu.memory_space<vmem>> -> memref<64x128xf32, #tpu.memory_space<vmem>>
    %dma_start3A_14 = arith.constant 0 : i32
    %dma_start3A_15 = tpu.memref_slice %arg7[%dma_start3A_14] : memref<512xi32, #tpu.memory_space<vmem>> -> memref<64xi32, #tpu.memory_space<vmem>>
    %dma_start3A_16 = arith.constant 0 : i32
    %dma_start3A_17 = arith.constant 0 : i32
    %dma_start3A_18 = tpu.memref_slice %arg2[%dma_start3A_16, %dma_start3A_17] : memref<100000x128xf32, #tpu.memory_space<hbm>> -> memref<100000x128xf32, #tpu.memory_space<hbm>>
    tpu.enqueue_indirect_dma source(%dma_start3A_18 : memref<100000x128xf32, #tpu.memory_space<hbm>>) target(%dma_start3A_13 : memref<64x128xf32, #tpu.memory_space<vmem>>) offsets(%dma_start3A_15 : memref<64xi32, #tpu.memory_space<vmem>>) semaphore(%arg11 : memref<!tpu.dma_semaphore, #tpu.memory_space<semaphore_mem>>)
    %dma_start3A_19 = arith.constant 0 : i32
    %dma_start3A_20 = arith.constant 0 : i32
    %dma_start3A_21 = arith.constant 0 : i32
    %dma_start3A_22 = tpu.memref_slice %arg10[%dma_start3A_19, %dma_start3A_20, %dma_start3A_21] : memref<7x64x128xf32, #tpu.memory_space<vmem>> -> memref<1x64x128xf32, #tpu.memory_space<vmem>>
    %dma_start3A_23 = tpu.memref_squeeze %dma_start3A_22 : memref<1x64x128xf32, #tpu.memory_space<vmem>> -> memref<64x128xf32, #tpu.memory_space<vmem>>
    %dma_start3A_24 = arith.constant 0 : i32
    %dma_start3A_25 = tpu.memref_slice %arg8[%dma_start3A_24] : memref<512xi32, #tpu.memory_space<vmem>> -> memref<64xi32, #tpu.memory_space<vmem>>
    %dma_start3A_26 = arith.constant 0 : i32
    %dma_start3A_27 = arith.constant 0 : i32
    %dma_start3A_28 = tpu.memref_slice %arg3[%dma_start3A_26, %dma_start3A_27] : memref<100000x128xf32, #tpu.memory_space<hbm>> -> memref<100000x128xf32, #tpu.memory_space<hbm>>
    tpu.enqueue_indirect_dma source(%dma_start3A_28 : memref<100000x128xf32, #tpu.memory_space<hbm>>) target(%dma_start3A_23 : memref<64x128xf32, #tpu.memory_space<vmem>>) offsets(%dma_start3A_25 : memref<64xi32, #tpu.memory_space<vmem>>) semaphore(%arg11 : memref<!tpu.dma_semaphore, #tpu.memory_space<semaphore_mem>>)
    %dma_start3A_29 = arith.constant 1 : i32
    %dma_start3A_30 = arith.constant 0 : i32
    %dma_start3A_31 = arith.constant 0 : i32
    %dma_start3A_32 = tpu.memref_slice %arg9[%dma_start3A_29, %dma_start3A_30, %dma_start3A_31] : memref<7x64x128xf32, #tpu.memory_space<vmem>> -> memref<1x64x128xf32, #tpu.memory_space<vmem>>
    %dma_start3A_33 = tpu.memref_squeeze %dma_start3A_32 : memref<1x64x128xf32, #tpu.memory_space<vmem>> -> memref<64x128xf32, #tpu.memory_space<vmem>>
    %dma_start3A_34 = arith.constant 64 : i32
    %dma_start3A_35 = tpu.memref_slice %arg7[%dma_start3A_34] : memref<512xi32, #tpu.memory_space<vmem>> -> memref<64xi32, #tpu.memory_space<vmem>>
    %dma_start3A_36 = arith.constant 0 : i32
    %dma_start3A_37 = arith.constant 0 : i32
    %dma_start3A_38 = tpu.memref_slice %arg2[%dma_start3A_36, %dma_start3A_37] : memref<100000x128xf32, #tpu.memory_space<hbm>> -> memref<100000x128xf32, #tpu.memory_space<hbm>>
    tpu.enqueue_indirect_dma source(%dma_start3A_38 : memref<100000x128xf32, #tpu.memory_space<hbm>>) target(%dma_start3A_33 : memref<64x128xf32, #tpu.memory_space<vmem>>) offsets(%dma_start3A_35 : memref<64xi32, #tpu.memory_space<vmem>>) semaphore(%arg12 : memref<!tpu.dma_semaphore, #tpu.memory_space<semaphore_mem>>)
    %dma_start3A_39 = arith.constant 1 : i32
    %dma_start3A_40 = arith.constant 0 : i32
    %dma_start3A_41 = arith.constant 0 : i32
    %dma_start3A_42 = tpu.memref_slice %arg10[%dma_start3A_39, %dma_start3A_40, %dma_start3A_41] : memref<7x64x128xf32, #tpu.memory_space<vmem>> -> memref<1x64x128xf32, #tpu.memory_space<vmem>>
    %dma_start3A_43 = tpu.memref_squeeze %dma_start3A_42 : memref<1x64x128xf32, #tpu.memory_space<vmem>> -> memref<64x128xf32, #tpu.memory_space<vmem>>
    %dma_start3A_44 = arith.constant 64 : i32
    %dma_start3A_45 = tpu.memref_slice %arg8[%dma_start3A_44] : memref<512xi32, #tpu.memory_space<vmem>> -> memref<64xi32, #tpu.memory_space<vmem>>
    %dma_start3A_46 = arith.constant 0 : i32
    %dma_start3A_47 = arith.constant 0 : i32
    %dma_start3A_48 = tpu.memref_slice %arg3[%dma_start3A_46, %dma_start3A_47] : memref<100000x128xf32, #tpu.memory_space<hbm>> -> memref<100000x128xf32, #tpu.memory_space<hbm>>
    tpu.enqueue_indirect_dma source(%dma_start3A_48 : memref<100000x128xf32, #tpu.memory_space<hbm>>) target(%dma_start3A_43 : memref<64x128xf32, #tpu.memory_space<vmem>>) offsets(%dma_start3A_45 : memref<64xi32, #tpu.memory_space<vmem>>) semaphore(%arg12 : memref<!tpu.dma_semaphore, #tpu.memory_space<semaphore_mem>>)
    %dma_start3A_49 = arith.constant 2 : i32
    %dma_start3A_50 = arith.constant 0 : i32
    %dma_start3A_51 = arith.constant 0 : i32
    %dma_start3A_52 = tpu.memref_slice %arg9[%dma_start3A_49, %dma_start3A_50, %dma_start3A_51] : memref<7x64x128xf32, #tpu.memory_space<vmem>> -> memref<1x64x128xf32, #tpu.memory_space<vmem>>
    %dma_start3A_53 = tpu.memref_squeeze %dma_start3A_52 : memref<1x64x128xf32, #tpu.memory_space<vmem>> -> memref<64x128xf32, #tpu.memory_space<vmem>>
    %dma_start3A_54 = arith.constant 128 : i32
    %dma_start3A_55 = tpu.memref_slice %arg7[%dma_start3A_54] : memref<512xi32, #tpu.memory_space<vmem>> -> memref<64xi32, #tpu.memory_space<vmem>>
    %dma_start3A_56 = arith.constant 0 : i32
    %dma_start3A_57 = arith.constant 0 : i32
    %dma_start3A_58 = tpu.memref_slice %arg2[%dma_start3A_56, %dma_start3A_57] : memref<100000x128xf32, #tpu.memory_space<hbm>> -> memref<100000x128xf32, #tpu.memory_space<hbm>>
    tpu.enqueue_indirect_dma source(%dma_start3A_58 : memref<100000x128xf32, #tpu.memory_space<hbm>>) target(%dma_start3A_53 : memref<64x128xf32, #tpu.memory_space<vmem>>) offsets(%dma_start3A_55 : memref<64xi32, #tpu.memory_space<vmem>>) semaphore(%arg13 : memref<!tpu.dma_semaphore, #tpu.memory_space<semaphore_mem>>)
    %dma_start3A_59 = arith.constant 2 : i32
    %dma_start3A_60 = arith.constant 0 : i32
    %dma_start3A_61 = arith.constant 0 : i32
    %dma_start3A_62 = tpu.memref_slice %arg10[%dma_start3A_59, %dma_start3A_60, %dma_start3A_61] : memref<7x64x128xf32, #tpu.memory_space<vmem>> -> memref<1x64x128xf32, #tpu.memory_space<vmem>>
    %dma_start3A_63 = tpu.memref_squeeze %dma_start3A_62 : memref<1x64x128xf32, #tpu.memory_space<vmem>> -> memref<64x128xf32, #tpu.memory_space<vmem>>
    %dma_start3A_64 = arith.constant 128 : i32
    %dma_start3A_65 = tpu.memref_slice %arg8[%dma_start3A_64] : memref<512xi32, #tpu.memory_space<vmem>> -> memref<64xi32, #tpu.memory_space<vmem>>
    %dma_start3A_66 = arith.constant 0 : i32
    %dma_start3A_67 = arith.constant 0 : i32
    %dma_start3A_68 = tpu.memref_slice %arg3[%dma_start3A_66, %dma_start3A_67] : memref<100000x128xf32, #tpu.memory_space<hbm>> -> memref<100000x128xf32, #tpu.memory_space<hbm>>
    tpu.enqueue_indirect_dma source(%dma_start3A_68 : memref<100000x128xf32, #tpu.memory_space<hbm>>) target(%dma_start3A_63 : memref<64x128xf32, #tpu.memory_space<vmem>>) offsets(%dma_start3A_65 : memref<64xi32, #tpu.memory_space<vmem>>) semaphore(%arg13 : memref<!tpu.dma_semaphore, #tpu.memory_space<semaphore_mem>>)
    %dma_start3A_69 = arith.constant 3 : i32
    %dma_start3A_70 = arith.constant 0 : i32
    %dma_start3A_71 = arith.constant 0 : i32
    %dma_start3A_72 = tpu.memref_slice %arg9[%dma_start3A_69, %dma_start3A_70, %dma_start3A_71] : memref<7x64x128xf32, #tpu.memory_space<vmem>> -> memref<1x64x128xf32, #tpu.memory_space<vmem>>
    %dma_start3A_73 = tpu.memref_squeeze %dma_start3A_72 : memref<1x64x128xf32, #tpu.memory_space<vmem>> -> memref<64x128xf32, #tpu.memory_space<vmem>>
    %dma_start3A_74 = arith.constant 192 : i32
    %dma_start3A_75 = tpu.memref_slice %arg7[%dma_start3A_74] : memref<512xi32, #tpu.memory_space<vmem>> -> memref<64xi32, #tpu.memory_space<vmem>>
    %dma_start3A_76 = arith.constant 0 : i32
    %dma_start3A_77 = arith.constant 0 : i32
    %dma_start3A_78 = tpu.memref_slice %arg2[%dma_start3A_76, %dma_start3A_77] : memref<100000x128xf32, #tpu.memory_space<hbm>> -> memref<100000x128xf32, #tpu.memory_space<hbm>>
    tpu.enqueue_indirect_dma source(%dma_start3A_78 : memref<100000x128xf32, #tpu.memory_space<hbm>>) target(%dma_start3A_73 : memref<64x128xf32, #tpu.memory_space<vmem>>) offsets(%dma_start3A_75 : memref<64xi32, #tpu.memory_space<vmem>>) semaphore(%arg14 : memref<!tpu.dma_semaphore, #tpu.memory_space<semaphore_mem>>)
    %dma_start3A_79 = arith.constant 3 : i32
    %dma_start3A_80 = arith.constant 0 : i32
    %dma_start3A_81 = arith.constant 0 : i32
    %dma_start3A_82 = tpu.memref_slice %arg10[%dma_start3A_79, %dma_start3A_80, %dma_start3A_81] : memref<7x64x128xf32, #tpu.memory_space<vmem>> -> memref<1x64x128xf32, #tpu.memory_space<vmem>>
    %dma_start3A_83 = tpu.memref_squeeze %dma_start3A_82 : memref<1x64x128xf32, #tpu.memory_space<vmem>> -> memref<64x128xf32, #tpu.memory_space<vmem>>
    %dma_start3A_84 = arith.constant 192 : i32
    %dma_start3A_85 = tpu.memref_slice %arg8[%dma_start3A_84] : memref<512xi32, #tpu.memory_space<vmem>> -> memref<64xi32, #tpu.memory_space<vmem>>
    %dma_start3A_86 = arith.constant 0 : i32
    %dma_start3A_87 = arith.constant 0 : i32
    %dma_start3A_88 = tpu.memref_slice %arg3[%dma_start3A_86, %dma_start3A_87] : memref<100000x128xf32, #tpu.memory_space<hbm>> -> memref<100000x128xf32, #tpu.memory_space<hbm>>
    tpu.enqueue_indirect_dma source(%dma_start3A_88 : memref<100000x128xf32, #tpu.memory_space<hbm>>) target(%dma_start3A_83 : memref<64x128xf32, #tpu.memory_space<vmem>>) offsets(%dma_start3A_85 : memref<64xi32, #tpu.memory_space<vmem>>) semaphore(%arg14 : memref<!tpu.dma_semaphore, #tpu.memory_space<semaphore_mem>>)
    %dma_start3A_89 = arith.constant 4 : i32
    %dma_start3A_90 = arith.constant 0 : i32
    %dma_start3A_91 = arith.constant 0 : i32
    %dma_start3A_92 = tpu.memref_slice %arg9[%dma_start3A_89, %dma_start3A_90, %dma_start3A_91] : memref<7x64x128xf32, #tpu.memory_space<vmem>> -> memref<1x64x128xf32, #tpu.memory_space<vmem>>
    %dma_start3A_93 = tpu.memref_squeeze %dma_start3A_92 : memref<1x64x128xf32, #tpu.memory_space<vmem>> -> memref<64x128xf32, #tpu.memory_space<vmem>>
    %dma_start3A_94 = arith.constant 256 : i32
    %dma_start3A_95 = tpu.memref_slice %arg7[%dma_start3A_94] : memref<512xi32, #tpu.memory_space<vmem>> -> memref<64xi32, #tpu.memory_space<vmem>>
    %dma_start3A_96 = arith.constant 0 : i32
    %dma_start3A_97 = arith.constant 0 : i32
    %dma_start3A_98 = tpu.memref_slice %arg2[%dma_start3A_96, %dma_start3A_97] : memref<100000x128xf32, #tpu.memory_space<hbm>> -> memref<100000x128xf32, #tpu.memory_space<hbm>>
    tpu.enqueue_indirect_dma source(%dma_start3A_98 : memref<100000x128xf32, #tpu.memory_space<hbm>>) target(%dma_start3A_93 : memref<64x128xf32, #tpu.memory_space<vmem>>) offsets(%dma_start3A_95 : memref<64xi32, #tpu.memory_space<vmem>>) semaphore(%arg15 : memref<!tpu.dma_semaphore, #tpu.memory_space<semaphore_mem>>)
    %dma_start3A_99 = arith.constant 4 : i32
    %dma_start3A_100 = arith.constant 0 : i32
    %dma_start3A_101 = arith.constant 0 : i32
    %dma_start3A_102 = tpu.memref_slice %arg10[%dma_start3A_99, %dma_start3A_100, %dma_start3A_101] : memref<7x64x128xf32, #tpu.memory_space<vmem>> -> memref<1x64x128xf32, #tpu.memory_space<vmem>>
    %dma_start3A_103 = tpu.memref_squeeze %dma_start3A_102 : memref<1x64x128xf32, #tpu.memory_space<vmem>> -> memref<64x128xf32, #tpu.memory_space<vmem>>
    %dma_start3A_104 = arith.constant 256 : i32
    %dma_start3A_105 = tpu.memref_slice %arg8[%dma_start3A_104] : memref<512xi32, #tpu.memory_space<vmem>> -> memref<64xi32, #tpu.memory_space<vmem>>
    %dma_start3A_106 = arith.constant 0 : i32
    %dma_start3A_107 = arith.constant 0 : i32
    %dma_start3A_108 = tpu.memref_slice %arg3[%dma_start3A_106, %dma_start3A_107] : memref<100000x128xf32, #tpu.memory_space<hbm>> -> memref<100000x128xf32, #tpu.memory_space<hbm>>
    tpu.enqueue_indirect_dma source(%dma_start3A_108 : memref<100000x128xf32, #tpu.memory_space<hbm>>) target(%dma_start3A_103 : memref<64x128xf32, #tpu.memory_space<vmem>>) offsets(%dma_start3A_105 : memref<64xi32, #tpu.memory_space<vmem>>) semaphore(%arg15 : memref<!tpu.dma_semaphore, #tpu.memory_space<semaphore_mem>>)
    %dma_start3A_109 = arith.constant 5 : i32
    %dma_start3A_110 = arith.constant 0 : i32
    %dma_start3A_111 = arith.constant 0 : i32
    %dma_start3A_112 = tpu.memref_slice %arg9[%dma_start3A_109, %dma_start3A_110, %dma_start3A_111] : memref<7x64x128xf32, #tpu.memory_space<vmem>> -> memref<1x64x128xf32, #tpu.memory_space<vmem>>
    %dma_start3A_113 = tpu.memref_squeeze %dma_start3A_112 : memref<1x64x128xf32, #tpu.memory_space<vmem>> -> memref<64x128xf32, #tpu.memory_space<vmem>>
    %dma_start3A_114 = arith.constant 320 : i32
    %dma_start3A_115 = tpu.memref_slice %arg7[%dma_start3A_114] : memref<512xi32, #tpu.memory_space<vmem>> -> memref<64xi32, #tpu.memory_space<vmem>>
    %dma_start3A_116 = arith.constant 0 : i32
    %dma_start3A_117 = arith.constant 0 : i32
    %dma_start3A_118 = tpu.memref_slice %arg2[%dma_start3A_116, %dma_start3A_117] : memref<100000x128xf32, #tpu.memory_space<hbm>> -> memref<100000x128xf32, #tpu.memory_space<hbm>>
    tpu.enqueue_indirect_dma source(%dma_start3A_118 : memref<100000x128xf32, #tpu.memory_space<hbm>>) target(%dma_start3A_113 : memref<64x128xf32, #tpu.memory_space<vmem>>) offsets(%dma_start3A_115 : memref<64xi32, #tpu.memory_space<vmem>>) semaphore(%arg16 : memref<!tpu.dma_semaphore, #tpu.memory_space<semaphore_mem>>)
    %dma_start3A_119 = arith.constant 5 : i32
    %dma_start3A_120 = arith.constant 0 : i32
    %dma_start3A_121 = arith.constant 0 : i32
    %dma_start3A_122 = tpu.memref_slice %arg10[%dma_start3A_119, %dma_start3A_120, %dma_start3A_121] : memref<7x64x128xf32, #tpu.memory_space<vmem>> -> memref<1x64x128xf32, #tpu.memory_space<vmem>>
    %dma_start3A_123 = tpu.memref_squeeze %dma_start3A_122 : memref<1x64x128xf32, #tpu.memory_space<vmem>> -> memref<64x128xf32, #tpu.memory_space<vmem>>
    %dma_start3A_124 = arith.constant 320 : i32
    %dma_start3A_125 = tpu.memref_slice %arg8[%dma_start3A_124] : memref<512xi32, #tpu.memory_space<vmem>> -> memref<64xi32, #tpu.memory_space<vmem>>
    %dma_start3A_126 = arith.constant 0 : i32
    %dma_start3A_127 = arith.constant 0 : i32
    %dma_start3A_128 = tpu.memref_slice %arg3[%dma_start3A_126, %dma_start3A_127] : memref<100000x128xf32, #tpu.memory_space<hbm>> -> memref<100000x128xf32, #tpu.memory_space<hbm>>
    tpu.enqueue_indirect_dma source(%dma_start3A_128 : memref<100000x128xf32, #tpu.memory_space<hbm>>) target(%dma_start3A_123 : memref<64x128xf32, #tpu.memory_space<vmem>>) offsets(%dma_start3A_125 : memref<64xi32, #tpu.memory_space<vmem>>) semaphore(%arg16 : memref<!tpu.dma_semaphore, #tpu.memory_space<semaphore_mem>>)
    %dma_start3A_129 = arith.constant 6 : i32
    %dma_start3A_130 = arith.constant 0 : i32
    %dma_start3A_131 = arith.constant 0 : i32
    %dma_start3A_132 = tpu.memref_slice %arg9[%dma_start3A_129, %dma_start3A_130, %dma_start3A_131] : memref<7x64x128xf32, #tpu.memory_space<vmem>> -> memref<1x64x128xf32, #tpu.memory_space<vmem>>
    %dma_start3A_133 = tpu.memref_squeeze %dma_start3A_132 : memref<1x64x128xf32, #tpu.memory_space<vmem>> -> memref<64x128xf32, #tpu.memory_space<vmem>>
    %dma_start3A_134 = arith.constant 384 : i32
    %dma_start3A_135 = tpu.memref_slice %arg7[%dma_start3A_134] : memref<512xi32, #tpu.memory_space<vmem>> -> memref<64xi32, #tpu.memory_space<vmem>>
    %dma_start3A_136 = arith.constant 0 : i32
    %dma_start3A_137 = arith.constant 0 : i32
    %dma_start3A_138 = tpu.memref_slice %arg2[%dma_start3A_136, %dma_start3A_137] : memref<100000x128xf32, #tpu.memory_space<hbm>> -> memref<100000x128xf32, #tpu.memory_space<hbm>>
    tpu.enqueue_indirect_dma source(%dma_start3A_138 : memref<100000x128xf32, #tpu.memory_space<hbm>>) target(%dma_start3A_133 : memref<64x128xf32, #tpu.memory_space<vmem>>) offsets(%dma_start3A_135 : memref<64xi32, #tpu.memory_space<vmem>>) semaphore(%arg17 : memref<!tpu.dma_semaphore, #tpu.memory_space<semaphore_mem>>)
    %dma_start3A_139 = arith.constant 6 : i32
    %dma_start3A_140 = arith.constant 0 : i32
    %dma_start3A_141 = arith.constant 0 : i32
    %dma_start3A_142 = tpu.memref_slice %arg10[%dma_start3A_139, %dma_start3A_140, %dma_start3A_141] : memref<7x64x128xf32, #tpu.memory_space<vmem>> -> memref<1x64x128xf32, #tpu.memory_space<vmem>>
    %dma_start3A_143 = tpu.memref_squeeze %dma_start3A_142 : memref<1x64x128xf32, #tpu.memory_space<vmem>> -> memref<64x128xf32, #tpu.memory_space<vmem>>
    %dma_start3A_144 = arith.constant 384 : i32
    %dma_start3A_145 = tpu.memref_slice %arg8[%dma_start3A_144] : memref<512xi32, #tpu.memory_space<vmem>> -> memref<64xi32, #tpu.memory_space<vmem>>
    %dma_start3A_146 = arith.constant 0 : i32
    %dma_start3A_147 = arith.constant 0 : i32
    %dma_start3A_148 = tpu.memref_slice %arg3[%dma_start3A_146, %dma_start3A_147] : memref<100000x128xf32, #tpu.memory_space<hbm>> -> memref<100000x128xf32, #tpu.memory_space<hbm>>
    tpu.enqueue_indirect_dma source(%dma_start3A_148 : memref<100000x128xf32, #tpu.memory_space<hbm>>) target(%dma_start3A_143 : memref<64x128xf32, #tpu.memory_space<vmem>>) offsets(%dma_start3A_145 : memref<64xi32, #tpu.memory_space<vmem>>) semaphore(%arg17 : memref<!tpu.dma_semaphore, #tpu.memory_space<semaphore_mem>>)
    %dma_wait3A_149 = arith.constant 0 : i32
    %dma_wait3A_150 = arith.constant 0 : i32
    %dma_wait3A_151 = arith.constant 0 : i32
    %dma_wait3A_152 = tpu.memref_slice %arg9[%dma_wait3A_149, %dma_wait3A_150, %dma_wait3A_151] : memref<7x64x128xf32, #tpu.memory_space<vmem>> -> memref<1x64x128xf32, #tpu.memory_space<vmem>>
    %dma_wait3A_153 = tpu.memref_squeeze %dma_wait3A_152 : memref<1x64x128xf32, #tpu.memory_space<vmem>> -> memref<64x128xf32, #tpu.memory_space<vmem>>
    %dma_wait3A_154 = arith.constant 0 : i32
    %dma_wait3A_155 = tpu.memref_slice %arg7[%dma_wait3A_154] : memref<512xi32, #tpu.memory_space<vmem>> -> memref<64xi32, #tpu.memory_space<vmem>>
    %dma_wait3A_156 = arith.constant 0 : i32
    %dma_wait3A_157 = arith.constant 0 : i32
    %dma_wait3A_158 = tpu.memref_slice %arg2[%dma_wait3A_156, %dma_wait3A_157] : memref<100000x128xf32, #tpu.memory_space<hbm>> -> memref<100000x128xf32, #tpu.memory_space<hbm>>
    tpu.wait_indirect_dma semaphore(%arg11 : memref<!tpu.dma_semaphore, #tpu.memory_space<semaphore_mem>>) src(%dma_wait3A_158 : memref<100000x128xf32, #tpu.memory_space<hbm>>) dst(%dma_wait3A_153 : memref<64x128xf32, #tpu.memory_space<vmem>>)
    %dma_wait3A_159 = arith.constant 0 : i32
    %dma_wait3A_160 = arith.constant 0 : i32
    %dma_wait3A_161 = arith.constant 0 : i32
    %dma_wait3A_162 = tpu.memref_slice %arg10[%dma_wait3A_159, %dma_wait3A_160, %dma_wait3A_161] : memref<7x64x128xf32, #tpu.memory_space<vmem>> -> memref<1x64x128xf32, #tpu.memory_space<vmem>>
    %dma_wait3A_163 = tpu.memref_squeeze %dma_wait3A_162 : memref<1x64x128xf32, #tpu.memory_space<vmem>> -> memref<64x128xf32, #tpu.memory_space<vmem>>
    %dma_wait3A_164 = arith.constant 0 : i32
    %dma_wait3A_165 = tpu.memref_slice %arg8[%dma_wait3A_164] : memref<512xi32, #tpu.memory_space<vmem>> -> memref<64xi32, #tpu.memory_space<vmem>>
    %dma_wait3A_166 = arith.constant 0 : i32
    %dma_wait3A_167 = arith.constant 0 : i32
    %dma_wait3A_168 = tpu.memref_slice %arg3[%dma_wait3A_166, %dma_wait3A_167] : memref<100000x128xf32, #tpu.memory_space<hbm>> -> memref<100000x128xf32, #tpu.memory_space<hbm>>
    tpu.wait_indirect_dma semaphore(%arg11 : memref<!tpu.dma_semaphore, #tpu.memory_space<semaphore_mem>>) src(%dma_wait3A_168 : memref<100000x128xf32, #tpu.memory_space<hbm>>) dst(%dma_wait3A_163 : memref<64x128xf32, #tpu.memory_space<vmem>>)
    %scan3A = arith.constant 0 : i32
    %scan3A_169 = arith.constant 0 : i32
    %scan3A_170 = arith.constant 64 : i32
    %scan3A_171 = arith.addi %scan3A_169, %scan3A_170 : i32
    %scan3A_172 = arith.constant 1 : i32
    scf.for %scan3A_600 = %scan3A_169 to %scan3A_171 step %scan3A_172  : i32 {
      %get3A = arith.constant 0 : i32
      %get3A_601 = arith.index_cast %get3A : i32 to index
      %get3A_602 = arith.index_cast %scan3A_600 : i32 to index
      %get3A_603 = arith.constant 0 : index
      %get3A_604 = tpu.vector_load %arg9[%get3A_601, %get3A_602, %get3A_603] {strides = array<i32>} : memref<7x64x128xf32, #tpu.memory_space<vmem>>, vector<1x1x16xf32>,
      %get3A_605 = vector.shape_cast %get3A_604 : vector<1x1x16xf32> to vector<16xf32>
      %get3A_606 = arith.constant 0 : i32
      %get3A_607 = arith.index_cast %get3A_606 : i32 to index
      %get3A_608 = arith.index_cast %scan3A_600 : i32 to index
      %get3A_609 = arith.constant 0 : index
      %get3A_610 = tpu.vector_load %arg10[%get3A_607, %get3A_608, %get3A_609] {strides = array<i32>} : memref<7x64x128xf32, #tpu.memory_space<vmem>>, vector<1x1x16xf32>,
      %get3A_611 = vector.shape_cast %get3A_610 : vector<1x1x16xf32> to vector<16xf32>
      %mul3A_612 = arith.mulf %get3A_605, %get3A_611 : vector<16xf32>
      %swap3A = arith.constant 0 : i32
      %swap3A_613 = arith.index_cast %swap3A : i32 to index
      %swap3A_614 = arith.index_cast %scan3A_600 : i32 to index
      %swap3A_615 = arith.constant 0 : index
      %swap3A_616 = tpu.vector_load %arg9[%swap3A_613, %swap3A_614, %swap3A_615] {strides = array<i32>} : memref<7x64x128xf32, #tpu.memory_space<vmem>>, vector<1x1x16xf32>,
      %swap3A_617 = vector.shape_cast %swap3A_616 : vector<1x1x16xf32> to vector<16xf32>
      %swap3A_618 = vector.shape_cast %mul3A_612 : vector<16xf32> to vector<1x1x16xf32>
      tpu.vector_store %arg9[%swap3A_613, %swap3A_614, %swap3A_615], %swap3A_618 {strides = array<i32>} : memref<7x64x128xf32, #tpu.memory_space<vmem>>, vector<1x1x16xf32>,
      %get3A_619 = arith.constant 0 : i32
      %get3A_620 = arith.index_cast %get3A_619 : i32 to index
      %get3A_621 = arith.index_cast %scan3A_600 : i32 to index
      %get3A_622 = arith.constant 16 : index
      %get3A_623 = tpu.vector_load %arg9[%get3A_620, %get3A_621, %get3A_622] {strides = array<i32>} : memref<7x64x128xf32, #tpu.memory_space<vmem>>, vector<1x1x16xf32>,
      %get3A_624 = vector.shape_cast %get3A_623 : vector<1x1x16xf32> to vector<16xf32>
      %get3A_625 = arith.constant 0 : i32
      %get3A_626 = arith.index_cast %get3A_625 : i32 to index
      %get3A_627 = arith.index_cast %scan3A_600 : i32 to index
      %get3A_628 = arith.constant 16 : index
      %get3A_629 = tpu.vector_load %arg10[%get3A_626, %get3A_627, %get3A_628] {strides = array<i32>} : memref<7x64x128xf32, #tpu.memory_space<vmem>>, vector<1x1x16xf32>,
      %get3A_630 = vector.shape_cast %get3A_629 : vector<1x1x16xf32> to vector<16xf32>
      %mul3A_631 = arith.mulf %get3A_624, %get3A_630 : vector<16xf32>
      %swap3A_632 = arith.constant 0 : i32
      %swap3A_633 = arith.index_cast %swap3A_632 : i32 to index
      %swap3A_634 = arith.index_cast %scan3A_600 : i32 to index
      %swap3A_635 = arith.constant 16 : index
      %swap3A_636 = tpu.vector_load %arg9[%swap3A_633, %swap3A_634, %swap3A_635] {strides = array<i32>} : memref<7x64x128xf32, #tpu.memory_space<vmem>>, vector<1x1x16xf32>,
      %swap3A_637 = vector.shape_cast %swap3A_636 : vector<1x1x16xf32> to vector<16xf32>
      %swap3A_638 = vector.shape_cast %mul3A_631 : vector<16xf32> to vector<1x1x16xf32>
      tpu.vector_store %arg9[%swap3A_633, %swap3A_634, %swap3A_635], %swap3A_638 {strides = array<i32>} : memref<7x64x128xf32, #tpu.memory_space<vmem>>, vector<1x1x16xf32>,
      %get3A_639 = arith.constant 0 : i32
      %get3A_640 = arith.index_cast %get3A_639 : i32 to index
      %get3A_641 = arith.index_cast %scan3A_600 : i32 to index
      %get3A_642 = arith.constant 32 : index
      %get3A_643 = tpu.vector_load %arg9[%get3A_640, %get3A_641, %get3A_642] {strides = array<i32>} : memref<7x64x128xf32, #tpu.memory_space<vmem>>, vector<1x1x16xf32>,
      %get3A_644 = vector.shape_cast %get3A_643 : vector<1x1x16xf32> to vector<16xf32>
      %get3A_645 = arith.constant 0 : i32
      %get3A_646 = arith.index_cast %get3A_645 : i32 to index
      %get3A_647 = arith.index_cast %scan3A_600 : i32 to index
      %get3A_648 = arith.constant 32 : index
      %get3A_649 = tpu.vector_load %arg10[%get3A_646, %get3A_647, %get3A_648] {strides = array<i32>} : memref<7x64x128xf32, #tpu.memory_space<vmem>>, vector<1x1x16xf32>,
      %get3A_650 = vector.shape_cast %get3A_649 : vector<1x1x16xf32> to vector<16xf32>
      %mul3A_651 = arith.mulf %get3A_644, %get3A_650 : vector<16xf32>
      %swap3A_652 = arith.constant 0 : i32
      %swap3A_653 = arith.index_cast %swap3A_652 : i32 to index
      %swap3A_654 = arith.index_cast %scan3A_600 : i32 to index
      %swap3A_655 = arith.constant 32 : index
      %swap3A_656 = tpu.vector_load %arg9[%swap3A_653, %swap3A_654, %swap3A_655] {strides = array<i32>} : memref<7x64x128xf32, #tpu.memory_space<vmem>>, vector<1x1x16xf32>,
      %swap3A_657 = vector.shape_cast %swap3A_656 : vector<1x1x16xf32> to vector<16xf32>
      %swap3A_658 = vector.shape_cast %mul3A_651 : vector<16xf32> to vector<1x1x16xf32>
      tpu.vector_store %arg9[%swap3A_653, %swap3A_654, %swap3A_655], %swap3A_658 {strides = array<i32>} : memref<7x64x128xf32, #tpu.memory_space<vmem>>, vector<1x1x16xf32>,
      %get3A_659 = arith.constant 0 : i32
      %get3A_660 = arith.index_cast %get3A_659 : i32 to index
      %get3A_661 = arith.index_cast %scan3A_600 : i32 to index
      %get3A_662 = arith.constant 48 : index
      %get3A_663 = tpu.vector_load %arg9[%get3A_660, %get3A_661, %get3A_662] {strides = array<i32>} : memref<7x64x128xf32, #tpu.memory_space<vmem>>, vector<1x1x16xf32>,
      %get3A_664 = vector.shape_cast %get3A_663 : vector<1x1x16xf32> to vector<16xf32>
      %get3A_665 = arith.constant 0 : i32
      %get3A_666 = arith.index_cast %get3A_665 : i32 to index
      %get3A_667 = arith.index_cast %scan3A_600 : i32 to index
      %get3A_668 = arith.constant 48 : index
      %get3A_669 = tpu.vector_load %arg10[%get3A_666, %get3A_667, %get3A_668] {strides = array<i32>} : memref<7x64x128xf32, #tpu.memory_space<vmem>>, vector<1x1x16xf32>,
      %get3A_670 = vector.shape_cast %get3A_669 : vector<1x1x16xf32> to vector<16xf32>
      %mul3A_671 = arith.mulf %get3A_664, %get3A_670 : vector<16xf32>
      %swap3A_672 = arith.constant 0 : i32
      %swap3A_673 = arith.index_cast %swap3A_672 : i32 to index
      %swap3A_674 = arith.index_cast %scan3A_600 : i32 to index
      %swap3A_675 = arith.constant 48 : index
      %swap3A_676 = tpu.vector_load %arg9[%swap3A_673, %swap3A_674, %swap3A_675] {strides = array<i32>} : memref<7x64x128xf32, #tpu.memory_space<vmem>>, vector<1x1x16xf32>,
      %swap3A_677 = vector.shape_cast %swap3A_676 : vector<1x1x16xf32> to vector<16xf32>
      %swap3A_678 = vector.shape_cast %mul3A_671 : vector<16xf32> to vector<1x1x16xf32>
      tpu.vector_store %arg9[%swap3A_673, %swap3A_674, %swap3A_675], %swap3A_678 {strides = array<i32>} : memref<7x64x128xf32, #tpu.memory_space<vmem>>, vector<1x1x16xf32>,
      %get3A_679 = arith.constant 0 : i32
      %get3A_680 = arith.index_cast %get3A_679 : i32 to index
      %get3A_681 = arith.index_cast %scan3A_600 : i32 to index
      %get3A_682 = arith.constant 64 : index
      %get3A_683 = tpu.vector_load %arg9[%get3A_680, %get3A_681, %get3A_682] {strides = array<i32>} : memref<7x64x128xf32, #tpu.memory_space<vmem>>, vector<1x1x16xf32>,
      %get3A_684 = vector.shape_cast %get3A_683 : vector<1x1x16xf32> to vector<16xf32>
      %get3A_685 = arith.constant 0 : i32
      %get3A_686 = arith.index_cast %get3A_685 : i32 to index
      %get3A_687 = arith.index_cast %scan3A_600 : i32 to index
      %get3A_688 = arith.constant 64 : index
      %get3A_689 = tpu.vector_load %arg10[%get3A_686, %get3A_687, %get3A_688] {strides = array<i32>} : memref<7x64x128xf32, #tpu.memory_space<vmem>>, vector<1x1x16xf32>,
      %get3A_690 = vector.shape_cast %get3A_689 : vector<1x1x16xf32> to vector<16xf32>
      %mul3A_691 = arith.mulf %get3A_684, %get3A_690 : vector<16xf32>
      %swap3A_692 = arith.constant 0 : i32
      %swap3A_693 = arith.index_cast %swap3A_692 : i32 to index
      %swap3A_694 = arith.index_cast %scan3A_600 : i32 to index
      %swap3A_695 = arith.constant 64 : index
      %swap3A_696 = tpu.vector_load %arg9[%swap3A_693, %swap3A_694, %swap3A_695] {strides = array<i32>} : memref<7x64x128xf32, #tpu.memory_space<vmem>>, vector<1x1x16xf32>,
      %swap3A_697 = vector.shape_cast %swap3A_696 : vector<1x1x16xf32> to vector<16xf32>
      %swap3A_698 = vector.shape_cast %mul3A_691 : vector<16xf32> to vector<1x1x16xf32>
      tpu.vector_store %arg9[%swap3A_693, %swap3A_694, %swap3A_695], %swap3A_698 {strides = array<i32>} : memref<7x64x128xf32, #tpu.memory_space<vmem>>, vector<1x1x16xf32>,
      %get3A_699 = arith.constant 0 : i32
      %get3A_700 = arith.index_cast %get3A_699 : i32 to index
      %get3A_701 = arith.index_cast %scan3A_600 : i32 to index
      %get3A_702 = arith.constant 80 : index
      %get3A_703 = tpu.vector_load %arg9[%get3A_700, %get3A_701, %get3A_702] {strides = array<i32>} : memref<7x64x128xf32, #tpu.memory_space<vmem>>, vector<1x1x16xf32>,
      %get3A_704 = vector.shape_cast %get3A_703 : vector<1x1x16xf32> to vector<16xf32>
      %get3A_705 = arith.constant 0 : i32
      %get3A_706 = arith.index_cast %get3A_705 : i32 to index
      %get3A_707 = arith.index_cast %scan3A_600 : i32 to index
      %get3A_708 = arith.constant 80 : index
      %get3A_709 = tpu.vector_load %arg10[%get3A_706, %get3A_707, %get3A_708] {strides = array<i32>} : memref<7x64x128xf32, #tpu.memory_space<vmem>>, vector<1x1x16xf32>,
      %get3A_710 = vector.shape_cast %get3A_709 : vector<1x1x16xf32> to vector<16xf32>
      %mul3A_711 = arith.mulf %get3A_704, %get3A_710 : vector<16xf32>
      %swap3A_712 = arith.constant 0 : i32
      %swap3A_713 = arith.index_cast %swap3A_712 : i32 to index
      %swap3A_714 = arith.index_cast %scan3A_600 : i32 to index
      %swap3A_715 = arith.constant 80 : index
      %swap3A_716 = tpu.vector_load %arg9[%swap3A_713, %swap3A_714, %swap3A_715] {strides = array<i32>} : memref<7x64x128xf32, #tpu.memory_space<vmem>>, vector<1x1x16xf32>,
      %swap3A_717 = vector.shape_cast %swap3A_716 : vector<1x1x16xf32> to vector<16xf32>
      %swap3A_718 = vector.shape_cast %mul3A_711 : vector<16xf32> to vector<1x1x16xf32>
      tpu.vector_store %arg9[%swap3A_713, %swap3A_714, %swap3A_715], %swap3A_718 {strides = array<i32>} : memref<7x64x128xf32, #tpu.memory_space<vmem>>, vector<1x1x16xf32>,
      %get3A_719 = arith.constant 0 : i32
      %get3A_720 = arith.index_cast %get3A_719 : i32 to index
      %get3A_721 = arith.index_cast %scan3A_600 : i32 to index
      %get3A_722 = arith.constant 96 : index
      %get3A_723 = tpu.vector_load %arg9[%get3A_720, %get3A_721, %get3A_722] {strides = array<i32>} : memref<7x64x128xf32, #tpu.memory_space<vmem>>, vector<1x1x16xf32>,
      %get3A_724 = vector.shape_cast %get3A_723 : vector<1x1x16xf32> to vector<16xf32>
      %get3A_725 = arith.constant 0 : i32
      %get3A_726 = arith.index_cast %get3A_725 : i32 to index
      %get3A_727 = arith.index_cast %scan3A_600 : i32 to index
      %get3A_728 = arith.constant 96 : index
      %get3A_729 = tpu.vector_load %arg10[%get3A_726, %get3A_727, %get3A_728] {strides = array<i32>} : memref<7x64x128xf32, #tpu.memory_space<vmem>>, vector<1x1x16xf32>,
      %get3A_730 = vector.shape_cast %get3A_729 : vector<1x1x16xf32> to vector<16xf32>
      %mul3A_731 = arith.mulf %get3A_724, %get3A_730 : vector<16xf32>
      %swap3A_732 = arith.constant 0 : i32
      %swap3A_733 = arith.index_cast %swap3A_732 : i32 to index
      %swap3A_734 = arith.index_cast %scan3A_600 : i32 to index
      %swap3A_735 = arith.constant 96 : index
      %swap3A_736 = tpu.vector_load %arg9[%swap3A_733, %swap3A_734, %swap3A_735] {strides = array<i32>} : memref<7x64x128xf32, #tpu.memory_space<vmem>>, vector<1x1x16xf32>,
      %swap3A_737 = vector.shape_cast %swap3A_736 : vector<1x1x16xf32> to vector<16xf32>
      %swap3A_738 = vector.shape_cast %mul3A_731 : vector<16xf32> to vector<1x1x16xf32>
      tpu.vector_store %arg9[%swap3A_733, %swap3A_734, %swap3A_735], %swap3A_738 {strides = array<i32>} : memref<7x64x128xf32, #tpu.memory_space<vmem>>, vector<1x1x16xf32>,
      %get3A_739 = arith.constant 0 : i32
      %get3A_740 = arith.index_cast %get3A_739 : i32 to index
      %get3A_741 = arith.index_cast %scan3A_600 : i32 to index
      %get3A_742 = arith.constant 112 : index
      %get3A_743 = tpu.vector_load %arg9[%get3A_740, %get3A_741, %get3A_742] {strides = array<i32>} : memref<7x64x128xf32, #tpu.memory_space<vmem>>, vector<1x1x16xf32>,
      %get3A_744 = vector.shape_cast %get3A_743 : vector<1x1x16xf32> to vector<16xf32>
      %get3A_745 = arith.constant 0 : i32
      %get3A_746 = arith.index_cast %get3A_745 : i32 to index
      %get3A_747 = arith.index_cast %scan3A_600 : i32 to index
      %get3A_748 = arith.constant 112 : index
      %get3A_749 = tpu.vector_load %arg10[%get3A_746, %get3A_747, %get3A_748] {strides = array<i32>} : memref<7x64x128xf32, #tpu.memory_space<vmem>>, vector<1x1x16xf32>,
      %get3A_750 = vector.shape_cast %get3A_749 : vector<1x1x16xf32> to vector<16xf32>
      %mul3A_751 = arith.mulf %get3A_744, %get3A_750 : vector<16xf32>
      %swap3A_752 = arith.constant 0 : i32
      %swap3A_753 = arith.index_cast %swap3A_752 : i32 to index
      %swap3A_754 = arith.index_cast %scan3A_600 : i32 to index
      %swap3A_755 = arith.constant 112 : index
      %swap3A_756 = tpu.vector_load %arg9[%swap3A_753, %swap3A_754, %swap3A_755] {strides = array<i32>} : memref<7x64x128xf32, #tpu.memory_space<vmem>>, vector<1x1x16xf32>,
      %swap3A_757 = vector.shape_cast %swap3A_756 : vector<1x1x16xf32> to vector<16xf32>
      %swap3A_758 = vector.shape_cast %mul3A_751 : vector<16xf32> to vector<1x1x16xf32>
      tpu.vector_store %arg9[%swap3A_753, %swap3A_754, %swap3A_755], %swap3A_758 {strides = array<i32>} : memref<7x64x128xf32, #tpu.memory_space<vmem>>, vector<1x1x16xf32>,
    }
    %scan3A_173 = arith.constant 64 : i32
    %add3A_174 = arith.constant 0 : i32
    %add3A_175 = arith.addi %mul3A_2, %add3A_174 : i32
    %dma_start3A_176 = arith.constant 0 : i32
    %dma_start3A_177 = arith.constant 0 : i32
    %dma_start3A_178 = arith.constant 0 : i32
    %dma_start3A_179 = tpu.memref_slice %arg9[%dma_start3A_176, %dma_start3A_177, %dma_start3A_178] : memref<7x64x128xf32, #tpu.memory_space<vmem>> -> memref<1x64x128xf32, #tpu.memory_space<vmem>>
    %dma_start3A_180 = tpu.memref_squeeze %dma_start3A_179 : memref<1x64x128xf32, #tpu.memory_space<vmem>> -> memref<64x128xf32, #tpu.memory_space<vmem>>
    %dma_start3A_181 = arith.constant 0 : i32
    %dma_start3A_182 = tpu.memref_slice %arg6[%add3A_175, %dma_start3A_181] : memref<16384x128xf32, #tpu.memory_space<hbm>> -> memref<64x128xf32, #tpu.memory_space<hbm>>
    %dma_start3A_183 = arith.constant 0 : i32
    %dma_start3A_184 = tpu.memref_slice %arg6[%add3A_175, %dma_start3A_183] : memref<16384x128xf32, #tpu.memory_space<hbm>> -> memref<64x128xf32, #tpu.memory_space<hbm>>
    %dma_start3A_185 = arith.constant 0 : i32
    %dma_start3A_186 = arith.constant 0 : i32
    %dma_start3A_187 = tpu.memref_slice %arg9[%dma_start3A_176, %dma_start3A_185, %dma_start3A_186] : memref<7x64x128xf32, #tpu.memory_space<vmem>> -> memref<1x64x128xf32, #tpu.memory_space<vmem>>
    %dma_start3A_188 = tpu.memref_squeeze %dma_start3A_187 : memref<1x64x128xf32, #tpu.memory_space<vmem>> -> memref<64x128xf32, #tpu.memory_space<vmem>>
    tpu.enqueue_dma source(%dma_start3A_188 : memref<64x128xf32, #tpu.memory_space<vmem>>) target(%dma_start3A_184 : memref<64x128xf32, #tpu.memory_space<hbm>>) target_semaphore(%arg18 : memref<!tpu.dma_semaphore, #tpu.memory_space<semaphore_mem>>)
    %dma_wait3A_189 = arith.constant 0 : i32
    %dma_wait3A_190 = arith.constant 0 : i32
    %dma_wait3A_191 = arith.constant 0 : i32
    %dma_wait3A_192 = tpu.memref_slice %arg9[%dma_wait3A_189, %dma_wait3A_190, %dma_wait3A_191] : memref<7x64x128xf32, #tpu.memory_space<vmem>> -> memref<1x64x128xf32, #tpu.memory_space<vmem>>
    %dma_wait3A_193 = tpu.memref_squeeze %dma_wait3A_192 : memref<1x64x128xf32, #tpu.memory_space<vmem>> -> memref<64x128xf32, #tpu.memory_space<vmem>>
    %dma_wait3A_194 = arith.constant 0 : i32
    %dma_wait3A_195 = tpu.memref_slice %arg6[%add3A_175, %dma_wait3A_194] : memref<16384x128xf32, #tpu.memory_space<hbm>> -> memref<64x128xf32, #tpu.memory_space<hbm>>
    %dma_wait3A_196 = arith.constant 0 : i32
    %dma_wait3A_197 = tpu.memref_slice %arg6[%add3A_175, %dma_wait3A_196] : memref<16384x128xf32, #tpu.memory_space<hbm>> -> memref<64x128xf32, #tpu.memory_space<hbm>>
    %dma_wait3A_198 = arith.constant 0 : i32
    %dma_wait3A_199 = arith.constant 0 : i32
    %dma_wait3A_200 = tpu.memref_slice %arg9[%dma_wait3A_189, %dma_wait3A_198, %dma_wait3A_199] : memref<7x64x128xf32, #tpu.memory_space<vmem>> -> memref<1x64x128xf32, #tpu.memory_space<vmem>>
    %dma_wait3A_201 = tpu.memref_squeeze %dma_wait3A_200 : memref<1x64x128xf32, #tpu.memory_space<vmem>> -> memref<64x128xf32, #tpu.memory_space<vmem>>
    tpu.wait_dma2 semaphore(%arg18 : memref<!tpu.dma_semaphore, #tpu.memory_space<semaphore_mem>>) src(%dma_wait3A_201 : memref<64x128xf32, #tpu.memory_space<vmem>>) dst(%dma_wait3A_197 : memref<64x128xf32, #tpu.memory_space<hbm>>)
    %dma_start3A_202 = arith.constant 0 : i32
    %dma_start3A_203 = arith.constant 0 : i32
    %dma_start3A_204 = arith.constant 0 : i32
    %dma_start3A_205 = tpu.memref_slice %arg9[%dma_start3A_202, %dma_start3A_203, %dma_start3A_204] : memref<7x64x128xf32, #tpu.memory_space<vmem>> -> memref<1x64x128xf32, #tpu.memory_space<vmem>>
    %dma_start3A_206 = tpu.memref_squeeze %dma_start3A_205 : memref<1x64x128xf32, #tpu.memory_space<vmem>> -> memref<64x128xf32, #tpu.memory_space<vmem>>
    %dma_start3A_207 = arith.constant 448 : i32
    %dma_start3A_208 = tpu.memref_slice %arg7[%dma_start3A_207] : memref<512xi32, #tpu.memory_space<vmem>> -> memref<64xi32, #tpu.memory_space<vmem>>
    %dma_start3A_209 = arith.constant 0 : i32
    %dma_start3A_210 = arith.constant 0 : i32
    %dma_start3A_211 = tpu.memref_slice %arg2[%dma_start3A_209, %dma_start3A_210] : memref<100000x128xf32, #tpu.memory_space<hbm>> -> memref<100000x128xf32, #tpu.memory_space<hbm>>
    tpu.enqueue_indirect_dma source(%dma_start3A_211 : memref<100000x128xf32, #tpu.memory_space<hbm>>) target(%dma_start3A_206 : memref<64x128xf32, #tpu.memory_space<vmem>>) offsets(%dma_start3A_208 : memref<64xi32, #tpu.memory_space<vmem>>) semaphore(%arg11 : memref<!tpu.dma_semaphore, #tpu.memory_space<semaphore_mem>>)
    %dma_start3A_212 = arith.constant 0 : i32
    %dma_start3A_213 = arith.constant 0 : i32
    %dma_start3A_214 = arith.constant 0 : i32
    %dma_start3A_215 = tpu.memref_slice %arg10[%dma_start3A_212, %dma_start3A_213, %dma_start3A_214] : memref<7x64x128xf32, #tpu.memory_space<vmem>> -> memref<1x64x128xf32, #tpu.memory_space<vmem>>
    %dma_start3A_216 = tpu.memref_squeeze %dma_start3A_215 : memref<1x64x128xf32, #tpu.memory_space<vmem>> -> memref<64x128xf32, #tpu.memory_space<vmem>>
    %dma_start3A_217 = arith.constant 448 : i32
    %dma_start3A_218 = tpu.memref_slice %arg8[%dma_start3A_217] : memref<512xi32, #tpu.memory_space<vmem>> -> memref<64xi32, #tpu.memory_space<vmem>>
    %dma_start3A_219 = arith.constant 0 : i32
    %dma_start3A_220 = arith.constant 0 : i32
    %dma_start3A_221 = tpu.memref_slice %arg3[%dma_start3A_219, %dma_start3A_220] : memref<100000x128xf32, #tpu.memory_space<hbm>> -> memref<100000x128xf32, #tpu.memory_space<hbm>>
    tpu.enqueue_indirect_dma source(%dma_start3A_221 : memref<100000x128xf32, #tpu.memory_space<hbm>>) target(%dma_start3A_216 : memref<64x128xf32, #tpu.memory_space<vmem>>) offsets(%dma_start3A_218 : memref<64xi32, #tpu.memory_space<vmem>>) semaphore(%arg11 : memref<!tpu.dma_semaphore, #tpu.memory_space<semaphore_mem>>)
    %dma_wait3A_222 = arith.constant 1 : i32
    %dma_wait3A_223 = arith.constant 0 : i32
    %dma_wait3A_224 = arith.constant 0 : i32
    %dma_wait3A_225 = tpu.memref_slice %arg9[%dma_wait3A_222, %dma_wait3A_223, %dma_wait3A_224] : memref<7x64x128xf32, #tpu.memory_space<vmem>> -> memref<1x64x128xf32, #tpu.memory_space<vmem>>
    %dma_wait3A_226 = tpu.memref_squeeze %dma_wait3A_225 : memref<1x64x128xf32, #tpu.memory_space<vmem>> -> memref<64x128xf32, #tpu.memory_space<vmem>>
    %dma_wait3A_227 = arith.constant 64 : i32
    %dma_wait3A_228 = tpu.memref_slice %arg7[%dma_wait3A_227] : memref<512xi32, #tpu.memory_space<vmem>> -> memref<64xi32, #tpu.memory_space<vmem>>
    %dma_wait3A_229 = arith.constant 0 : i32
    %dma_wait3A_230 = arith.constant 0 : i32
    %dma_wait3A_231 = tpu.memref_slice %arg2[%dma_wait3A_229, %dma_wait3A_230] : memref<100000x128xf32, #tpu.memory_space<hbm>> -> memref<100000x128xf32, #tpu.memory_space<hbm>>
    tpu.wait_indirect_dma semaphore(%arg12 : memref<!tpu.dma_semaphore, #tpu.memory_space<semaphore_mem>>) src(%dma_wait3A_231 : memref<100000x128xf32, #tpu.memory_space<hbm>>) dst(%dma_wait3A_226 : memref<64x128xf32, #tpu.memory_space<vmem>>)
    %dma_wait3A_232 = arith.constant 1 : i32
    %dma_wait3A_233 = arith.constant 0 : i32
    %dma_wait3A_234 = arith.constant 0 : i32
    %dma_wait3A_235 = tpu.memref_slice %arg10[%dma_wait3A_232, %dma_wait3A_233, %dma_wait3A_234] : memref<7x64x128xf32, #tpu.memory_space<vmem>> -> memref<1x64x128xf32, #tpu.memory_space<vmem>>
    %dma_wait3A_236 = tpu.memref_squeeze %dma_wait3A_235 : memref<1x64x128xf32, #tpu.memory_space<vmem>> -> memref<64x128xf32, #tpu.memory_space<vmem>>
    %dma_wait3A_237 = arith.constant 64 : i32
    %dma_wait3A_238 = tpu.memref_slice %arg8[%dma_wait3A_237] : memref<512xi32, #tpu.memory_space<vmem>> -> memref<64xi32, #tpu.memory_space<vmem>>
    %dma_wait3A_239 = arith.constant 0 : i32
    %dma_wait3A_240 = arith.constant 0 : i32
    %dma_wait3A_241 = tpu.memref_slice %arg3[%dma_wait3A_239, %dma_wait3A_240] : memref<100000x128xf32, #tpu.memory_space<hbm>> -> memref<100000x128xf32, #tpu.memory_space<hbm>>
    tpu.wait_indirect_dma semaphore(%arg12 : memref<!tpu.dma_semaphore, #tpu.memory_space<semaphore_mem>>) src(%dma_wait3A_241 : memref<100000x128xf32, #tpu.memory_space<hbm>>) dst(%dma_wait3A_236 : memref<64x128xf32, #tpu.memory_space<vmem>>)
    %scan3A_242 = arith.constant 0 : i32
    %scan3A_243 = arith.constant 0 : i32
    %scan3A_244 = arith.constant 64 : i32
    %scan3A_245 = arith.addi %scan3A_243, %scan3A_244 : i32
    %scan3A_246 = arith.constant 1 : i32
    scf.for %scan3A_600 = %scan3A_243 to %scan3A_245 step %scan3A_246  : i32 {
      %get3A = arith.constant 1 : i32
      %get3A_601 = arith.index_cast %get3A : i32 to index
      %get3A_602 = arith.index_cast %scan3A_600 : i32 to index
      %get3A_603 = arith.constant 0 : index
      %get3A_604 = tpu.vector_load %arg9[%get3A_601, %get3A_602, %get3A_603] {strides = array<i32>} : memref<7x64x128xf32, #tpu.memory_space<vmem>>, vector<1x1x16xf32>,
      %get3A_605 = vector.shape_cast %get3A_604 : vector<1x1x16xf32> to vector<16xf32>
      %get3A_606 = arith.constant 1 : i32
      %get3A_607 = arith.index_cast %get3A_606 : i32 to index
      %get3A_608 = arith.index_cast %scan3A_600 : i32 to index
      %get3A_609 = arith.constant 0 : index
      %get3A_610 = tpu.vector_load %arg10[%get3A_607, %get3A_608, %get3A_609] {strides = array<i32>} : memref<7x64x128xf32, #tpu.memory_space<vmem>>, vector<1x1x16xf32>,
      %get3A_611 = vector.shape_cast %get3A_610 : vector<1x1x16xf32> to vector<16xf32>
      %mul3A_612 = arith.mulf %get3A_605, %get3A_611 : vector<16xf32>
      %swap3A = arith.constant 1 : i32
      %swap3A_613 = arith.index_cast %swap3A : i32 to index
      %swap3A_614 = arith.index_cast %scan3A_600 : i32 to index
      %swap3A_615 = arith.constant 0 : index
      %swap3A_616 = tpu.vector_load %arg9[%swap3A_613, %swap3A_614, %swap3A_615] {strides = array<i32>} : memref<7x64x128xf32, #tpu.memory_space<vmem>>, vector<1x1x16xf32>,
      %swap3A_617 = vector.shape_cast %swap3A_616 : vector<1x1x16xf32> to vector<16xf32>
      %swap3A_618 = vector.shape_cast %mul3A_612 : vector<16xf32> to vector<1x1x16xf32>
      tpu.vector_store %arg9[%swap3A_613, %swap3A_614, %swap3A_615], %swap3A_618 {strides = array<i32>} : memref<7x64x128xf32, #tpu.memory_space<vmem>>, vector<1x1x16xf32>,
      %get3A_619 = arith.constant 1 : i32
      %get3A_620 = arith.index_cast %get3A_619 : i32 to index
      %get3A_621 = arith.index_cast %scan3A_600 : i32 to index
      %get3A_622 = arith.constant 16 : index
      %get3A_623 = tpu.vector_load %arg9[%get3A_620, %get3A_621, %get3A_622] {strides = array<i32>} : memref<7x64x128xf32, #tpu.memory_space<vmem>>, vector<1x1x16xf32>,
      %get3A_624 = vector.shape_cast %get3A_623 : vector<1x1x16xf32> to vector<16xf32>
      %get3A_625 = arith.constant 1 : i32
      %get3A_626 = arith.index_cast %get3A_625 : i32 to index
      %get3A_627 = arith.index_cast %scan3A_600 : i32 to index
      %get3A_628 = arith.constant 16 : index
      %get3A_629 = tpu.vector_load %arg10[%get3A_626, %get3A_627, %get3A_628] {strides = array<i32>} : memref<7x64x128xf32, #tpu.memory_space<vmem>>, vector<1x1x16xf32>,
      %get3A_630 = vector.shape_cast %get3A_629 : vector<1x1x16xf32> to vector<16xf32>
      %mul3A_631 = arith.mulf %get3A_624, %get3A_630 : vector<16xf32>
      %swap3A_632 = arith.constant 1 : i32
      %swap3A_633 = arith.index_cast %swap3A_632 : i32 to index
      %swap3A_634 = arith.index_cast %scan3A_600 : i32 to index
      %swap3A_635 = arith.constant 16 : index
      %swap3A_636 = tpu.vector_load %arg9[%swap3A_633, %swap3A_634, %swap3A_635] {strides = array<i32>} : memref<7x64x128xf32, #tpu.memory_space<vmem>>, vector<1x1x16xf32>,
      %swap3A_637 = vector.shape_cast %swap3A_636 : vector<1x1x16xf32> to vector<16xf32>
      %swap3A_638 = vector.shape_cast %mul3A_631 : vector<16xf32> to vector<1x1x16xf32>
      tpu.vector_store %arg9[%swap3A_633, %swap3A_634, %swap3A_635], %swap3A_638 {strides = array<i32>} : memref<7x64x128xf32, #tpu.memory_space<vmem>>, vector<1x1x16xf32>,
      %get3A_639 = arith.constant 1 : i32
      %get3A_640 = arith.index_cast %get3A_639 : i32 to index
      %get3A_641 = arith.index_cast %scan3A_600 : i32 to index
      %get3A_642 = arith.constant 32 : index
      %get3A_643 = tpu.vector_load %arg9[%get3A_640, %get3A_641, %get3A_642] {strides = array<i32>} : memref<7x64x128xf32, #tpu.memory_space<vmem>>, vector<1x1x16xf32>,
      %get3A_644 = vector.shape_cast %get3A_643 : vector<1x1x16xf32> to vector<16xf32>
      %get3A_645 = arith.constant 1 : i32
      %get3A_646 = arith.index_cast %get3A_645 : i32 to index
      %get3A_647 = arith.index_cast %scan3A_600 : i32 to index
      %get3A_648 = arith.constant 32 : index
      %get3A_649 = tpu.vector_load %arg10[%get3A_646, %get3A_647, %get3A_648] {strides = array<i32>} : memref<7x64x128xf32, #tpu.memory_space<vmem>>, vector<1x1x16xf32>,
      %get3A_650 = vector.shape_cast %get3A_649 : vector<1x1x16xf32> to vector<16xf32>
      %mul3A_651 = arith.mulf %get3A_644, %get3A_650 : vector<16xf32>
      %swap3A_652 = arith.constant 1 : i32
      %swap3A_653 = arith.index_cast %swap3A_652 : i32 to index
      %swap3A_654 = arith.index_cast %scan3A_600 : i32 to index
      %swap3A_655 = arith.constant 32 : index
      %swap3A_656 = tpu.vector_load %arg9[%swap3A_653, %swap3A_654, %swap3A_655] {strides = array<i32>} : memref<7x64x128xf32, #tpu.memory_space<vmem>>, vector<1x1x16xf32>,
      %swap3A_657 = vector.shape_cast %swap3A_656 : vector<1x1x16xf32> to vector<16xf32>
      %swap3A_658 = vector.shape_cast %mul3A_651 : vector<16xf32> to vector<1x1x16xf32>
      tpu.vector_store %arg9[%swap3A_653, %swap3A_654, %swap3A_655], %swap3A_658 {strides = array<i32>} : memref<7x64x128xf32, #tpu.memory_space<vmem>>, vector<1x1x16xf32>,
      %get3A_659 = arith.constant 1 : i32
      %get3A_660 = arith.index_cast %get3A_659 : i32 to index
      %get3A_661 = arith.index_cast %scan3A_600 : i32 to index
      %get3A_662 = arith.constant 48 : index
      %get3A_663 = tpu.vector_load %arg9[%get3A_660, %get3A_661, %get3A_662] {strides = array<i32>} : memref<7x64x128xf32, #tpu.memory_space<vmem>>, vector<1x1x16xf32>,
      %get3A_664 = vector.shape_cast %get3A_663 : vector<1x1x16xf32> to vector<16xf32>
      %get3A_665 = arith.constant 1 : i32
      %get3A_666 = arith.index_cast %get3A_665 : i32 to index
      %get3A_667 = arith.index_cast %scan3A_600 : i32 to index
      %get3A_668 = arith.constant 48 : index
      %get3A_669 = tpu.vector_load %arg10[%get3A_666, %get3A_667, %get3A_668] {strides = array<i32>} : memref<7x64x128xf32, #tpu.memory_space<vmem>>, vector<1x1x16xf32>,
      %get3A_670 = vector.shape_cast %get3A_669 : vector<1x1x16xf32> to vector<16xf32>
      %mul3A_671 = arith.mulf %get3A_664, %get3A_670 : vector<16xf32>
      %swap3A_672 = arith.constant 1 : i32
      %swap3A_673 = arith.index_cast %swap3A_672 : i32 to index
      %swap3A_674 = arith.index_cast %scan3A_600 : i32 to index
      %swap3A_675 = arith.constant 48 : index
      %swap3A_676 = tpu.vector_load %arg9[%swap3A_673, %swap3A_674, %swap3A_675] {strides = array<i32>} : memref<7x64x128xf32, #tpu.memory_space<vmem>>, vector<1x1x16xf32>,
      %swap3A_677 = vector.shape_cast %swap3A_676 : vector<1x1x16xf32> to vector<16xf32>
      %swap3A_678 = vector.shape_cast %mul3A_671 : vector<16xf32> to vector<1x1x16xf32>
      tpu.vector_store %arg9[%swap3A_673, %swap3A_674, %swap3A_675], %swap3A_678 {strides = array<i32>} : memref<7x64x128xf32, #tpu.memory_space<vmem>>, vector<1x1x16xf32>,
      %get3A_679 = arith.constant 1 : i32
      %get3A_680 = arith.index_cast %get3A_679 : i32 to index
      %get3A_681 = arith.index_cast %scan3A_600 : i32 to index
      %get3A_682 = arith.constant 64 : index
      %get3A_683 = tpu.vector_load %arg9[%get3A_680, %get3A_681, %get3A_682] {strides = array<i32>} : memref<7x64x128xf32, #tpu.memory_space<vmem>>, vector<1x1x16xf32>,
      %get3A_684 = vector.shape_cast %get3A_683 : vector<1x1x16xf32> to vector<16xf32>
      %get3A_685 = arith.constant 1 : i32
      %get3A_686 = arith.index_cast %get3A_685 : i32 to index
      %get3A_687 = arith.index_cast %scan3A_600 : i32 to index
      %get3A_688 = arith.constant 64 : index
      %get3A_689 = tpu.vector_load %arg10[%get3A_686, %get3A_687, %get3A_688] {strides = array<i32>} : memref<7x64x128xf32, #tpu.memory_space<vmem>>, vector<1x1x16xf32>,
      %get3A_690 = vector.shape_cast %get3A_689 : vector<1x1x16xf32> to vector<16xf32>
      %mul3A_691 = arith.mulf %get3A_684, %get3A_690 : vector<16xf32>
      %swap3A_692 = arith.constant 1 : i32
      %swap3A_693 = arith.index_cast %swap3A_692 : i32 to index
      %swap3A_694 = arith.index_cast %scan3A_600 : i32 to index
      %swap3A_695 = arith.constant 64 : index
      %swap3A_696 = tpu.vector_load %arg9[%swap3A_693, %swap3A_694, %swap3A_695] {strides = array<i32>} : memref<7x64x128xf32, #tpu.memory_space<vmem>>, vector<1x1x16xf32>,
      %swap3A_697 = vector.shape_cast %swap3A_696 : vector<1x1x16xf32> to vector<16xf32>
      %swap3A_698 = vector.shape_cast %mul3A_691 : vector<16xf32> to vector<1x1x16xf32>
      tpu.vector_store %arg9[%swap3A_693, %swap3A_694, %swap3A_695], %swap3A_698 {strides = array<i32>} : memref<7x64x128xf32, #tpu.memory_space<vmem>>, vector<1x1x16xf32>,
      %get3A_699 = arith.constant 1 : i32
      %get3A_700 = arith.index_cast %get3A_699 : i32 to index
      %get3A_701 = arith.index_cast %scan3A_600 : i32 to index
      %get3A_702 = arith.constant 80 : index
      %get3A_703 = tpu.vector_load %arg9[%get3A_700, %get3A_701, %get3A_702] {strides = array<i32>} : memref<7x64x128xf32, #tpu.memory_space<vmem>>, vector<1x1x16xf32>,
      %get3A_704 = vector.shape_cast %get3A_703 : vector<1x1x16xf32> to vector<16xf32>
      %get3A_705 = arith.constant 1 : i32
      %get3A_706 = arith.index_cast %get3A_705 : i32 to index
      %get3A_707 = arith.index_cast %scan3A_600 : i32 to index
      %get3A_708 = arith.constant 80 : index
      %get3A_709 = tpu.vector_load %arg10[%get3A_706, %get3A_707, %get3A_708] {strides = array<i32>} : memref<7x64x128xf32, #tpu.memory_space<vmem>>, vector<1x1x16xf32>,
      %get3A_710 = vector.shape_cast %get3A_709 : vector<1x1x16xf32> to vector<16xf32>
      %mul3A_711 = arith.mulf %get3A_704, %get3A_710 : vector<16xf32>
      %swap3A_712 = arith.constant 1 : i32
      %swap3A_713 = arith.index_cast %swap3A_712 : i32 to index
      %swap3A_714 = arith.index_cast %scan3A_600 : i32 to index
      %swap3A_715 = arith.constant 80 : index
      %swap3A_716 = tpu.vector_load %arg9[%swap3A_713, %swap3A_714, %swap3A_715] {strides = array<i32>} : memref<7x64x128xf32, #tpu.memory_space<vmem>>, vector<1x1x16xf32>,
      %swap3A_717 = vector.shape_cast %swap3A_716 : vector<1x1x16xf32> to vector<16xf32>
      %swap3A_718 = vector.shape_cast %mul3A_711 : vector<16xf32> to vector<1x1x16xf32>
      tpu.vector_store %arg9[%swap3A_713, %swap3A_714, %swap3A_715], %swap3A_718 {strides = array<i32>} : memref<7x64x128xf32, #tpu.memory_space<vmem>>, vector<1x1x16xf32>,
      %get3A_719 = arith.constant 1 : i32
      %get3A_720 = arith.index_cast %get3A_719 : i32 to index
      %get3A_721 = arith.index_cast %scan3A_600 : i32 to index
      %get3A_722 = arith.constant 96 : index
      %get3A_723 = tpu.vector_load %arg9[%get3A_720, %get3A_721, %get3A_722] {strides = array<i32>} : memref<7x64x128xf32, #tpu.memory_space<vmem>>, vector<1x1x16xf32>,
      %get3A_724 = vector.shape_cast %get3A_723 : vector<1x1x16xf32> to vector<16xf32>
      %get3A_725 = arith.constant 1 : i32
      %get3A_726 = arith.index_cast %get3A_725 : i32 to index
      %get3A_727 = arith.index_cast %scan3A_600 : i32 to index
      %get3A_728 = arith.constant 96 : index
      %get3A_729 = tpu.vector_load %arg10[%get3A_726, %get3A_727, %get3A_728] {strides = array<i32>} : memref<7x64x128xf32, #tpu.memory_space<vmem>>, vector<1x1x16xf32>,
      %get3A_730 = vector.shape_cast %get3A_729 : vector<1x1x16xf32> to vector<16xf32>
      %mul3A_731 = arith.mulf %get3A_724, %get3A_730 : vector<16xf32>
      %swap3A_732 = arith.constant 1 : i32
      %swap3A_733 = arith.index_cast %swap3A_732 : i32 to index
      %swap3A_734 = arith.index_cast %scan3A_600 : i32 to index
      %swap3A_735 = arith.constant 96 : index
      %swap3A_736 = tpu.vector_load %arg9[%swap3A_733, %swap3A_734, %swap3A_735] {strides = array<i32>} : memref<7x64x128xf32, #tpu.memory_space<vmem>>, vector<1x1x16xf32>,
      %swap3A_737 = vector.shape_cast %swap3A_736 : vector<1x1x16xf32> to vector<16xf32>
      %swap3A_738 = vector.shape_cast %mul3A_731 : vector<16xf32> to vector<1x1x16xf32>
      tpu.vector_store %arg9[%swap3A_733, %swap3A_734, %swap3A_735], %swap3A_738 {strides = array<i32>} : memref<7x64x128xf32, #tpu.memory_space<vmem>>, vector<1x1x16xf32>,
      %get3A_739 = arith.constant 1 : i32
      %get3A_740 = arith.index_cast %get3A_739 : i32 to index
      %get3A_741 = arith.index_cast %scan3A_600 : i32 to index
      %get3A_742 = arith.constant 112 : index
      %get3A_743 = tpu.vector_load %arg9[%get3A_740, %get3A_741, %get3A_742] {strides = array<i32>} : memref<7x64x128xf32, #tpu.memory_space<vmem>>, vector<1x1x16xf32>,
      %get3A_744 = vector.shape_cast %get3A_743 : vector<1x1x16xf32> to vector<16xf32>
      %get3A_745 = arith.constant 1 : i32
      %get3A_746 = arith.index_cast %get3A_745 : i32 to index
      %get3A_747 = arith.index_cast %scan3A_600 : i32 to index
      %get3A_748 = arith.constant 112 : index
      %get3A_749 = tpu.vector_load %arg10[%get3A_746, %get3A_747, %get3A_748] {strides = array<i32>} : memref<7x64x128xf32, #tpu.memory_space<vmem>>, vector<1x1x16xf32>,
      %get3A_750 = vector.shape_cast %get3A_749 : vector<1x1x16xf32> to vector<16xf32>
      %mul3A_751 = arith.mulf %get3A_744, %get3A_750 : vector<16xf32>
      %swap3A_752 = arith.constant 1 : i32
      %swap3A_753 = arith.index_cast %swap3A_752 : i32 to index
      %swap3A_754 = arith.index_cast %scan3A_600 : i32 to index
      %swap3A_755 = arith.constant 112 : index
      %swap3A_756 = tpu.vector_load %arg9[%swap3A_753, %swap3A_754, %swap3A_755] {strides = array<i32>} : memref<7x64x128xf32, #tpu.memory_space<vmem>>, vector<1x1x16xf32>,
      %swap3A_757 = vector.shape_cast %swap3A_756 : vector<1x1x16xf32> to vector<16xf32>
      %swap3A_758 = vector.shape_cast %mul3A_751 : vector<16xf32> to vector<1x1x16xf32>
      tpu.vector_store %arg9[%swap3A_753, %swap3A_754, %swap3A_755], %swap3A_758 {strides = array<i32>} : memref<7x64x128xf32, #tpu.memory_space<vmem>>, vector<1x1x16xf32>,
    }
    %scan3A_247 = arith.constant 64 : i32
    %add3A_248 = arith.constant 64 : i32
    %add3A_249 = arith.addi %mul3A_2, %add3A_248 : i32
    %dma_start3A_250 = arith.constant 1 : i32
    %dma_start3A_251 = arith.constant 0 : i32
    %dma_start3A_252 = arith.constant 0 : i32
    %dma_start3A_253 = tpu.memref_slice %arg9[%dma_start3A_250, %dma_start3A_251, %dma_start3A_252] : memref<7x64x128xf32, #tpu.memory_space<vmem>> -> memref<1x64x128xf32, #tpu.memory_space<vmem>>
    %dma_start3A_254 = tpu.memref_squeeze %dma_start3A_253 : memref<1x64x128xf32, #tpu.memory_space<vmem>> -> memref<64x128xf32, #tpu.memory_space<vmem>>
    %dma_start3A_255 = arith.constant 0 : i32
    %dma_start3A_256 = tpu.memref_slice %arg6[%add3A_249, %dma_start3A_255] : memref<16384x128xf32, #tpu.memory_space<hbm>> -> memref<64x128xf32, #tpu.memory_space<hbm>>
    %dma_start3A_257 = arith.constant 0 : i32
    %dma_start3A_258 = tpu.memref_slice %arg6[%add3A_249, %dma_start3A_257] : memref<16384x128xf32, #tpu.memory_space<hbm>> -> memref<64x128xf32, #tpu.memory_space<hbm>>
    %dma_start3A_259 = arith.constant 0 : i32
    %dma_start3A_260 = arith.constant 0 : i32
    %dma_start3A_261 = tpu.memref_slice %arg9[%dma_start3A_250, %dma_start3A_259, %dma_start3A_260] : memref<7x64x128xf32, #tpu.memory_space<vmem>> -> memref<1x64x128xf32, #tpu.memory_space<vmem>>
    %dma_start3A_262 = tpu.memref_squeeze %dma_start3A_261 : memref<1x64x128xf32, #tpu.memory_space<vmem>> -> memref<64x128xf32, #tpu.memory_space<vmem>>
    tpu.enqueue_dma source(%dma_start3A_262 : memref<64x128xf32, #tpu.memory_space<vmem>>) target(%dma_start3A_258 : memref<64x128xf32, #tpu.memory_space<hbm>>) target_semaphore(%arg19 : memref<!tpu.dma_semaphore, #tpu.memory_space<semaphore_mem>>)
    %dma_wait3A_263 = arith.constant 2 : i32
    %dma_wait3A_264 = arith.constant 0 : i32
    %dma_wait3A_265 = arith.constant 0 : i32
    %dma_wait3A_266 = tpu.memref_slice %arg9[%dma_wait3A_263, %dma_wait3A_264, %dma_wait3A_265] : memref<7x64x128xf32, #tpu.memory_space<vmem>> -> memref<1x64x128xf32, #tpu.memory_space<vmem>>
    %dma_wait3A_267 = tpu.memref_squeeze %dma_wait3A_266 : memref<1x64x128xf32, #tpu.memory_space<vmem>> -> memref<64x128xf32, #tpu.memory_space<vmem>>
    %dma_wait3A_268 = arith.constant 128 : i32
    %dma_wait3A_269 = tpu.memref_slice %arg7[%dma_wait3A_268] : memref<512xi32, #tpu.memory_space<vmem>> -> memref<64xi32, #tpu.memory_space<vmem>>
    %dma_wait3A_270 = arith.constant 0 : i32
    %dma_wait3A_271 = arith.constant 0 : i32
    %dma_wait3A_272 = tpu.memref_slice %arg2[%dma_wait3A_270, %dma_wait3A_271] : memref<100000x128xf32, #tpu.memory_space<hbm>> -> memref<100000x128xf32, #tpu.memory_space<hbm>>
    tpu.wait_indirect_dma semaphore(%arg13 : memref<!tpu.dma_semaphore, #tpu.memory_space<semaphore_mem>>) src(%dma_wait3A_272 : memref<100000x128xf32, #tpu.memory_space<hbm>>) dst(%dma_wait3A_267 : memref<64x128xf32, #tpu.memory_space<vmem>>)
    %dma_wait3A_273 = arith.constant 2 : i32
    %dma_wait3A_274 = arith.constant 0 : i32
    %dma_wait3A_275 = arith.constant 0 : i32
    %dma_wait3A_276 = tpu.memref_slice %arg10[%dma_wait3A_273, %dma_wait3A_274, %dma_wait3A_275] : memref<7x64x128xf32, #tpu.memory_space<vmem>> -> memref<1x64x128xf32, #tpu.memory_space<vmem>>
    %dma_wait3A_277 = tpu.memref_squeeze %dma_wait3A_276 : memref<1x64x128xf32, #tpu.memory_space<vmem>> -> memref<64x128xf32, #tpu.memory_space<vmem>>
    %dma_wait3A_278 = arith.constant 128 : i32
    %dma_wait3A_279 = tpu.memref_slice %arg8[%dma_wait3A_278] : memref<512xi32, #tpu.memory_space<vmem>> -> memref<64xi32, #tpu.memory_space<vmem>>
    %dma_wait3A_280 = arith.constant 0 : i32
    %dma_wait3A_281 = arith.constant 0 : i32
    %dma_wait3A_282 = tpu.memref_slice %arg3[%dma_wait3A_280, %dma_wait3A_281] : memref<100000x128xf32, #tpu.memory_space<hbm>> -> memref<100000x128xf32, #tpu.memory_space<hbm>>
    tpu.wait_indirect_dma semaphore(%arg13 : memref<!tpu.dma_semaphore, #tpu.memory_space<semaphore_mem>>) src(%dma_wait3A_282 : memref<100000x128xf32, #tpu.memory_space<hbm>>) dst(%dma_wait3A_277 : memref<64x128xf32, #tpu.memory_space<vmem>>)
    %scan3A_283 = arith.constant 0 : i32
    %scan3A_284 = arith.constant 0 : i32
    %scan3A_285 = arith.constant 64 : i32
    %scan3A_286 = arith.addi %scan3A_284, %scan3A_285 : i32
    %scan3A_287 = arith.constant 1 : i32
    scf.for %scan3A_600 = %scan3A_284 to %scan3A_286 step %scan3A_287  : i32 {
      %get3A = arith.constant 2 : i32
      %get3A_601 = arith.index_cast %get3A : i32 to index
      %get3A_602 = arith.index_cast %scan3A_600 : i32 to index
      %get3A_603 = arith.constant 0 : index
      %get3A_604 = tpu.vector_load %arg9[%get3A_601, %get3A_602, %get3A_603] {strides = array<i32>} : memref<7x64x128xf32, #tpu.memory_space<vmem>>, vector<1x1x16xf32>,
      %get3A_605 = vector.shape_cast %get3A_604 : vector<1x1x16xf32> to vector<16xf32>
      %get3A_606 = arith.constant 2 : i32
      %get3A_607 = arith.index_cast %get3A_606 : i32 to index
      %get3A_608 = arith.index_cast %scan3A_600 : i32 to index
      %get3A_609 = arith.constant 0 : index
      %get3A_610 = tpu.vector_load %arg10[%get3A_607, %get3A_608, %get3A_609] {strides = array<i32>} : memref<7x64x128xf32, #tpu.memory_space<vmem>>, vector<1x1x16xf32>,
      %get3A_611 = vector.shape_cast %get3A_610 : vector<1x1x16xf32> to vector<16xf32>
      %mul3A_612 = arith.mulf %get3A_605, %get3A_611 : vector<16xf32>
      %swap3A = arith.constant 2 : i32
      %swap3A_613 = arith.index_cast %swap3A : i32 to index
      %swap3A_614 = arith.index_cast %scan3A_600 : i32 to index
      %swap3A_615 = arith.constant 0 : index
      %swap3A_616 = tpu.vector_load %arg9[%swap3A_613, %swap3A_614, %swap3A_615] {strides = array<i32>} : memref<7x64x128xf32, #tpu.memory_space<vmem>>, vector<1x1x16xf32>,
      %swap3A_617 = vector.shape_cast %swap3A_616 : vector<1x1x16xf32> to vector<16xf32>
      %swap3A_618 = vector.shape_cast %mul3A_612 : vector<16xf32> to vector<1x1x16xf32>
      tpu.vector_store %arg9[%swap3A_613, %swap3A_614, %swap3A_615], %swap3A_618 {strides = array<i32>} : memref<7x64x128xf32, #tpu.memory_space<vmem>>, vector<1x1x16xf32>,
      %get3A_619 = arith.constant 2 : i32
      %get3A_620 = arith.index_cast %get3A_619 : i32 to index
      %get3A_621 = arith.index_cast %scan3A_600 : i32 to index
      %get3A_622 = arith.constant 16 : index
      %get3A_623 = tpu.vector_load %arg9[%get3A_620, %get3A_621, %get3A_622] {strides = array<i32>} : memref<7x64x128xf32, #tpu.memory_space<vmem>>, vector<1x1x16xf32>,
      %get3A_624 = vector.shape_cast %get3A_623 : vector<1x1x16xf32> to vector<16xf32>
      %get3A_625 = arith.constant 2 : i32
      %get3A_626 = arith.index_cast %get3A_625 : i32 to index
      %get3A_627 = arith.index_cast %scan3A_600 : i32 to index
      %get3A_628 = arith.constant 16 : index
      %get3A_629 = tpu.vector_load %arg10[%get3A_626, %get3A_627, %get3A_628] {strides = array<i32>} : memref<7x64x128xf32, #tpu.memory_space<vmem>>, vector<1x1x16xf32>,
      %get3A_630 = vector.shape_cast %get3A_629 : vector<1x1x16xf32> to vector<16xf32>
      %mul3A_631 = arith.mulf %get3A_624, %get3A_630 : vector<16xf32>
      %swap3A_632 = arith.constant 2 : i32
      %swap3A_633 = arith.index_cast %swap3A_632 : i32 to index
      %swap3A_634 = arith.index_cast %scan3A_600 : i32 to index
      %swap3A_635 = arith.constant 16 : index
      %swap3A_636 = tpu.vector_load %arg9[%swap3A_633, %swap3A_634, %swap3A_635] {strides = array<i32>} : memref<7x64x128xf32, #tpu.memory_space<vmem>>, vector<1x1x16xf32>,
      %swap3A_637 = vector.shape_cast %swap3A_636 : vector<1x1x16xf32> to vector<16xf32>
      %swap3A_638 = vector.shape_cast %mul3A_631 : vector<16xf32> to vector<1x1x16xf32>
      tpu.vector_store %arg9[%swap3A_633, %swap3A_634, %swap3A_635], %swap3A_638 {strides = array<i32>} : memref<7x64x128xf32, #tpu.memory_space<vmem>>, vector<1x1x16xf32>,
      %get3A_639 = arith.constant 2 : i32
      %get3A_640 = arith.index_cast %get3A_639 : i32 to index
      %get3A_641 = arith.index_cast %scan3A_600 : i32 to index
      %get3A_642 = arith.constant 32 : index
      %get3A_643 = tpu.vector_load %arg9[%get3A_640, %get3A_641, %get3A_642] {strides = array<i32>} : memref<7x64x128xf32, #tpu.memory_space<vmem>>, vector<1x1x16xf32>,
      %get3A_644 = vector.shape_cast %get3A_643 : vector<1x1x16xf32> to vector<16xf32>
      %get3A_645 = arith.constant 2 : i32
      %get3A_646 = arith.index_cast %get3A_645 : i32 to index
      %get3A_647 = arith.index_cast %scan3A_600 : i32 to index
      %get3A_648 = arith.constant 32 : index
      %get3A_649 = tpu.vector_load %arg10[%get3A_646, %get3A_647, %get3A_648] {strides = array<i32>} : memref<7x64x128xf32, #tpu.memory_space<vmem>>, vector<1x1x16xf32>,
      %get3A_650 = vector.shape_cast %get3A_649 : vector<1x1x16xf32> to vector<16xf32>
      %mul3A_651 = arith.mulf %get3A_644, %get3A_650 : vector<16xf32>
      %swap3A_652 = arith.constant 2 : i32
      %swap3A_653 = arith.index_cast %swap3A_652 : i32 to index
      %swap3A_654 = arith.index_cast %scan3A_600 : i32 to index
      %swap3A_655 = arith.constant 32 : index
      %swap3A_656 = tpu.vector_load %arg9[%swap3A_653, %swap3A_654, %swap3A_655] {strides = array<i32>} : memref<7x64x128xf32, #tpu.memory_space<vmem>>, vector<1x1x16xf32>,
      %swap3A_657 = vector.shape_cast %swap3A_656 : vector<1x1x16xf32> to vector<16xf32>
      %swap3A_658 = vector.shape_cast %mul3A_651 : vector<16xf32> to vector<1x1x16xf32>
      tpu.vector_store %arg9[%swap3A_653, %swap3A_654, %swap3A_655], %swap3A_658 {strides = array<i32>} : memref<7x64x128xf32, #tpu.memory_space<vmem>>, vector<1x1x16xf32>,
      %get3A_659 = arith.constant 2 : i32
      %get3A_660 = arith.index_cast %get3A_659 : i32 to index
      %get3A_661 = arith.index_cast %scan3A_600 : i32 to index
      %get3A_662 = arith.constant 48 : index
      %get3A_663 = tpu.vector_load %arg9[%get3A_660, %get3A_661, %get3A_662] {strides = array<i32>} : memref<7x64x128xf32, #tpu.memory_space<vmem>>, vector<1x1x16xf32>,
      %get3A_664 = vector.shape_cast %get3A_663 : vector<1x1x16xf32> to vector<16xf32>
      %get3A_665 = arith.constant 2 : i32
      %get3A_666 = arith.index_cast %get3A_665 : i32 to index
      %get3A_667 = arith.index_cast %scan3A_600 : i32 to index
      %get3A_668 = arith.constant 48 : index
      %get3A_669 = tpu.vector_load %arg10[%get3A_666, %get3A_667, %get3A_668] {strides = array<i32>} : memref<7x64x128xf32, #tpu.memory_space<vmem>>, vector<1x1x16xf32>,
      %get3A_670 = vector.shape_cast %get3A_669 : vector<1x1x16xf32> to vector<16xf32>
      %mul3A_671 = arith.mulf %get3A_664, %get3A_670 : vector<16xf32>
      %swap3A_672 = arith.constant 2 : i32
      %swap3A_673 = arith.index_cast %swap3A_672 : i32 to index
      %swap3A_674 = arith.index_cast %scan3A_600 : i32 to index
      %swap3A_675 = arith.constant 48 : index
      %swap3A_676 = tpu.vector_load %arg9[%swap3A_673, %swap3A_674, %swap3A_675] {strides = array<i32>} : memref<7x64x128xf32, #tpu.memory_space<vmem>>, vector<1x1x16xf32>,
      %swap3A_677 = vector.shape_cast %swap3A_676 : vector<1x1x16xf32> to vector<16xf32>
      %swap3A_678 = vector.shape_cast %mul3A_671 : vector<16xf32> to vector<1x1x16xf32>
      tpu.vector_store %arg9[%swap3A_673, %swap3A_674, %swap3A_675], %swap3A_678 {strides = array<i32>} : memref<7x64x128xf32, #tpu.memory_space<vmem>>, vector<1x1x16xf32>,
      %get3A_679 = arith.constant 2 : i32
      %get3A_680 = arith.index_cast %get3A_679 : i32 to index
      %get3A_681 = arith.index_cast %scan3A_600 : i32 to index
      %get3A_682 = arith.constant 64 : index
      %get3A_683 = tpu.vector_load %arg9[%get3A_680, %get3A_681, %get3A_682] {strides = array<i32>} : memref<7x64x128xf32, #tpu.memory_space<vmem>>, vector<1x1x16xf32>,
      %get3A_684 = vector.shape_cast %get3A_683 : vector<1x1x16xf32> to vector<16xf32>
      %get3A_685 = arith.constant 2 : i32
      %get3A_686 = arith.index_cast %get3A_685 : i32 to index
      %get3A_687 = arith.index_cast %scan3A_600 : i32 to index
      %get3A_688 = arith.constant 64 : index
      %get3A_689 = tpu.vector_load %arg10[%get3A_686, %get3A_687, %get3A_688] {strides = array<i32>} : memref<7x64x128xf32, #tpu.memory_space<vmem>>, vector<1x1x16xf32>,
      %get3A_690 = vector.shape_cast %get3A_689 : vector<1x1x16xf32> to vector<16xf32>
      %mul3A_691 = arith.mulf %get3A_684, %get3A_690 : vector<16xf32>
      %swap3A_692 = arith.constant 2 : i32
      %swap3A_693 = arith.index_cast %swap3A_692 : i32 to index
      %swap3A_694 = arith.index_cast %scan3A_600 : i32 to index
      %swap3A_695 = arith.constant 64 : index
      %swap3A_696 = tpu.vector_load %arg9[%swap3A_693, %swap3A_694, %swap3A_695] {strides = array<i32>} : memref<7x64x128xf32, #tpu.memory_space<vmem>>, vector<1x1x16xf32>,
      %swap3A_697 = vector.shape_cast %swap3A_696 : vector<1x1x16xf32> to vector<16xf32>
      %swap3A_698 = vector.shape_cast %mul3A_691 : vector<16xf32> to vector<1x1x16xf32>
      tpu.vector_store %arg9[%swap3A_693, %swap3A_694, %swap3A_695], %swap3A_698 {strides = array<i32>} : memref<7x64x128xf32, #tpu.memory_space<vmem>>, vector<1x1x16xf32>,
      %get3A_699 = arith.constant 2 : i32
      %get3A_700 = arith.index_cast %get3A_699 : i32 to index
      %get3A_701 = arith.index_cast %scan3A_600 : i32 to index
      %get3A_702 = arith.constant 80 : index
      %get3A_703 = tpu.vector_load %arg9[%get3A_700, %get3A_701, %get3A_702] {strides = array<i32>} : memref<7x64x128xf32, #tpu.memory_space<vmem>>, vector<1x1x16xf32>,
      %get3A_704 = vector.shape_cast %get3A_703 : vector<1x1x16xf32> to vector<16xf32>
      %get3A_705 = arith.constant 2 : i32
      %get3A_706 = arith.index_cast %get3A_705 : i32 to index
      %get3A_707 = arith.index_cast %scan3A_600 : i32 to index
      %get3A_708 = arith.constant 80 : index
      %get3A_709 = tpu.vector_load %arg10[%get3A_706, %get3A_707, %get3A_708] {strides = array<i32>} : memref<7x64x128xf32, #tpu.memory_space<vmem>>, vector<1x1x16xf32>,
      %get3A_710 = vector.shape_cast %get3A_709 : vector<1x1x16xf32> to vector<16xf32>
      %mul3A_711 = arith.mulf %get3A_704, %get3A_710 : vector<16xf32>
      %swap3A_712 = arith.constant 2 : i32
      %swap3A_713 = arith.index_cast %swap3A_712 : i32 to index
      %swap3A_714 = arith.index_cast %scan3A_600 : i32 to index
      %swap3A_715 = arith.constant 80 : index
      %swap3A_716 = tpu.vector_load %arg9[%swap3A_713, %swap3A_714, %swap3A_715] {strides = array<i32>} : memref<7x64x128xf32, #tpu.memory_space<vmem>>, vector<1x1x16xf32>,
      %swap3A_717 = vector.shape_cast %swap3A_716 : vector<1x1x16xf32> to vector<16xf32>
      %swap3A_718 = vector.shape_cast %mul3A_711 : vector<16xf32> to vector<1x1x16xf32>
      tpu.vector_store %arg9[%swap3A_713, %swap3A_714, %swap3A_715], %swap3A_718 {strides = array<i32>} : memref<7x64x128xf32, #tpu.memory_space<vmem>>, vector<1x1x16xf32>,
      %get3A_719 = arith.constant 2 : i32
      %get3A_720 = arith.index_cast %get3A_719 : i32 to index
      %get3A_721 = arith.index_cast %scan3A_600 : i32 to index
      %get3A_722 = arith.constant 96 : index
      %get3A_723 = tpu.vector_load %arg9[%get3A_720, %get3A_721, %get3A_722] {strides = array<i32>} : memref<7x64x128xf32, #tpu.memory_space<vmem>>, vector<1x1x16xf32>,
      %get3A_724 = vector.shape_cast %get3A_723 : vector<1x1x16xf32> to vector<16xf32>
      %get3A_725 = arith.constant 2 : i32
      %get3A_726 = arith.index_cast %get3A_725 : i32 to index
      %get3A_727 = arith.index_cast %scan3A_600 : i32 to index
      %get3A_728 = arith.constant 96 : index
      %get3A_729 = tpu.vector_load %arg10[%get3A_726, %get3A_727, %get3A_728] {strides = array<i32>} : memref<7x64x128xf32, #tpu.memory_space<vmem>>, vector<1x1x16xf32>,
      %get3A_730 = vector.shape_cast %get3A_729 : vector<1x1x16xf32> to vector<16xf32>
      %mul3A_731 = arith.mulf %get3A_724, %get3A_730 : vector<16xf32>
      %swap3A_732 = arith.constant 2 : i32
      %swap3A_733 = arith.index_cast %swap3A_732 : i32 to index
      %swap3A_734 = arith.index_cast %scan3A_600 : i32 to index
      %swap3A_735 = arith.constant 96 : index
      %swap3A_736 = tpu.vector_load %arg9[%swap3A_733, %swap3A_734, %swap3A_735] {strides = array<i32>} : memref<7x64x128xf32, #tpu.memory_space<vmem>>, vector<1x1x16xf32>,
      %swap3A_737 = vector.shape_cast %swap3A_736 : vector<1x1x16xf32> to vector<16xf32>
      %swap3A_738 = vector.shape_cast %mul3A_731 : vector<16xf32> to vector<1x1x16xf32>
      tpu.vector_store %arg9[%swap3A_733, %swap3A_734, %swap3A_735], %swap3A_738 {strides = array<i32>} : memref<7x64x128xf32, #tpu.memory_space<vmem>>, vector<1x1x16xf32>,
      %get3A_739 = arith.constant 2 : i32
      %get3A_740 = arith.index_cast %get3A_739 : i32 to index
      %get3A_741 = arith.index_cast %scan3A_600 : i32 to index
      %get3A_742 = arith.constant 112 : index
      %get3A_743 = tpu.vector_load %arg9[%get3A_740, %get3A_741, %get3A_742] {strides = array<i32>} : memref<7x64x128xf32, #tpu.memory_space<vmem>>, vector<1x1x16xf32>,
      %get3A_744 = vector.shape_cast %get3A_743 : vector<1x1x16xf32> to vector<16xf32>
      %get3A_745 = arith.constant 2 : i32
      %get3A_746 = arith.index_cast %get3A_745 : i32 to index
      %get3A_747 = arith.index_cast %scan3A_600 : i32 to index
      %get3A_748 = arith.constant 112 : index
      %get3A_749 = tpu.vector_load %arg10[%get3A_746, %get3A_747, %get3A_748] {strides = array<i32>} : memref<7x64x128xf32, #tpu.memory_space<vmem>>, vector<1x1x16xf32>,
      %get3A_750 = vector.shape_cast %get3A_749 : vector<1x1x16xf32> to vector<16xf32>
      %mul3A_751 = arith.mulf %get3A_744, %get3A_750 : vector<16xf32>
      %swap3A_752 = arith.constant 2 : i32
      %swap3A_753 = arith.index_cast %swap3A_752 : i32 to index
      %swap3A_754 = arith.index_cast %scan3A_600 : i32 to index
      %swap3A_755 = arith.constant 112 : index
      %swap3A_756 = tpu.vector_load %arg9[%swap3A_753, %swap3A_754, %swap3A_755] {strides = array<i32>} : memref<7x64x128xf32, #tpu.memory_space<vmem>>, vector<1x1x16xf32>,
      %swap3A_757 = vector.shape_cast %swap3A_756 : vector<1x1x16xf32> to vector<16xf32>
      %swap3A_758 = vector.shape_cast %mul3A_751 : vector<16xf32> to vector<1x1x16xf32>
      tpu.vector_store %arg9[%swap3A_753, %swap3A_754, %swap3A_755], %swap3A_758 {strides = array<i32>} : memref<7x64x128xf32, #tpu.memory_space<vmem>>, vector<1x1x16xf32>,
    }
    %scan3A_288 = arith.constant 64 : i32
    %add3A_289 = arith.constant 128 : i32
    %add3A_290 = arith.addi %mul3A_2, %add3A_289 : i32
    %dma_start3A_291 = arith.constant 2 : i32
    %dma_start3A_292 = arith.constant 0 : i32
    %dma_start3A_293 = arith.constant 0 : i32
    %dma_start3A_294 = tpu.memref_slice %arg9[%dma_start3A_291, %dma_start3A_292, %dma_start3A_293] : memref<7x64x128xf32, #tpu.memory_space<vmem>> -> memref<1x64x128xf32, #tpu.memory_space<vmem>>
    %dma_start3A_295 = tpu.memref_squeeze %dma_start3A_294 : memref<1x64x128xf32, #tpu.memory_space<vmem>> -> memref<64x128xf32, #tpu.memory_space<vmem>>
    %dma_start3A_296 = arith.constant 0 : i32
    %dma_start3A_297 = tpu.memref_slice %arg6[%add3A_290, %dma_start3A_296] : memref<16384x128xf32, #tpu.memory_space<hbm>> -> memref<64x128xf32, #tpu.memory_space<hbm>>
    %dma_start3A_298 = arith.constant 0 : i32
    %dma_start3A_299 = tpu.memref_slice %arg6[%add3A_290, %dma_start3A_298] : memref<16384x128xf32, #tpu.memory_space<hbm>> -> memref<64x128xf32, #tpu.memory_space<hbm>>
    %dma_start3A_300 = arith.constant 0 : i32
    %dma_start3A_301 = arith.constant 0 : i32
    %dma_start3A_302 = tpu.memref_slice %arg9[%dma_start3A_291, %dma_start3A_300, %dma_start3A_301] : memref<7x64x128xf32, #tpu.memory_space<vmem>> -> memref<1x64x128xf32, #tpu.memory_space<vmem>>
    %dma_start3A_303 = tpu.memref_squeeze %dma_start3A_302 : memref<1x64x128xf32, #tpu.memory_space<vmem>> -> memref<64x128xf32, #tpu.memory_space<vmem>>
    tpu.enqueue_dma source(%dma_start3A_303 : memref<64x128xf32, #tpu.memory_space<vmem>>) target(%dma_start3A_299 : memref<64x128xf32, #tpu.memory_space<hbm>>) target_semaphore(%arg20 : memref<!tpu.dma_semaphore, #tpu.memory_space<semaphore_mem>>)
    %dma_wait3A_304 = arith.constant 3 : i32
    %dma_wait3A_305 = arith.constant 0 : i32
    %dma_wait3A_306 = arith.constant 0 : i32
    %dma_wait3A_307 = tpu.memref_slice %arg9[%dma_wait3A_304, %dma_wait3A_305, %dma_wait3A_306] : memref<7x64x128xf32, #tpu.memory_space<vmem>> -> memref<1x64x128xf32, #tpu.memory_space<vmem>>
    %dma_wait3A_308 = tpu.memref_squeeze %dma_wait3A_307 : memref<1x64x128xf32, #tpu.memory_space<vmem>> -> memref<64x128xf32, #tpu.memory_space<vmem>>
    %dma_wait3A_309 = arith.constant 192 : i32
    %dma_wait3A_310 = tpu.memref_slice %arg7[%dma_wait3A_309] : memref<512xi32, #tpu.memory_space<vmem>> -> memref<64xi32, #tpu.memory_space<vmem>>
    %dma_wait3A_311 = arith.constant 0 : i32
    %dma_wait3A_312 = arith.constant 0 : i32
    %dma_wait3A_313 = tpu.memref_slice %arg2[%dma_wait3A_311, %dma_wait3A_312] : memref<100000x128xf32, #tpu.memory_space<hbm>> -> memref<100000x128xf32, #tpu.memory_space<hbm>>
    tpu.wait_indirect_dma semaphore(%arg14 : memref<!tpu.dma_semaphore, #tpu.memory_space<semaphore_mem>>) src(%dma_wait3A_313 : memref<100000x128xf32, #tpu.memory_space<hbm>>) dst(%dma_wait3A_308 : memref<64x128xf32, #tpu.memory_space<vmem>>)
    %dma_wait3A_314 = arith.constant 3 : i32
    %dma_wait3A_315 = arith.constant 0 : i32
    %dma_wait3A_316 = arith.constant 0 : i32
    %dma_wait3A_317 = tpu.memref_slice %arg10[%dma_wait3A_314, %dma_wait3A_315, %dma_wait3A_316] : memref<7x64x128xf32, #tpu.memory_space<vmem>> -> memref<1x64x128xf32, #tpu.memory_space<vmem>>
    %dma_wait3A_318 = tpu.memref_squeeze %dma_wait3A_317 : memref<1x64x128xf32, #tpu.memory_space<vmem>> -> memref<64x128xf32, #tpu.memory_space<vmem>>
    %dma_wait3A_319 = arith.constant 192 : i32
    %dma_wait3A_320 = tpu.memref_slice %arg8[%dma_wait3A_319] : memref<512xi32, #tpu.memory_space<vmem>> -> memref<64xi32, #tpu.memory_space<vmem>>
    %dma_wait3A_321 = arith.constant 0 : i32
    %dma_wait3A_322 = arith.constant 0 : i32
    %dma_wait3A_323 = tpu.memref_slice %arg3[%dma_wait3A_321, %dma_wait3A_322] : memref<100000x128xf32, #tpu.memory_space<hbm>> -> memref<100000x128xf32, #tpu.memory_space<hbm>>
    tpu.wait_indirect_dma semaphore(%arg14 : memref<!tpu.dma_semaphore, #tpu.memory_space<semaphore_mem>>) src(%dma_wait3A_323 : memref<100000x128xf32, #tpu.memory_space<hbm>>) dst(%dma_wait3A_318 : memref<64x128xf32, #tpu.memory_space<vmem>>)
    %scan3A_324 = arith.constant 0 : i32
    %scan3A_325 = arith.constant 0 : i32
    %scan3A_326 = arith.constant 64 : i32
    %scan3A_327 = arith.addi %scan3A_325, %scan3A_326 : i32
    %scan3A_328 = arith.constant 1 : i32
    scf.for %scan3A_600 = %scan3A_325 to %scan3A_327 step %scan3A_328  : i32 {
      %get3A = arith.constant 3 : i32
      %get3A_601 = arith.index_cast %get3A : i32 to index
      %get3A_602 = arith.index_cast %scan3A_600 : i32 to index
      %get3A_603 = arith.constant 0 : index
      %get3A_604 = tpu.vector_load %arg9[%get3A_601, %get3A_602, %get3A_603] {strides = array<i32>} : memref<7x64x128xf32, #tpu.memory_space<vmem>>, vector<1x1x16xf32>,
      %get3A_605 = vector.shape_cast %get3A_604 : vector<1x1x16xf32> to vector<16xf32>
      %get3A_606 = arith.constant 3 : i32
      %get3A_607 = arith.index_cast %get3A_606 : i32 to index
      %get3A_608 = arith.index_cast %scan3A_600 : i32 to index
      %get3A_609 = arith.constant 0 : index
      %get3A_610 = tpu.vector_load %arg10[%get3A_607, %get3A_608, %get3A_609] {strides = array<i32>} : memref<7x64x128xf32, #tpu.memory_space<vmem>>, vector<1x1x16xf32>,
      %get3A_611 = vector.shape_cast %get3A_610 : vector<1x1x16xf32> to vector<16xf32>
      %mul3A_612 = arith.mulf %get3A_605, %get3A_611 : vector<16xf32>
      %swap3A = arith.constant 3 : i32
      %swap3A_613 = arith.index_cast %swap3A : i32 to index
      %swap3A_614 = arith.index_cast %scan3A_600 : i32 to index
      %swap3A_615 = arith.constant 0 : index
      %swap3A_616 = tpu.vector_load %arg9[%swap3A_613, %swap3A_614, %swap3A_615] {strides = array<i32>} : memref<7x64x128xf32, #tpu.memory_space<vmem>>, vector<1x1x16xf32>,
      %swap3A_617 = vector.shape_cast %swap3A_616 : vector<1x1x16xf32> to vector<16xf32>
      %swap3A_618 = vector.shape_cast %mul3A_612 : vector<16xf32> to vector<1x1x16xf32>
      tpu.vector_store %arg9[%swap3A_613, %swap3A_614, %swap3A_615], %swap3A_618 {strides = array<i32>} : memref<7x64x128xf32, #tpu.memory_space<vmem>>, vector<1x1x16xf32>,
      %get3A_619 = arith.constant 3 : i32
      %get3A_620 = arith.index_cast %get3A_619 : i32 to index
      %get3A_621 = arith.index_cast %scan3A_600 : i32 to index
      %get3A_622 = arith.constant 16 : index
      %get3A_623 = tpu.vector_load %arg9[%get3A_620, %get3A_621, %get3A_622] {strides = array<i32>} : memref<7x64x128xf32, #tpu.memory_space<vmem>>, vector<1x1x16xf32>,
      %get3A_624 = vector.shape_cast %get3A_623 : vector<1x1x16xf32> to vector<16xf32>
      %get3A_625 = arith.constant 3 : i32
      %get3A_626 = arith.index_cast %get3A_625 : i32 to index
      %get3A_627 = arith.index_cast %scan3A_600 : i32 to index
      %get3A_628 = arith.constant 16 : index
      %get3A_629 = tpu.vector_load %arg10[%get3A_626, %get3A_627, %get3A_628] {strides = array<i32>} : memref<7x64x128xf32, #tpu.memory_space<vmem>>, vector<1x1x16xf32>,
      %get3A_630 = vector.shape_cast %get3A_629 : vector<1x1x16xf32> to vector<16xf32>
      %mul3A_631 = arith.mulf %get3A_624, %get3A_630 : vector<16xf32>
      %swap3A_632 = arith.constant 3 : i32
      %swap3A_633 = arith.index_cast %swap3A_632 : i32 to index
      %swap3A_634 = arith.index_cast %scan3A_600 : i32 to index
      %swap3A_635 = arith.constant 16 : index
      %swap3A_636 = tpu.vector_load %arg9[%swap3A_633, %swap3A_634, %swap3A_635] {strides = array<i32>} : memref<7x64x128xf32, #tpu.memory_space<vmem>>, vector<1x1x16xf32>,
      %swap3A_637 = vector.shape_cast %swap3A_636 : vector<1x1x16xf32> to vector<16xf32>
      %swap3A_638 = vector.shape_cast %mul3A_631 : vector<16xf32> to vector<1x1x16xf32>
      tpu.vector_store %arg9[%swap3A_633, %swap3A_634, %swap3A_635], %swap3A_638 {strides = array<i32>} : memref<7x64x128xf32, #tpu.memory_space<vmem>>, vector<1x1x16xf32>,
      %get3A_639 = arith.constant 3 : i32
      %get3A_640 = arith.index_cast %get3A_639 : i32 to index
      %get3A_641 = arith.index_cast %scan3A_600 : i32 to index
      %get3A_642 = arith.constant 32 : index
      %get3A_643 = tpu.vector_load %arg9[%get3A_640, %get3A_641, %get3A_642] {strides = array<i32>} : memref<7x64x128xf32, #tpu.memory_space<vmem>>, vector<1x1x16xf32>,
      %get3A_644 = vector.shape_cast %get3A_643 : vector<1x1x16xf32> to vector<16xf32>
      %get3A_645 = arith.constant 3 : i32
      %get3A_646 = arith.index_cast %get3A_645 : i32 to index
      %get3A_647 = arith.index_cast %scan3A_600 : i32 to index
      %get3A_648 = arith.constant 32 : index
      %get3A_649 = tpu.vector_load %arg10[%get3A_646, %get3A_647, %get3A_648] {strides = array<i32>} : memref<7x64x128xf32, #tpu.memory_space<vmem>>, vector<1x1x16xf32>,
      %get3A_650 = vector.shape_cast %get3A_649 : vector<1x1x16xf32> to vector<16xf32>
      %mul3A_651 = arith.mulf %get3A_644, %get3A_650 : vector<16xf32>
      %swap3A_652 = arith.constant 3 : i32
      %swap3A_653 = arith.index_cast %swap3A_652 : i32 to index
      %swap3A_654 = arith.index_cast %scan3A_600 : i32 to index
      %swap3A_655 = arith.constant 32 : index
      %swap3A_656 = tpu.vector_load %arg9[%swap3A_653, %swap3A_654, %swap3A_655] {strides = array<i32>} : memref<7x64x128xf32, #tpu.memory_space<vmem>>, vector<1x1x16xf32>,
      %swap3A_657 = vector.shape_cast %swap3A_656 : vector<1x1x16xf32> to vector<16xf32>
      %swap3A_658 = vector.shape_cast %mul3A_651 : vector<16xf32> to vector<1x1x16xf32>
      tpu.vector_store %arg9[%swap3A_653, %swap3A_654, %swap3A_655], %swap3A_658 {strides = array<i32>} : memref<7x64x128xf32, #tpu.memory_space<vmem>>, vector<1x1x16xf32>,
      %get3A_659 = arith.constant 3 : i32
      %get3A_660 = arith.index_cast %get3A_659 : i32 to index
      %get3A_661 = arith.index_cast %scan3A_600 : i32 to index
      %get3A_662 = arith.constant 48 : index
      %get3A_663 = tpu.vector_load %arg9[%get3A_660, %get3A_661, %get3A_662] {strides = array<i32>} : memref<7x64x128xf32, #tpu.memory_space<vmem>>, vector<1x1x16xf32>,
      %get3A_664 = vector.shape_cast %get3A_663 : vector<1x1x16xf32> to vector<16xf32>
      %get3A_665 = arith.constant 3 : i32
      %get3A_666 = arith.index_cast %get3A_665 : i32 to index
      %get3A_667 = arith.index_cast %scan3A_600 : i32 to index
      %get3A_668 = arith.constant 48 : index
      %get3A_669 = tpu.vector_load %arg10[%get3A_666, %get3A_667, %get3A_668] {strides = array<i32>} : memref<7x64x128xf32, #tpu.memory_space<vmem>>, vector<1x1x16xf32>,
      %get3A_670 = vector.shape_cast %get3A_669 : vector<1x1x16xf32> to vector<16xf32>
      %mul3A_671 = arith.mulf %get3A_664, %get3A_670 : vector<16xf32>
      %swap3A_672 = arith.constant 3 : i32
      %swap3A_673 = arith.index_cast %swap3A_672 : i32 to index
      %swap3A_674 = arith.index_cast %scan3A_600 : i32 to index
      %swap3A_675 = arith.constant 48 : index
      %swap3A_676 = tpu.vector_load %arg9[%swap3A_673, %swap3A_674, %swap3A_675] {strides = array<i32>} : memref<7x64x128xf32, #tpu.memory_space<vmem>>, vector<1x1x16xf32>,
      %swap3A_677 = vector.shape_cast %swap3A_676 : vector<1x1x16xf32> to vector<16xf32>
      %swap3A_678 = vector.shape_cast %mul3A_671 : vector<16xf32> to vector<1x1x16xf32>
      tpu.vector_store %arg9[%swap3A_673, %swap3A_674, %swap3A_675], %swap3A_678 {strides = array<i32>} : memref<7x64x128xf32, #tpu.memory_space<vmem>>, vector<1x1x16xf32>,
      %get3A_679 = arith.constant 3 : i32
      %get3A_680 = arith.index_cast %get3A_679 : i32 to index
      %get3A_681 = arith.index_cast %scan3A_600 : i32 to index
      %get3A_682 = arith.constant 64 : index
      %get3A_683 = tpu.vector_load %arg9[%get3A_680, %get3A_681, %get3A_682] {strides = array<i32>} : memref<7x64x128xf32, #tpu.memory_space<vmem>>, vector<1x1x16xf32>,
      %get3A_684 = vector.shape_cast %get3A_683 : vector<1x1x16xf32> to vector<16xf32>
      %get3A_685 = arith.constant 3 : i32
      %get3A_686 = arith.index_cast %get3A_685 : i32 to index
      %get3A_687 = arith.index_cast %scan3A_600 : i32 to index
      %get3A_688 = arith.constant 64 : index
      %get3A_689 = tpu.vector_load %arg10[%get3A_686, %get3A_687, %get3A_688] {strides = array<i32>} : memref<7x64x128xf32, #tpu.memory_space<vmem>>, vector<1x1x16xf32>,
      %get3A_690 = vector.shape_cast %get3A_689 : vector<1x1x16xf32> to vector<16xf32>
      %mul3A_691 = arith.mulf %get3A_684, %get3A_690 : vector<16xf32>
      %swap3A_692 = arith.constant 3 : i32
      %swap3A_693 = arith.index_cast %swap3A_692 : i32 to index
      %swap3A_694 = arith.index_cast %scan3A_600 : i32 to index
      %swap3A_695 = arith.constant 64 : index
      %swap3A_696 = tpu.vector_load %arg9[%swap3A_693, %swap3A_694, %swap3A_695] {strides = array<i32>} : memref<7x64x128xf32, #tpu.memory_space<vmem>>, vector<1x1x16xf32>,
      %swap3A_697 = vector.shape_cast %swap3A_696 : vector<1x1x16xf32> to vector<16xf32>
      %swap3A_698 = vector.shape_cast %mul3A_691 : vector<16xf32> to vector<1x1x16xf32>
      tpu.vector_store %arg9[%swap3A_693, %swap3A_694, %swap3A_695], %swap3A_698 {strides = array<i32>} : memref<7x64x128xf32, #tpu.memory_space<vmem>>, vector<1x1x16xf32>,
      %get3A_699 = arith.constant 3 : i32
      %get3A_700 = arith.index_cast %get3A_699 : i32 to index
      %get3A_701 = arith.index_cast %scan3A_600 : i32 to index
      %get3A_702 = arith.constant 80 : index
      %get3A_703 = tpu.vector_load %arg9[%get3A_700, %get3A_701, %get3A_702] {strides = array<i32>} : memref<7x64x128xf32, #tpu.memory_space<vmem>>, vector<1x1x16xf32>,
      %get3A_704 = vector.shape_cast %get3A_703 : vector<1x1x16xf32> to vector<16xf32>
      %get3A_705 = arith.constant 3 : i32
      %get3A_706 = arith.index_cast %get3A_705 : i32 to index
      %get3A_707 = arith.index_cast %scan3A_600 : i32 to index
      %get3A_708 = arith.constant 80 : index
      %get3A_709 = tpu.vector_load %arg10[%get3A_706, %get3A_707, %get3A_708] {strides = array<i32>} : memref<7x64x128xf32, #tpu.memory_space<vmem>>, vector<1x1x16xf32>,
      %get3A_710 = vector.shape_cast %get3A_709 : vector<1x1x16xf32> to vector<16xf32>
      %mul3A_711 = arith.mulf %get3A_704, %get3A_710 : vector<16xf32>
      %swap3A_712 = arith.constant 3 : i32
      %swap3A_713 = arith.index_cast %swap3A_712 : i32 to index
      %swap3A_714 = arith.index_cast %scan3A_600 : i32 to index
      %swap3A_715 = arith.constant 80 : index
      %swap3A_716 = tpu.vector_load %arg9[%swap3A_713, %swap3A_714, %swap3A_715] {strides = array<i32>} : memref<7x64x128xf32, #tpu.memory_space<vmem>>, vector<1x1x16xf32>,
      %swap3A_717 = vector.shape_cast %swap3A_716 : vector<1x1x16xf32> to vector<16xf32>
      %swap3A_718 = vector.shape_cast %mul3A_711 : vector<16xf32> to vector<1x1x16xf32>
      tpu.vector_store %arg9[%swap3A_713, %swap3A_714, %swap3A_715], %swap3A_718 {strides = array<i32>} : memref<7x64x128xf32, #tpu.memory_space<vmem>>, vector<1x1x16xf32>,
      %get3A_719 = arith.constant 3 : i32
      %get3A_720 = arith.index_cast %get3A_719 : i32 to index
      %get3A_721 = arith.index_cast %scan3A_600 : i32 to index
      %get3A_722 = arith.constant 96 : index
      %get3A_723 = tpu.vector_load %arg9[%get3A_720, %get3A_721, %get3A_722] {strides = array<i32>} : memref<7x64x128xf32, #tpu.memory_space<vmem>>, vector<1x1x16xf32>,
      %get3A_724 = vector.shape_cast %get3A_723 : vector<1x1x16xf32> to vector<16xf32>
      %get3A_725 = arith.constant 3 : i32
      %get3A_726 = arith.index_cast %get3A_725 : i32 to index
      %get3A_727 = arith.index_cast %scan3A_600 : i32 to index
      %get3A_728 = arith.constant 96 : index
      %get3A_729 = tpu.vector_load %arg10[%get3A_726, %get3A_727, %get3A_728] {strides = array<i32>} : memref<7x64x128xf32, #tpu.memory_space<vmem>>, vector<1x1x16xf32>,
      %get3A_730 = vector.shape_cast %get3A_729 : vector<1x1x16xf32> to vector<16xf32>
      %mul3A_731 = arith.mulf %get3A_724, %get3A_730 : vector<16xf32>
      %swap3A_732 = arith.constant 3 : i32
      %swap3A_733 = arith.index_cast %swap3A_732 : i32 to index
      %swap3A_734 = arith.index_cast %scan3A_600 : i32 to index
      %swap3A_735 = arith.constant 96 : index
      %swap3A_736 = tpu.vector_load %arg9[%swap3A_733, %swap3A_734, %swap3A_735] {strides = array<i32>} : memref<7x64x128xf32, #tpu.memory_space<vmem>>, vector<1x1x16xf32>,
      %swap3A_737 = vector.shape_cast %swap3A_736 : vector<1x1x16xf32> to vector<16xf32>
      %swap3A_738 = vector.shape_cast %mul3A_731 : vector<16xf32> to vector<1x1x16xf32>
      tpu.vector_store %arg9[%swap3A_733, %swap3A_734, %swap3A_735], %swap3A_738 {strides = array<i32>} : memref<7x64x128xf32, #tpu.memory_space<vmem>>, vector<1x1x16xf32>,
      %get3A_739 = arith.constant 3 : i32
      %get3A_740 = arith.index_cast %get3A_739 : i32 to index
      %get3A_741 = arith.index_cast %scan3A_600 : i32 to index
      %get3A_742 = arith.constant 112 : index
      %get3A_743 = tpu.vector_load %arg9[%get3A_740, %get3A_741, %get3A_742] {strides = array<i32>} : memref<7x64x128xf32, #tpu.memory_space<vmem>>, vector<1x1x16xf32>,
      %get3A_744 = vector.shape_cast %get3A_743 : vector<1x1x16xf32> to vector<16xf32>
      %get3A_745 = arith.constant 3 : i32
      %get3A_746 = arith.index_cast %get3A_745 : i32 to index
      %get3A_747 = arith.index_cast %scan3A_600 : i32 to index
      %get3A_748 = arith.constant 112 : index
      %get3A_749 = tpu.vector_load %arg10[%get3A_746, %get3A_747, %get3A_748] {strides = array<i32>} : memref<7x64x128xf32, #tpu.memory_space<vmem>>, vector<1x1x16xf32>,
      %get3A_750 = vector.shape_cast %get3A_749 : vector<1x1x16xf32> to vector<16xf32>
      %mul3A_751 = arith.mulf %get3A_744, %get3A_750 : vector<16xf32>
      %swap3A_752 = arith.constant 3 : i32
      %swap3A_753 = arith.index_cast %swap3A_752 : i32 to index
      %swap3A_754 = arith.index_cast %scan3A_600 : i32 to index
      %swap3A_755 = arith.constant 112 : index
      %swap3A_756 = tpu.vector_load %arg9[%swap3A_753, %swap3A_754, %swap3A_755] {strides = array<i32>} : memref<7x64x128xf32, #tpu.memory_space<vmem>>, vector<1x1x16xf32>,
      %swap3A_757 = vector.shape_cast %swap3A_756 : vector<1x1x16xf32> to vector<16xf32>
      %swap3A_758 = vector.shape_cast %mul3A_751 : vector<16xf32> to vector<1x1x16xf32>
      tpu.vector_store %arg9[%swap3A_753, %swap3A_754, %swap3A_755], %swap3A_758 {strides = array<i32>} : memref<7x64x128xf32, #tpu.memory_space<vmem>>, vector<1x1x16xf32>,
    }
    %scan3A_329 = arith.constant 64 : i32
    %add3A_330 = arith.constant 192 : i32
    %add3A_331 = arith.addi %mul3A_2, %add3A_330 : i32
    %dma_start3A_332 = arith.constant 3 : i32
    %dma_start3A_333 = arith.constant 0 : i32
    %dma_start3A_334 = arith.constant 0 : i32
    %dma_start3A_335 = tpu.memref_slice %arg9[%dma_start3A_332, %dma_start3A_333, %dma_start3A_334] : memref<7x64x128xf32, #tpu.memory_space<vmem>> -> memref<1x64x128xf32, #tpu.memory_space<vmem>>
    %dma_start3A_336 = tpu.memref_squeeze %dma_start3A_335 : memref<1x64x128xf32, #tpu.memory_space<vmem>> -> memref<64x128xf32, #tpu.memory_space<vmem>>
    %dma_start3A_337 = arith.constant 0 : i32
    %dma_start3A_338 = tpu.memref_slice %arg6[%add3A_331, %dma_start3A_337] : memref<16384x128xf32, #tpu.memory_space<hbm>> -> memref<64x128xf32, #tpu.memory_space<hbm>>
    %dma_start3A_339 = arith.constant 0 : i32
    %dma_start3A_340 = tpu.memref_slice %arg6[%add3A_331, %dma_start3A_339] : memref<16384x128xf32, #tpu.memory_space<hbm>> -> memref<64x128xf32, #tpu.memory_space<hbm>>
    %dma_start3A_341 = arith.constant 0 : i32
    %dma_start3A_342 = arith.constant 0 : i32
    %dma_start3A_343 = tpu.memref_slice %arg9[%dma_start3A_332, %dma_start3A_341, %dma_start3A_342] : memref<7x64x128xf32, #tpu.memory_space<vmem>> -> memref<1x64x128xf32, #tpu.memory_space<vmem>>
    %dma_start3A_344 = tpu.memref_squeeze %dma_start3A_343 : memref<1x64x128xf32, #tpu.memory_space<vmem>> -> memref<64x128xf32, #tpu.memory_space<vmem>>
    tpu.enqueue_dma source(%dma_start3A_344 : memref<64x128xf32, #tpu.memory_space<vmem>>) target(%dma_start3A_340 : memref<64x128xf32, #tpu.memory_space<hbm>>) target_semaphore(%arg21 : memref<!tpu.dma_semaphore, #tpu.memory_space<semaphore_mem>>)
    %dma_wait3A_345 = arith.constant 4 : i32
    %dma_wait3A_346 = arith.constant 0 : i32
    %dma_wait3A_347 = arith.constant 0 : i32
    %dma_wait3A_348 = tpu.memref_slice %arg9[%dma_wait3A_345, %dma_wait3A_346, %dma_wait3A_347] : memref<7x64x128xf32, #tpu.memory_space<vmem>> -> memref<1x64x128xf32, #tpu.memory_space<vmem>>
    %dma_wait3A_349 = tpu.memref_squeeze %dma_wait3A_348 : memref<1x64x128xf32, #tpu.memory_space<vmem>> -> memref<64x128xf32, #tpu.memory_space<vmem>>
    %dma_wait3A_350 = arith.constant 256 : i32
    %dma_wait3A_351 = tpu.memref_slice %arg7[%dma_wait3A_350] : memref<512xi32, #tpu.memory_space<vmem>> -> memref<64xi32, #tpu.memory_space<vmem>>
    %dma_wait3A_352 = arith.constant 0 : i32
    %dma_wait3A_353 = arith.constant 0 : i32
    %dma_wait3A_354 = tpu.memref_slice %arg2[%dma_wait3A_352, %dma_wait3A_353] : memref<100000x128xf32, #tpu.memory_space<hbm>> -> memref<100000x128xf32, #tpu.memory_space<hbm>>
    tpu.wait_indirect_dma semaphore(%arg15 : memref<!tpu.dma_semaphore, #tpu.memory_space<semaphore_mem>>) src(%dma_wait3A_354 : memref<100000x128xf32, #tpu.memory_space<hbm>>) dst(%dma_wait3A_349 : memref<64x128xf32, #tpu.memory_space<vmem>>)
    %dma_wait3A_355 = arith.constant 4 : i32
    %dma_wait3A_356 = arith.constant 0 : i32
    %dma_wait3A_357 = arith.constant 0 : i32
    %dma_wait3A_358 = tpu.memref_slice %arg10[%dma_wait3A_355, %dma_wait3A_356, %dma_wait3A_357] : memref<7x64x128xf32, #tpu.memory_space<vmem>> -> memref<1x64x128xf32, #tpu.memory_space<vmem>>
    %dma_wait3A_359 = tpu.memref_squeeze %dma_wait3A_358 : memref<1x64x128xf32, #tpu.memory_space<vmem>> -> memref<64x128xf32, #tpu.memory_space<vmem>>
    %dma_wait3A_360 = arith.constant 256 : i32
    %dma_wait3A_361 = tpu.memref_slice %arg8[%dma_wait3A_360] : memref<512xi32, #tpu.memory_space<vmem>> -> memref<64xi32, #tpu.memory_space<vmem>>
    %dma_wait3A_362 = arith.constant 0 : i32
    %dma_wait3A_363 = arith.constant 0 : i32
    %dma_wait3A_364 = tpu.memref_slice %arg3[%dma_wait3A_362, %dma_wait3A_363] : memref<100000x128xf32, #tpu.memory_space<hbm>> -> memref<100000x128xf32, #tpu.memory_space<hbm>>
    tpu.wait_indirect_dma semaphore(%arg15 : memref<!tpu.dma_semaphore, #tpu.memory_space<semaphore_mem>>) src(%dma_wait3A_364 : memref<100000x128xf32, #tpu.memory_space<hbm>>) dst(%dma_wait3A_359 : memref<64x128xf32, #tpu.memory_space<vmem>>)
    %scan3A_365 = arith.constant 0 : i32
    %scan3A_366 = arith.constant 0 : i32
    %scan3A_367 = arith.constant 64 : i32
    %scan3A_368 = arith.addi %scan3A_366, %scan3A_367 : i32
    %scan3A_369 = arith.constant 1 : i32
    scf.for %scan3A_600 = %scan3A_366 to %scan3A_368 step %scan3A_369  : i32 {
      %get3A = arith.constant 4 : i32
      %get3A_601 = arith.index_cast %get3A : i32 to index
      %get3A_602 = arith.index_cast %scan3A_600 : i32 to index
      %get3A_603 = arith.constant 0 : index
      %get3A_604 = tpu.vector_load %arg9[%get3A_601, %get3A_602, %get3A_603] {strides = array<i32>} : memref<7x64x128xf32, #tpu.memory_space<vmem>>, vector<1x1x16xf32>,
      %get3A_605 = vector.shape_cast %get3A_604 : vector<1x1x16xf32> to vector<16xf32>
      %get3A_606 = arith.constant 4 : i32
      %get3A_607 = arith.index_cast %get3A_606 : i32 to index
      %get3A_608 = arith.index_cast %scan3A_600 : i32 to index
      %get3A_609 = arith.constant 0 : index
      %get3A_610 = tpu.vector_load %arg10[%get3A_607, %get3A_608, %get3A_609] {strides = array<i32>} : memref<7x64x128xf32, #tpu.memory_space<vmem>>, vector<1x1x16xf32>,
      %get3A_611 = vector.shape_cast %get3A_610 : vector<1x1x16xf32> to vector<16xf32>
      %mul3A_612 = arith.mulf %get3A_605, %get3A_611 : vector<16xf32>
      %swap3A = arith.constant 4 : i32
      %swap3A_613 = arith.index_cast %swap3A : i32 to index
      %swap3A_614 = arith.index_cast %scan3A_600 : i32 to index
      %swap3A_615 = arith.constant 0 : index
      %swap3A_616 = tpu.vector_load %arg9[%swap3A_613, %swap3A_614, %swap3A_615] {strides = array<i32>} : memref<7x64x128xf32, #tpu.memory_space<vmem>>, vector<1x1x16xf32>,
      %swap3A_617 = vector.shape_cast %swap3A_616 : vector<1x1x16xf32> to vector<16xf32>
      %swap3A_618 = vector.shape_cast %mul3A_612 : vector<16xf32> to vector<1x1x16xf32>
      tpu.vector_store %arg9[%swap3A_613, %swap3A_614, %swap3A_615], %swap3A_618 {strides = array<i32>} : memref<7x64x128xf32, #tpu.memory_space<vmem>>, vector<1x1x16xf32>,
      %get3A_619 = arith.constant 4 : i32
      %get3A_620 = arith.index_cast %get3A_619 : i32 to index
      %get3A_621 = arith.index_cast %scan3A_600 : i32 to index
      %get3A_622 = arith.constant 16 : index
      %get3A_623 = tpu.vector_load %arg9[%get3A_620, %get3A_621, %get3A_622] {strides = array<i32>} : memref<7x64x128xf32, #tpu.memory_space<vmem>>, vector<1x1x16xf32>,
      %get3A_624 = vector.shape_cast %get3A_623 : vector<1x1x16xf32> to vector<16xf32>
      %get3A_625 = arith.constant 4 : i32
      %get3A_626 = arith.index_cast %get3A_625 : i32 to index
      %get3A_627 = arith.index_cast %scan3A_600 : i32 to index
      %get3A_628 = arith.constant 16 : index
      %get3A_629 = tpu.vector_load %arg10[%get3A_626, %get3A_627, %get3A_628] {strides = array<i32>} : memref<7x64x128xf32, #tpu.memory_space<vmem>>, vector<1x1x16xf32>,
      %get3A_630 = vector.shape_cast %get3A_629 : vector<1x1x16xf32> to vector<16xf32>
      %mul3A_631 = arith.mulf %get3A_624, %get3A_630 : vector<16xf32>
      %swap3A_632 = arith.constant 4 : i32
      %swap3A_633 = arith.index_cast %swap3A_632 : i32 to index
      %swap3A_634 = arith.index_cast %scan3A_600 : i32 to index
      %swap3A_635 = arith.constant 16 : index
      %swap3A_636 = tpu.vector_load %arg9[%swap3A_633, %swap3A_634, %swap3A_635] {strides = array<i32>} : memref<7x64x128xf32, #tpu.memory_space<vmem>>, vector<1x1x16xf32>,
      %swap3A_637 = vector.shape_cast %swap3A_636 : vector<1x1x16xf32> to vector<16xf32>
      %swap3A_638 = vector.shape_cast %mul3A_631 : vector<16xf32> to vector<1x1x16xf32>
      tpu.vector_store %arg9[%swap3A_633, %swap3A_634, %swap3A_635], %swap3A_638 {strides = array<i32>} : memref<7x64x128xf32, #tpu.memory_space<vmem>>, vector<1x1x16xf32>,
      %get3A_639 = arith.constant 4 : i32
      %get3A_640 = arith.index_cast %get3A_639 : i32 to index
      %get3A_641 = arith.index_cast %scan3A_600 : i32 to index
      %get3A_642 = arith.constant 32 : index
      %get3A_643 = tpu.vector_load %arg9[%get3A_640, %get3A_641, %get3A_642] {strides = array<i32>} : memref<7x64x128xf32, #tpu.memory_space<vmem>>, vector<1x1x16xf32>,
      %get3A_644 = vector.shape_cast %get3A_643 : vector<1x1x16xf32> to vector<16xf32>
      %get3A_645 = arith.constant 4 : i32
      %get3A_646 = arith.index_cast %get3A_645 : i32 to index
      %get3A_647 = arith.index_cast %scan3A_600 : i32 to index
      %get3A_648 = arith.constant 32 : index
      %get3A_649 = tpu.vector_load %arg10[%get3A_646, %get3A_647, %get3A_648] {strides = array<i32>} : memref<7x64x128xf32, #tpu.memory_space<vmem>>, vector<1x1x16xf32>,
      %get3A_650 = vector.shape_cast %get3A_649 : vector<1x1x16xf32> to vector<16xf32>
      %mul3A_651 = arith.mulf %get3A_644, %get3A_650 : vector<16xf32>
      %swap3A_652 = arith.constant 4 : i32
      %swap3A_653 = arith.index_cast %swap3A_652 : i32 to index
      %swap3A_654 = arith.index_cast %scan3A_600 : i32 to index
      %swap3A_655 = arith.constant 32 : index
      %swap3A_656 = tpu.vector_load %arg9[%swap3A_653, %swap3A_654, %swap3A_655] {strides = array<i32>} : memref<7x64x128xf32, #tpu.memory_space<vmem>>, vector<1x1x16xf32>,
      %swap3A_657 = vector.shape_cast %swap3A_656 : vector<1x1x16xf32> to vector<16xf32>
      %swap3A_658 = vector.shape_cast %mul3A_651 : vector<16xf32> to vector<1x1x16xf32>
      tpu.vector_store %arg9[%swap3A_653, %swap3A_654, %swap3A_655], %swap3A_658 {strides = array<i32>} : memref<7x64x128xf32, #tpu.memory_space<vmem>>, vector<1x1x16xf32>,
      %get3A_659 = arith.constant 4 : i32
      %get3A_660 = arith.index_cast %get3A_659 : i32 to index
      %get3A_661 = arith.index_cast %scan3A_600 : i32 to index
      %get3A_662 = arith.constant 48 : index
      %get3A_663 = tpu.vector_load %arg9[%get3A_660, %get3A_661, %get3A_662] {strides = array<i32>} : memref<7x64x128xf32, #tpu.memory_space<vmem>>, vector<1x1x16xf32>,
      %get3A_664 = vector.shape_cast %get3A_663 : vector<1x1x16xf32> to vector<16xf32>
      %get3A_665 = arith.constant 4 : i32
      %get3A_666 = arith.index_cast %get3A_665 : i32 to index
      %get3A_667 = arith.index_cast %scan3A_600 : i32 to index
      %get3A_668 = arith.constant 48 : index
      %get3A_669 = tpu.vector_load %arg10[%get3A_666, %get3A_667, %get3A_668] {strides = array<i32>} : memref<7x64x128xf32, #tpu.memory_space<vmem>>, vector<1x1x16xf32>,
      %get3A_670 = vector.shape_cast %get3A_669 : vector<1x1x16xf32> to vector<16xf32>
      %mul3A_671 = arith.mulf %get3A_664, %get3A_670 : vector<16xf32>
      %swap3A_672 = arith.constant 4 : i32
      %swap3A_673 = arith.index_cast %swap3A_672 : i32 to index
      %swap3A_674 = arith.index_cast %scan3A_600 : i32 to index
      %swap3A_675 = arith.constant 48 : index
      %swap3A_676 = tpu.vector_load %arg9[%swap3A_673, %swap3A_674, %swap3A_675] {strides = array<i32>} : memref<7x64x128xf32, #tpu.memory_space<vmem>>, vector<1x1x16xf32>,
      %swap3A_677 = vector.shape_cast %swap3A_676 : vector<1x1x16xf32> to vector<16xf32>
      %swap3A_678 = vector.shape_cast %mul3A_671 : vector<16xf32> to vector<1x1x16xf32>
      tpu.vector_store %arg9[%swap3A_673, %swap3A_674, %swap3A_675], %swap3A_678 {strides = array<i32>} : memref<7x64x128xf32, #tpu.memory_space<vmem>>, vector<1x1x16xf32>,
      %get3A_679 = arith.constant 4 : i32
      %get3A_680 = arith.index_cast %get3A_679 : i32 to index
      %get3A_681 = arith.index_cast %scan3A_600 : i32 to index
      %get3A_682 = arith.constant 64 : index
      %get3A_683 = tpu.vector_load %arg9[%get3A_680, %get3A_681, %get3A_682] {strides = array<i32>} : memref<7x64x128xf32, #tpu.memory_space<vmem>>, vector<1x1x16xf32>,
      %get3A_684 = vector.shape_cast %get3A_683 : vector<1x1x16xf32> to vector<16xf32>
      %get3A_685 = arith.constant 4 : i32
      %get3A_686 = arith.index_cast %get3A_685 : i32 to index
      %get3A_687 = arith.index_cast %scan3A_600 : i32 to index
      %get3A_688 = arith.constant 64 : index
      %get3A_689 = tpu.vector_load %arg10[%get3A_686, %get3A_687, %get3A_688] {strides = array<i32>} : memref<7x64x128xf32, #tpu.memory_space<vmem>>, vector<1x1x16xf32>,
      %get3A_690 = vector.shape_cast %get3A_689 : vector<1x1x16xf32> to vector<16xf32>
      %mul3A_691 = arith.mulf %get3A_684, %get3A_690 : vector<16xf32>
      %swap3A_692 = arith.constant 4 : i32
      %swap3A_693 = arith.index_cast %swap3A_692 : i32 to index
      %swap3A_694 = arith.index_cast %scan3A_600 : i32 to index
      %swap3A_695 = arith.constant 64 : index
      %swap3A_696 = tpu.vector_load %arg9[%swap3A_693, %swap3A_694, %swap3A_695] {strides = array<i32>} : memref<7x64x128xf32, #tpu.memory_space<vmem>>, vector<1x1x16xf32>,
      %swap3A_697 = vector.shape_cast %swap3A_696 : vector<1x1x16xf32> to vector<16xf32>
      %swap3A_698 = vector.shape_cast %mul3A_691 : vector<16xf32> to vector<1x1x16xf32>
      tpu.vector_store %arg9[%swap3A_693, %swap3A_694, %swap3A_695], %swap3A_698 {strides = array<i32>} : memref<7x64x128xf32, #tpu.memory_space<vmem>>, vector<1x1x16xf32>,
      %get3A_699 = arith.constant 4 : i32
      %get3A_700 = arith.index_cast %get3A_699 : i32 to index
      %get3A_701 = arith.index_cast %scan3A_600 : i32 to index
      %get3A_702 = arith.constant 80 : index
      %get3A_703 = tpu.vector_load %arg9[%get3A_700, %get3A_701, %get3A_702] {strides = array<i32>} : memref<7x64x128xf32, #tpu.memory_space<vmem>>, vector<1x1x16xf32>,
      %get3A_704 = vector.shape_cast %get3A_703 : vector<1x1x16xf32> to vector<16xf32>
      %get3A_705 = arith.constant 4 : i32
      %get3A_706 = arith.index_cast %get3A_705 : i32 to index
      %get3A_707 = arith.index_cast %scan3A_600 : i32 to index
      %get3A_708 = arith.constant 80 : index
      %get3A_709 = tpu.vector_load %arg10[%get3A_706, %get3A_707, %get3A_708] {strides = array<i32>} : memref<7x64x128xf32, #tpu.memory_space<vmem>>, vector<1x1x16xf32>,
      %get3A_710 = vector.shape_cast %get3A_709 : vector<1x1x16xf32> to vector<16xf32>
      %mul3A_711 = arith.mulf %get3A_704, %get3A_710 : vector<16xf32>
      %swap3A_712 = arith.constant 4 : i32
      %swap3A_713 = arith.index_cast %swap3A_712 : i32 to index
      %swap3A_714 = arith.index_cast %scan3A_600 : i32 to index
      %swap3A_715 = arith.constant 80 : index
      %swap3A_716 = tpu.vector_load %arg9[%swap3A_713, %swap3A_714, %swap3A_715] {strides = array<i32>} : memref<7x64x128xf32, #tpu.memory_space<vmem>>, vector<1x1x16xf32>,
      %swap3A_717 = vector.shape_cast %swap3A_716 : vector<1x1x16xf32> to vector<16xf32>
      %swap3A_718 = vector.shape_cast %mul3A_711 : vector<16xf32> to vector<1x1x16xf32>
      tpu.vector_store %arg9[%swap3A_713, %swap3A_714, %swap3A_715], %swap3A_718 {strides = array<i32>} : memref<7x64x128xf32, #tpu.memory_space<vmem>>, vector<1x1x16xf32>,
      %get3A_719 = arith.constant 4 : i32
      %get3A_720 = arith.index_cast %get3A_719 : i32 to index
      %get3A_721 = arith.index_cast %scan3A_600 : i32 to index
      %get3A_722 = arith.constant 96 : index
      %get3A_723 = tpu.vector_load %arg9[%get3A_720, %get3A_721, %get3A_722] {strides = array<i32>} : memref<7x64x128xf32, #tpu.memory_space<vmem>>, vector<1x1x16xf32>,
      %get3A_724 = vector.shape_cast %get3A_723 : vector<1x1x16xf32> to vector<16xf32>
      %get3A_725 = arith.constant 4 : i32
      %get3A_726 = arith.index_cast %get3A_725 : i32 to index
      %get3A_727 = arith.index_cast %scan3A_600 : i32 to index
      %get3A_728 = arith.constant 96 : index
      %get3A_729 = tpu.vector_load %arg10[%get3A_726, %get3A_727, %get3A_728] {strides = array<i32>} : memref<7x64x128xf32, #tpu.memory_space<vmem>>, vector<1x1x16xf32>,
      %get3A_730 = vector.shape_cast %get3A_729 : vector<1x1x16xf32> to vector<16xf32>
      %mul3A_731 = arith.mulf %get3A_724, %get3A_730 : vector<16xf32>
      %swap3A_732 = arith.constant 4 : i32
      %swap3A_733 = arith.index_cast %swap3A_732 : i32 to index
      %swap3A_734 = arith.index_cast %scan3A_600 : i32 to index
      %swap3A_735 = arith.constant 96 : index
      %swap3A_736 = tpu.vector_load %arg9[%swap3A_733, %swap3A_734, %swap3A_735] {strides = array<i32>} : memref<7x64x128xf32, #tpu.memory_space<vmem>>, vector<1x1x16xf32>,
      %swap3A_737 = vector.shape_cast %swap3A_736 : vector<1x1x16xf32> to vector<16xf32>
      %swap3A_738 = vector.shape_cast %mul3A_731 : vector<16xf32> to vector<1x1x16xf32>
      tpu.vector_store %arg9[%swap3A_733, %swap3A_734, %swap3A_735], %swap3A_738 {strides = array<i32>} : memref<7x64x128xf32, #tpu.memory_space<vmem>>, vector<1x1x16xf32>,
      %get3A_739 = arith.constant 4 : i32
      %get3A_740 = arith.index_cast %get3A_739 : i32 to index
      %get3A_741 = arith.index_cast %scan3A_600 : i32 to index
      %get3A_742 = arith.constant 112 : index
      %get3A_743 = tpu.vector_load %arg9[%get3A_740, %get3A_741, %get3A_742] {strides = array<i32>} : memref<7x64x128xf32, #tpu.memory_space<vmem>>, vector<1x1x16xf32>,
      %get3A_744 = vector.shape_cast %get3A_743 : vector<1x1x16xf32> to vector<16xf32>
      %get3A_745 = arith.constant 4 : i32
      %get3A_746 = arith.index_cast %get3A_745 : i32 to index
      %get3A_747 = arith.index_cast %scan3A_600 : i32 to index
      %get3A_748 = arith.constant 112 : index
      %get3A_749 = tpu.vector_load %arg10[%get3A_746, %get3A_747, %get3A_748] {strides = array<i32>} : memref<7x64x128xf32, #tpu.memory_space<vmem>>, vector<1x1x16xf32>,
      %get3A_750 = vector.shape_cast %get3A_749 : vector<1x1x16xf32> to vector<16xf32>
      %mul3A_751 = arith.mulf %get3A_744, %get3A_750 : vector<16xf32>
      %swap3A_752 = arith.constant 4 : i32
      %swap3A_753 = arith.index_cast %swap3A_752 : i32 to index
      %swap3A_754 = arith.index_cast %scan3A_600 : i32 to index
      %swap3A_755 = arith.constant 112 : index
      %swap3A_756 = tpu.vector_load %arg9[%swap3A_753, %swap3A_754, %swap3A_755] {strides = array<i32>} : memref<7x64x128xf32, #tpu.memory_space<vmem>>, vector<1x1x16xf32>,
      %swap3A_757 = vector.shape_cast %swap3A_756 : vector<1x1x16xf32> to vector<16xf32>
      %swap3A_758 = vector.shape_cast %mul3A_751 : vector<16xf32> to vector<1x1x16xf32>
      tpu.vector_store %arg9[%swap3A_753, %swap3A_754, %swap3A_755], %swap3A_758 {strides = array<i32>} : memref<7x64x128xf32, #tpu.memory_space<vmem>>, vector<1x1x16xf32>,
    }
    %scan3A_370 = arith.constant 64 : i32
    %add3A_371 = arith.constant 256 : i32
    %add3A_372 = arith.addi %mul3A_2, %add3A_371 : i32
    %dma_start3A_373 = arith.constant 4 : i32
    %dma_start3A_374 = arith.constant 0 : i32
    %dma_start3A_375 = arith.constant 0 : i32
    %dma_start3A_376 = tpu.memref_slice %arg9[%dma_start3A_373, %dma_start3A_374, %dma_start3A_375] : memref<7x64x128xf32, #tpu.memory_space<vmem>> -> memref<1x64x128xf32, #tpu.memory_space<vmem>>
    %dma_start3A_377 = tpu.memref_squeeze %dma_start3A_376 : memref<1x64x128xf32, #tpu.memory_space<vmem>> -> memref<64x128xf32, #tpu.memory_space<vmem>>
    %dma_start3A_378 = arith.constant 0 : i32
    %dma_start3A_379 = tpu.memref_slice %arg6[%add3A_372, %dma_start3A_378] : memref<16384x128xf32, #tpu.memory_space<hbm>> -> memref<64x128xf32, #tpu.memory_space<hbm>>
    %dma_start3A_380 = arith.constant 0 : i32
    %dma_start3A_381 = tpu.memref_slice %arg6[%add3A_372, %dma_start3A_380] : memref<16384x128xf32, #tpu.memory_space<hbm>> -> memref<64x128xf32, #tpu.memory_space<hbm>>
    %dma_start3A_382 = arith.constant 0 : i32
    %dma_start3A_383 = arith.constant 0 : i32
    %dma_start3A_384 = tpu.memref_slice %arg9[%dma_start3A_373, %dma_start3A_382, %dma_start3A_383] : memref<7x64x128xf32, #tpu.memory_space<vmem>> -> memref<1x64x128xf32, #tpu.memory_space<vmem>>
    %dma_start3A_385 = tpu.memref_squeeze %dma_start3A_384 : memref<1x64x128xf32, #tpu.memory_space<vmem>> -> memref<64x128xf32, #tpu.memory_space<vmem>>
    tpu.enqueue_dma source(%dma_start3A_385 : memref<64x128xf32, #tpu.memory_space<vmem>>) target(%dma_start3A_381 : memref<64x128xf32, #tpu.memory_space<hbm>>) target_semaphore(%arg22 : memref<!tpu.dma_semaphore, #tpu.memory_space<semaphore_mem>>)
    %dma_wait3A_386 = arith.constant 5 : i32
    %dma_wait3A_387 = arith.constant 0 : i32
    %dma_wait3A_388 = arith.constant 0 : i32
    %dma_wait3A_389 = tpu.memref_slice %arg9[%dma_wait3A_386, %dma_wait3A_387, %dma_wait3A_388] : memref<7x64x128xf32, #tpu.memory_space<vmem>> -> memref<1x64x128xf32, #tpu.memory_space<vmem>>
    %dma_wait3A_390 = tpu.memref_squeeze %dma_wait3A_389 : memref<1x64x128xf32, #tpu.memory_space<vmem>> -> memref<64x128xf32, #tpu.memory_space<vmem>>
    %dma_wait3A_391 = arith.constant 320 : i32
    %dma_wait3A_392 = tpu.memref_slice %arg7[%dma_wait3A_391] : memref<512xi32, #tpu.memory_space<vmem>> -> memref<64xi32, #tpu.memory_space<vmem>>
    %dma_wait3A_393 = arith.constant 0 : i32
    %dma_wait3A_394 = arith.constant 0 : i32
    %dma_wait3A_395 = tpu.memref_slice %arg2[%dma_wait3A_393, %dma_wait3A_394] : memref<100000x128xf32, #tpu.memory_space<hbm>> -> memref<100000x128xf32, #tpu.memory_space<hbm>>
    tpu.wait_indirect_dma semaphore(%arg16 : memref<!tpu.dma_semaphore, #tpu.memory_space<semaphore_mem>>) src(%dma_wait3A_395 : memref<100000x128xf32, #tpu.memory_space<hbm>>) dst(%dma_wait3A_390 : memref<64x128xf32, #tpu.memory_space<vmem>>)
    %dma_wait3A_396 = arith.constant 5 : i32
    %dma_wait3A_397 = arith.constant 0 : i32
    %dma_wait3A_398 = arith.constant 0 : i32
    %dma_wait3A_399 = tpu.memref_slice %arg10[%dma_wait3A_396, %dma_wait3A_397, %dma_wait3A_398] : memref<7x64x128xf32, #tpu.memory_space<vmem>> -> memref<1x64x128xf32, #tpu.memory_space<vmem>>
    %dma_wait3A_400 = tpu.memref_squeeze %dma_wait3A_399 : memref<1x64x128xf32, #tpu.memory_space<vmem>> -> memref<64x128xf32, #tpu.memory_space<vmem>>
    %dma_wait3A_401 = arith.constant 320 : i32
    %dma_wait3A_402 = tpu.memref_slice %arg8[%dma_wait3A_401] : memref<512xi32, #tpu.memory_space<vmem>> -> memref<64xi32, #tpu.memory_space<vmem>>
    %dma_wait3A_403 = arith.constant 0 : i32
    %dma_wait3A_404 = arith.constant 0 : i32
    %dma_wait3A_405 = tpu.memref_slice %arg3[%dma_wait3A_403, %dma_wait3A_404] : memref<100000x128xf32, #tpu.memory_space<hbm>> -> memref<100000x128xf32, #tpu.memory_space<hbm>>
    tpu.wait_indirect_dma semaphore(%arg16 : memref<!tpu.dma_semaphore, #tpu.memory_space<semaphore_mem>>) src(%dma_wait3A_405 : memref<100000x128xf32, #tpu.memory_space<hbm>>) dst(%dma_wait3A_400 : memref<64x128xf32, #tpu.memory_space<vmem>>)
    %scan3A_406 = arith.constant 0 : i32
    %scan3A_407 = arith.constant 0 : i32
    %scan3A_408 = arith.constant 64 : i32
    %scan3A_409 = arith.addi %scan3A_407, %scan3A_408 : i32
    %scan3A_410 = arith.constant 1 : i32
    scf.for %scan3A_600 = %scan3A_407 to %scan3A_409 step %scan3A_410  : i32 {
      %get3A = arith.constant 5 : i32
      %get3A_601 = arith.index_cast %get3A : i32 to index
      %get3A_602 = arith.index_cast %scan3A_600 : i32 to index
      %get3A_603 = arith.constant 0 : index
      %get3A_604 = tpu.vector_load %arg9[%get3A_601, %get3A_602, %get3A_603] {strides = array<i32>} : memref<7x64x128xf32, #tpu.memory_space<vmem>>, vector<1x1x16xf32>,
      %get3A_605 = vector.shape_cast %get3A_604 : vector<1x1x16xf32> to vector<16xf32>
      %get3A_606 = arith.constant 5 : i32
      %get3A_607 = arith.index_cast %get3A_606 : i32 to index
      %get3A_608 = arith.index_cast %scan3A_600 : i32 to index
      %get3A_609 = arith.constant 0 : index
      %get3A_610 = tpu.vector_load %arg10[%get3A_607, %get3A_608, %get3A_609] {strides = array<i32>} : memref<7x64x128xf32, #tpu.memory_space<vmem>>, vector<1x1x16xf32>,
      %get3A_611 = vector.shape_cast %get3A_610 : vector<1x1x16xf32> to vector<16xf32>
      %mul3A_612 = arith.mulf %get3A_605, %get3A_611 : vector<16xf32>
      %swap3A = arith.constant 5 : i32
      %swap3A_613 = arith.index_cast %swap3A : i32 to index
      %swap3A_614 = arith.index_cast %scan3A_600 : i32 to index
      %swap3A_615 = arith.constant 0 : index
      %swap3A_616 = tpu.vector_load %arg9[%swap3A_613, %swap3A_614, %swap3A_615] {strides = array<i32>} : memref<7x64x128xf32, #tpu.memory_space<vmem>>, vector<1x1x16xf32>,
      %swap3A_617 = vector.shape_cast %swap3A_616 : vector<1x1x16xf32> to vector<16xf32>
      %swap3A_618 = vector.shape_cast %mul3A_612 : vector<16xf32> to vector<1x1x16xf32>
      tpu.vector_store %arg9[%swap3A_613, %swap3A_614, %swap3A_615], %swap3A_618 {strides = array<i32>} : memref<7x64x128xf32, #tpu.memory_space<vmem>>, vector<1x1x16xf32>,
      %get3A_619 = arith.constant 5 : i32
      %get3A_620 = arith.index_cast %get3A_619 : i32 to index
      %get3A_621 = arith.index_cast %scan3A_600 : i32 to index
      %get3A_622 = arith.constant 16 : index
      %get3A_623 = tpu.vector_load %arg9[%get3A_620, %get3A_621, %get3A_622] {strides = array<i32>} : memref<7x64x128xf32, #tpu.memory_space<vmem>>, vector<1x1x16xf32>,
      %get3A_624 = vector.shape_cast %get3A_623 : vector<1x1x16xf32> to vector<16xf32>
      %get3A_625 = arith.constant 5 : i32
      %get3A_626 = arith.index_cast %get3A_625 : i32 to index
      %get3A_627 = arith.index_cast %scan3A_600 : i32 to index
      %get3A_628 = arith.constant 16 : index
      %get3A_629 = tpu.vector_load %arg10[%get3A_626, %get3A_627, %get3A_628] {strides = array<i32>} : memref<7x64x128xf32, #tpu.memory_space<vmem>>, vector<1x1x16xf32>,
      %get3A_630 = vector.shape_cast %get3A_629 : vector<1x1x16xf32> to vector<16xf32>
      %mul3A_631 = arith.mulf %get3A_624, %get3A_630 : vector<16xf32>
      %swap3A_632 = arith.constant 5 : i32
      %swap3A_633 = arith.index_cast %swap3A_632 : i32 to index
      %swap3A_634 = arith.index_cast %scan3A_600 : i32 to index
      %swap3A_635 = arith.constant 16 : index
      %swap3A_636 = tpu.vector_load %arg9[%swap3A_633, %swap3A_634, %swap3A_635] {strides = array<i32>} : memref<7x64x128xf32, #tpu.memory_space<vmem>>, vector<1x1x16xf32>,
      %swap3A_637 = vector.shape_cast %swap3A_636 : vector<1x1x16xf32> to vector<16xf32>
      %swap3A_638 = vector.shape_cast %mul3A_631 : vector<16xf32> to vector<1x1x16xf32>
      tpu.vector_store %arg9[%swap3A_633, %swap3A_634, %swap3A_635], %swap3A_638 {strides = array<i32>} : memref<7x64x128xf32, #tpu.memory_space<vmem>>, vector<1x1x16xf32>,
      %get3A_639 = arith.constant 5 : i32
      %get3A_640 = arith.index_cast %get3A_639 : i32 to index
      %get3A_641 = arith.index_cast %scan3A_600 : i32 to index
      %get3A_642 = arith.constant 32 : index
      %get3A_643 = tpu.vector_load %arg9[%get3A_640, %get3A_641, %get3A_642] {strides = array<i32>} : memref<7x64x128xf32, #tpu.memory_space<vmem>>, vector<1x1x16xf32>,
      %get3A_644 = vector.shape_cast %get3A_643 : vector<1x1x16xf32> to vector<16xf32>
      %get3A_645 = arith.constant 5 : i32
      %get3A_646 = arith.index_cast %get3A_645 : i32 to index
      %get3A_647 = arith.index_cast %scan3A_600 : i32 to index
      %get3A_648 = arith.constant 32 : index
      %get3A_649 = tpu.vector_load %arg10[%get3A_646, %get3A_647, %get3A_648] {strides = array<i32>} : memref<7x64x128xf32, #tpu.memory_space<vmem>>, vector<1x1x16xf32>,
      %get3A_650 = vector.shape_cast %get3A_649 : vector<1x1x16xf32> to vector<16xf32>
      %mul3A_651 = arith.mulf %get3A_644, %get3A_650 : vector<16xf32>
      %swap3A_652 = arith.constant 5 : i32
      %swap3A_653 = arith.index_cast %swap3A_652 : i32 to index
      %swap3A_654 = arith.index_cast %scan3A_600 : i32 to index
      %swap3A_655 = arith.constant 32 : index
      %swap3A_656 = tpu.vector_load %arg9[%swap3A_653, %swap3A_654, %swap3A_655] {strides = array<i32>} : memref<7x64x128xf32, #tpu.memory_space<vmem>>, vector<1x1x16xf32>,
      %swap3A_657 = vector.shape_cast %swap3A_656 : vector<1x1x16xf32> to vector<16xf32>
      %swap3A_658 = vector.shape_cast %mul3A_651 : vector<16xf32> to vector<1x1x16xf32>
      tpu.vector_store %arg9[%swap3A_653, %swap3A_654, %swap3A_655], %swap3A_658 {strides = array<i32>} : memref<7x64x128xf32, #tpu.memory_space<vmem>>, vector<1x1x16xf32>,
      %get3A_659 = arith.constant 5 : i32
      %get3A_660 = arith.index_cast %get3A_659 : i32 to index
      %get3A_661 = arith.index_cast %scan3A_600 : i32 to index
      %get3A_662 = arith.constant 48 : index
      %get3A_663 = tpu.vector_load %arg9[%get3A_660, %get3A_661, %get3A_662] {strides = array<i32>} : memref<7x64x128xf32, #tpu.memory_space<vmem>>, vector<1x1x16xf32>,
      %get3A_664 = vector.shape_cast %get3A_663 : vector<1x1x16xf32> to vector<16xf32>
      %get3A_665 = arith.constant 5 : i32
      %get3A_666 = arith.index_cast %get3A_665 : i32 to index
      %get3A_667 = arith.index_cast %scan3A_600 : i32 to index
      %get3A_668 = arith.constant 48 : index
      %get3A_669 = tpu.vector_load %arg10[%get3A_666, %get3A_667, %get3A_668] {strides = array<i32>} : memref<7x64x128xf32, #tpu.memory_space<vmem>>, vector<1x1x16xf32>,
      %get3A_670 = vector.shape_cast %get3A_669 : vector<1x1x16xf32> to vector<16xf32>
      %mul3A_671 = arith.mulf %get3A_664, %get3A_670 : vector<16xf32>
      %swap3A_672 = arith.constant 5 : i32
      %swap3A_673 = arith.index_cast %swap3A_672 : i32 to index
      %swap3A_674 = arith.index_cast %scan3A_600 : i32 to index
      %swap3A_675 = arith.constant 48 : index
      %swap3A_676 = tpu.vector_load %arg9[%swap3A_673, %swap3A_674, %swap3A_675] {strides = array<i32>} : memref<7x64x128xf32, #tpu.memory_space<vmem>>, vector<1x1x16xf32>,
      %swap3A_677 = vector.shape_cast %swap3A_676 : vector<1x1x16xf32> to vector<16xf32>
      %swap3A_678 = vector.shape_cast %mul3A_671 : vector<16xf32> to vector<1x1x16xf32>
      tpu.vector_store %arg9[%swap3A_673, %swap3A_674, %swap3A_675], %swap3A_678 {strides = array<i32>} : memref<7x64x128xf32, #tpu.memory_space<vmem>>, vector<1x1x16xf32>,
      %get3A_679 = arith.constant 5 : i32
      %get3A_680 = arith.index_cast %get3A_679 : i32 to index
      %get3A_681 = arith.index_cast %scan3A_600 : i32 to index
      %get3A_682 = arith.constant 64 : index
      %get3A_683 = tpu.vector_load %arg9[%get3A_680, %get3A_681, %get3A_682] {strides = array<i32>} : memref<7x64x128xf32, #tpu.memory_space<vmem>>, vector<1x1x16xf32>,
      %get3A_684 = vector.shape_cast %get3A_683 : vector<1x1x16xf32> to vector<16xf32>
      %get3A_685 = arith.constant 5 : i32
      %get3A_686 = arith.index_cast %get3A_685 : i32 to index
      %get3A_687 = arith.index_cast %scan3A_600 : i32 to index
      %get3A_688 = arith.constant 64 : index
      %get3A_689 = tpu.vector_load %arg10[%get3A_686, %get3A_687, %get3A_688] {strides = array<i32>} : memref<7x64x128xf32, #tpu.memory_space<vmem>>, vector<1x1x16xf32>,
      %get3A_690 = vector.shape_cast %get3A_689 : vector<1x1x16xf32> to vector<16xf32>
      %mul3A_691 = arith.mulf %get3A_684, %get3A_690 : vector<16xf32>
      %swap3A_692 = arith.constant 5 : i32
      %swap3A_693 = arith.index_cast %swap3A_692 : i32 to index
      %swap3A_694 = arith.index_cast %scan3A_600 : i32 to index
      %swap3A_695 = arith.constant 64 : index
      %swap3A_696 = tpu.vector_load %arg9[%swap3A_693, %swap3A_694, %swap3A_695] {strides = array<i32>} : memref<7x64x128xf32, #tpu.memory_space<vmem>>, vector<1x1x16xf32>,
      %swap3A_697 = vector.shape_cast %swap3A_696 : vector<1x1x16xf32> to vector<16xf32>
      %swap3A_698 = vector.shape_cast %mul3A_691 : vector<16xf32> to vector<1x1x16xf32>
      tpu.vector_store %arg9[%swap3A_693, %swap3A_694, %swap3A_695], %swap3A_698 {strides = array<i32>} : memref<7x64x128xf32, #tpu.memory_space<vmem>>, vector<1x1x16xf32>,
      %get3A_699 = arith.constant 5 : i32
      %get3A_700 = arith.index_cast %get3A_699 : i32 to index
      %get3A_701 = arith.index_cast %scan3A_600 : i32 to index
      %get3A_702 = arith.constant 80 : index
      %get3A_703 = tpu.vector_load %arg9[%get3A_700, %get3A_701, %get3A_702] {strides = array<i32>} : memref<7x64x128xf32, #tpu.memory_space<vmem>>, vector<1x1x16xf32>,
      %get3A_704 = vector.shape_cast %get3A_703 : vector<1x1x16xf32> to vector<16xf32>
      %get3A_705 = arith.constant 5 : i32
      %get3A_706 = arith.index_cast %get3A_705 : i32 to index
      %get3A_707 = arith.index_cast %scan3A_600 : i32 to index
      %get3A_708 = arith.constant 80 : index
      %get3A_709 = tpu.vector_load %arg10[%get3A_706, %get3A_707, %get3A_708] {strides = array<i32>} : memref<7x64x128xf32, #tpu.memory_space<vmem>>, vector<1x1x16xf32>,
      %get3A_710 = vector.shape_cast %get3A_709 : vector<1x1x16xf32> to vector<16xf32>
      %mul3A_711 = arith.mulf %get3A_704, %get3A_710 : vector<16xf32>
      %swap3A_712 = arith.constant 5 : i32
      %swap3A_713 = arith.index_cast %swap3A_712 : i32 to index
      %swap3A_714 = arith.index_cast %scan3A_600 : i32 to index
      %swap3A_715 = arith.constant 80 : index
      %swap3A_716 = tpu.vector_load %arg9[%swap3A_713, %swap3A_714, %swap3A_715] {strides = array<i32>} : memref<7x64x128xf32, #tpu.memory_space<vmem>>, vector<1x1x16xf32>,
      %swap3A_717 = vector.shape_cast %swap3A_716 : vector<1x1x16xf32> to vector<16xf32>
      %swap3A_718 = vector.shape_cast %mul3A_711 : vector<16xf32> to vector<1x1x16xf32>
      tpu.vector_store %arg9[%swap3A_713, %swap3A_714, %swap3A_715], %swap3A_718 {strides = array<i32>} : memref<7x64x128xf32, #tpu.memory_space<vmem>>, vector<1x1x16xf32>,
      %get3A_719 = arith.constant 5 : i32
      %get3A_720 = arith.index_cast %get3A_719 : i32 to index
      %get3A_721 = arith.index_cast %scan3A_600 : i32 to index
      %get3A_722 = arith.constant 96 : index
      %get3A_723 = tpu.vector_load %arg9[%get3A_720, %get3A_721, %get3A_722] {strides = array<i32>} : memref<7x64x128xf32, #tpu.memory_space<vmem>>, vector<1x1x16xf32>,
      %get3A_724 = vector.shape_cast %get3A_723 : vector<1x1x16xf32> to vector<16xf32>
      %get3A_725 = arith.constant 5 : i32
      %get3A_726 = arith.index_cast %get3A_725 : i32 to index
      %get3A_727 = arith.index_cast %scan3A_600 : i32 to index
      %get3A_728 = arith.constant 96 : index
      %get3A_729 = tpu.vector_load %arg10[%get3A_726, %get3A_727, %get3A_728] {strides = array<i32>} : memref<7x64x128xf32, #tpu.memory_space<vmem>>, vector<1x1x16xf32>,
      %get3A_730 = vector.shape_cast %get3A_729 : vector<1x1x16xf32> to vector<16xf32>
      %mul3A_731 = arith.mulf %get3A_724, %get3A_730 : vector<16xf32>
      %swap3A_732 = arith.constant 5 : i32
      %swap3A_733 = arith.index_cast %swap3A_732 : i32 to index
      %swap3A_734 = arith.index_cast %scan3A_600 : i32 to index
      %swap3A_735 = arith.constant 96 : index
      %swap3A_736 = tpu.vector_load %arg9[%swap3A_733, %swap3A_734, %swap3A_735] {strides = array<i32>} : memref<7x64x128xf32, #tpu.memory_space<vmem>>, vector<1x1x16xf32>,
      %swap3A_737 = vector.shape_cast %swap3A_736 : vector<1x1x16xf32> to vector<16xf32>
      %swap3A_738 = vector.shape_cast %mul3A_731 : vector<16xf32> to vector<1x1x16xf32>
      tpu.vector_store %arg9[%swap3A_733, %swap3A_734, %swap3A_735], %swap3A_738 {strides = array<i32>} : memref<7x64x128xf32, #tpu.memory_space<vmem>>, vector<1x1x16xf32>,
      %get3A_739 = arith.constant 5 : i32
      %get3A_740 = arith.index_cast %get3A_739 : i32 to index
      %get3A_741 = arith.index_cast %scan3A_600 : i32 to index
      %get3A_742 = arith.constant 112 : index
      %get3A_743 = tpu.vector_load %arg9[%get3A_740, %get3A_741, %get3A_742] {strides = array<i32>} : memref<7x64x128xf32, #tpu.memory_space<vmem>>, vector<1x1x16xf32>,
      %get3A_744 = vector.shape_cast %get3A_743 : vector<1x1x16xf32> to vector<16xf32>
      %get3A_745 = arith.constant 5 : i32
      %get3A_746 = arith.index_cast %get3A_745 : i32 to index
      %get3A_747 = arith.index_cast %scan3A_600 : i32 to index
      %get3A_748 = arith.constant 112 : index
      %get3A_749 = tpu.vector_load %arg10[%get3A_746, %get3A_747, %get3A_748] {strides = array<i32>} : memref<7x64x128xf32, #tpu.memory_space<vmem>>, vector<1x1x16xf32>,
      %get3A_750 = vector.shape_cast %get3A_749 : vector<1x1x16xf32> to vector<16xf32>
      %mul3A_751 = arith.mulf %get3A_744, %get3A_750 : vector<16xf32>
      %swap3A_752 = arith.constant 5 : i32
      %swap3A_753 = arith.index_cast %swap3A_752 : i32 to index
      %swap3A_754 = arith.index_cast %scan3A_600 : i32 to index
      %swap3A_755 = arith.constant 112 : index
      %swap3A_756 = tpu.vector_load %arg9[%swap3A_753, %swap3A_754, %swap3A_755] {strides = array<i32>} : memref<7x64x128xf32, #tpu.memory_space<vmem>>, vector<1x1x16xf32>,
      %swap3A_757 = vector.shape_cast %swap3A_756 : vector<1x1x16xf32> to vector<16xf32>
      %swap3A_758 = vector.shape_cast %mul3A_751 : vector<16xf32> to vector<1x1x16xf32>
      tpu.vector_store %arg9[%swap3A_753, %swap3A_754, %swap3A_755], %swap3A_758 {strides = array<i32>} : memref<7x64x128xf32, #tpu.memory_space<vmem>>, vector<1x1x16xf32>,
    }
    %scan3A_411 = arith.constant 64 : i32
    %add3A_412 = arith.constant 320 : i32
    %add3A_413 = arith.addi %mul3A_2, %add3A_412 : i32
    %dma_start3A_414 = arith.constant 5 : i32
    %dma_start3A_415 = arith.constant 0 : i32
    %dma_start3A_416 = arith.constant 0 : i32
    %dma_start3A_417 = tpu.memref_slice %arg9[%dma_start3A_414, %dma_start3A_415, %dma_start3A_416] : memref<7x64x128xf32, #tpu.memory_space<vmem>> -> memref<1x64x128xf32, #tpu.memory_space<vmem>>
    %dma_start3A_418 = tpu.memref_squeeze %dma_start3A_417 : memref<1x64x128xf32, #tpu.memory_space<vmem>> -> memref<64x128xf32, #tpu.memory_space<vmem>>
    %dma_start3A_419 = arith.constant 0 : i32
    %dma_start3A_420 = tpu.memref_slice %arg6[%add3A_413, %dma_start3A_419] : memref<16384x128xf32, #tpu.memory_space<hbm>> -> memref<64x128xf32, #tpu.memory_space<hbm>>
    %dma_start3A_421 = arith.constant 0 : i32
    %dma_start3A_422 = tpu.memref_slice %arg6[%add3A_413, %dma_start3A_421] : memref<16384x128xf32, #tpu.memory_space<hbm>> -> memref<64x128xf32, #tpu.memory_space<hbm>>
    %dma_start3A_423 = arith.constant 0 : i32
    %dma_start3A_424 = arith.constant 0 : i32
    %dma_start3A_425 = tpu.memref_slice %arg9[%dma_start3A_414, %dma_start3A_423, %dma_start3A_424] : memref<7x64x128xf32, #tpu.memory_space<vmem>> -> memref<1x64x128xf32, #tpu.memory_space<vmem>>
    %dma_start3A_426 = tpu.memref_squeeze %dma_start3A_425 : memref<1x64x128xf32, #tpu.memory_space<vmem>> -> memref<64x128xf32, #tpu.memory_space<vmem>>
    tpu.enqueue_dma source(%dma_start3A_426 : memref<64x128xf32, #tpu.memory_space<vmem>>) target(%dma_start3A_422 : memref<64x128xf32, #tpu.memory_space<hbm>>) target_semaphore(%arg23 : memref<!tpu.dma_semaphore, #tpu.memory_space<semaphore_mem>>)
    %dma_wait3A_427 = arith.constant 6 : i32
    %dma_wait3A_428 = arith.constant 0 : i32
    %dma_wait3A_429 = arith.constant 0 : i32
    %dma_wait3A_430 = tpu.memref_slice %arg9[%dma_wait3A_427, %dma_wait3A_428, %dma_wait3A_429] : memref<7x64x128xf32, #tpu.memory_space<vmem>> -> memref<1x64x128xf32, #tpu.memory_space<vmem>>
    %dma_wait3A_431 = tpu.memref_squeeze %dma_wait3A_430 : memref<1x64x128xf32, #tpu.memory_space<vmem>> -> memref<64x128xf32, #tpu.memory_space<vmem>>
    %dma_wait3A_432 = arith.constant 384 : i32
    %dma_wait3A_433 = tpu.memref_slice %arg7[%dma_wait3A_432] : memref<512xi32, #tpu.memory_space<vmem>> -> memref<64xi32, #tpu.memory_space<vmem>>
    %dma_wait3A_434 = arith.constant 0 : i32
    %dma_wait3A_435 = arith.constant 0 : i32
    %dma_wait3A_436 = tpu.memref_slice %arg2[%dma_wait3A_434, %dma_wait3A_435] : memref<100000x128xf32, #tpu.memory_space<hbm>> -> memref<100000x128xf32, #tpu.memory_space<hbm>>
    tpu.wait_indirect_dma semaphore(%arg17 : memref<!tpu.dma_semaphore, #tpu.memory_space<semaphore_mem>>) src(%dma_wait3A_436 : memref<100000x128xf32, #tpu.memory_space<hbm>>) dst(%dma_wait3A_431 : memref<64x128xf32, #tpu.memory_space<vmem>>)
    %dma_wait3A_437 = arith.constant 6 : i32
    %dma_wait3A_438 = arith.constant 0 : i32
    %dma_wait3A_439 = arith.constant 0 : i32
    %dma_wait3A_440 = tpu.memref_slice %arg10[%dma_wait3A_437, %dma_wait3A_438, %dma_wait3A_439] : memref<7x64x128xf32, #tpu.memory_space<vmem>> -> memref<1x64x128xf32, #tpu.memory_space<vmem>>
    %dma_wait3A_441 = tpu.memref_squeeze %dma_wait3A_440 : memref<1x64x128xf32, #tpu.memory_space<vmem>> -> memref<64x128xf32, #tpu.memory_space<vmem>>
    %dma_wait3A_442 = arith.constant 384 : i32
    %dma_wait3A_443 = tpu.memref_slice %arg8[%dma_wait3A_442] : memref<512xi32, #tpu.memory_space<vmem>> -> memref<64xi32, #tpu.memory_space<vmem>>
    %dma_wait3A_444 = arith.constant 0 : i32
    %dma_wait3A_445 = arith.constant 0 : i32
    %dma_wait3A_446 = tpu.memref_slice %arg3[%dma_wait3A_444, %dma_wait3A_445] : memref<100000x128xf32, #tpu.memory_space<hbm>> -> memref<100000x128xf32, #tpu.memory_space<hbm>>
    tpu.wait_indirect_dma semaphore(%arg17 : memref<!tpu.dma_semaphore, #tpu.memory_space<semaphore_mem>>) src(%dma_wait3A_446 : memref<100000x128xf32, #tpu.memory_space<hbm>>) dst(%dma_wait3A_441 : memref<64x128xf32, #tpu.memory_space<vmem>>)
    %scan3A_447 = arith.constant 0 : i32
    %scan3A_448 = arith.constant 0 : i32
    %scan3A_449 = arith.constant 64 : i32
    %scan3A_450 = arith.addi %scan3A_448, %scan3A_449 : i32
    %scan3A_451 = arith.constant 1 : i32
    scf.for %scan3A_600 = %scan3A_448 to %scan3A_450 step %scan3A_451  : i32 {
      %get3A = arith.constant 6 : i32
      %get3A_601 = arith.index_cast %get3A : i32 to index
      %get3A_602 = arith.index_cast %scan3A_600 : i32 to index
      %get3A_603 = arith.constant 0 : index
      %get3A_604 = tpu.vector_load %arg9[%get3A_601, %get3A_602, %get3A_603] {strides = array<i32>} : memref<7x64x128xf32, #tpu.memory_space<vmem>>, vector<1x1x16xf32>,
      %get3A_605 = vector.shape_cast %get3A_604 : vector<1x1x16xf32> to vector<16xf32>
      %get3A_606 = arith.constant 6 : i32
      %get3A_607 = arith.index_cast %get3A_606 : i32 to index
      %get3A_608 = arith.index_cast %scan3A_600 : i32 to index
      %get3A_609 = arith.constant 0 : index
      %get3A_610 = tpu.vector_load %arg10[%get3A_607, %get3A_608, %get3A_609] {strides = array<i32>} : memref<7x64x128xf32, #tpu.memory_space<vmem>>, vector<1x1x16xf32>,
      %get3A_611 = vector.shape_cast %get3A_610 : vector<1x1x16xf32> to vector<16xf32>
      %mul3A_612 = arith.mulf %get3A_605, %get3A_611 : vector<16xf32>
      %swap3A = arith.constant 6 : i32
      %swap3A_613 = arith.index_cast %swap3A : i32 to index
      %swap3A_614 = arith.index_cast %scan3A_600 : i32 to index
      %swap3A_615 = arith.constant 0 : index
      %swap3A_616 = tpu.vector_load %arg9[%swap3A_613, %swap3A_614, %swap3A_615] {strides = array<i32>} : memref<7x64x128xf32, #tpu.memory_space<vmem>>, vector<1x1x16xf32>,
      %swap3A_617 = vector.shape_cast %swap3A_616 : vector<1x1x16xf32> to vector<16xf32>
      %swap3A_618 = vector.shape_cast %mul3A_612 : vector<16xf32> to vector<1x1x16xf32>
      tpu.vector_store %arg9[%swap3A_613, %swap3A_614, %swap3A_615], %swap3A_618 {strides = array<i32>} : memref<7x64x128xf32, #tpu.memory_space<vmem>>, vector<1x1x16xf32>,
      %get3A_619 = arith.constant 6 : i32
      %get3A_620 = arith.index_cast %get3A_619 : i32 to index
      %get3A_621 = arith.index_cast %scan3A_600 : i32 to index
      %get3A_622 = arith.constant 16 : index
      %get3A_623 = tpu.vector_load %arg9[%get3A_620, %get3A_621, %get3A_622] {strides = array<i32>} : memref<7x64x128xf32, #tpu.memory_space<vmem>>, vector<1x1x16xf32>,
      %get3A_624 = vector.shape_cast %get3A_623 : vector<1x1x16xf32> to vector<16xf32>
      %get3A_625 = arith.constant 6 : i32
      %get3A_626 = arith.index_cast %get3A_625 : i32 to index
      %get3A_627 = arith.index_cast %scan3A_600 : i32 to index
      %get3A_628 = arith.constant 16 : index
      %get3A_629 = tpu.vector_load %arg10[%get3A_626, %get3A_627, %get3A_628] {strides = array<i32>} : memref<7x64x128xf32, #tpu.memory_space<vmem>>, vector<1x1x16xf32>,
      %get3A_630 = vector.shape_cast %get3A_629 : vector<1x1x16xf32> to vector<16xf32>
      %mul3A_631 = arith.mulf %get3A_624, %get3A_630 : vector<16xf32>
      %swap3A_632 = arith.constant 6 : i32
      %swap3A_633 = arith.index_cast %swap3A_632 : i32 to index
      %swap3A_634 = arith.index_cast %scan3A_600 : i32 to index
      %swap3A_635 = arith.constant 16 : index
      %swap3A_636 = tpu.vector_load %arg9[%swap3A_633, %swap3A_634, %swap3A_635] {strides = array<i32>} : memref<7x64x128xf32, #tpu.memory_space<vmem>>, vector<1x1x16xf32>,
      %swap3A_637 = vector.shape_cast %swap3A_636 : vector<1x1x16xf32> to vector<16xf32>
      %swap3A_638 = vector.shape_cast %mul3A_631 : vector<16xf32> to vector<1x1x16xf32>
      tpu.vector_store %arg9[%swap3A_633, %swap3A_634, %swap3A_635], %swap3A_638 {strides = array<i32>} : memref<7x64x128xf32, #tpu.memory_space<vmem>>, vector<1x1x16xf32>,
      %get3A_639 = arith.constant 6 : i32
      %get3A_640 = arith.index_cast %get3A_639 : i32 to index
      %get3A_641 = arith.index_cast %scan3A_600 : i32 to index
      %get3A_642 = arith.constant 32 : index
      %get3A_643 = tpu.vector_load %arg9[%get3A_640, %get3A_641, %get3A_642] {strides = array<i32>} : memref<7x64x128xf32, #tpu.memory_space<vmem>>, vector<1x1x16xf32>,
      %get3A_644 = vector.shape_cast %get3A_643 : vector<1x1x16xf32> to vector<16xf32>
      %get3A_645 = arith.constant 6 : i32
      %get3A_646 = arith.index_cast %get3A_645 : i32 to index
      %get3A_647 = arith.index_cast %scan3A_600 : i32 to index
      %get3A_648 = arith.constant 32 : index
      %get3A_649 = tpu.vector_load %arg10[%get3A_646, %get3A_647, %get3A_648] {strides = array<i32>} : memref<7x64x128xf32, #tpu.memory_space<vmem>>, vector<1x1x16xf32>,
      %get3A_650 = vector.shape_cast %get3A_649 : vector<1x1x16xf32> to vector<16xf32>
      %mul3A_651 = arith.mulf %get3A_644, %get3A_650 : vector<16xf32>
      %swap3A_652 = arith.constant 6 : i32
      %swap3A_653 = arith.index_cast %swap3A_652 : i32 to index
      %swap3A_654 = arith.index_cast %scan3A_600 : i32 to index
      %swap3A_655 = arith.constant 32 : index
      %swap3A_656 = tpu.vector_load %arg9[%swap3A_653, %swap3A_654, %swap3A_655] {strides = array<i32>} : memref<7x64x128xf32, #tpu.memory_space<vmem>>, vector<1x1x16xf32>,
      %swap3A_657 = vector.shape_cast %swap3A_656 : vector<1x1x16xf32> to vector<16xf32>
      %swap3A_658 = vector.shape_cast %mul3A_651 : vector<16xf32> to vector<1x1x16xf32>
      tpu.vector_store %arg9[%swap3A_653, %swap3A_654, %swap3A_655], %swap3A_658 {strides = array<i32>} : memref<7x64x128xf32, #tpu.memory_space<vmem>>, vector<1x1x16xf32>,
      %get3A_659 = arith.constant 6 : i32
      %get3A_660 = arith.index_cast %get3A_659 : i32 to index
      %get3A_661 = arith.index_cast %scan3A_600 : i32 to index
      %get3A_662 = arith.constant 48 : index
      %get3A_663 = tpu.vector_load %arg9[%get3A_660, %get3A_661, %get3A_662] {strides = array<i32>} : memref<7x64x128xf32, #tpu.memory_space<vmem>>, vector<1x1x16xf32>,
      %get3A_664 = vector.shape_cast %get3A_663 : vector<1x1x16xf32> to vector<16xf32>
      %get3A_665 = arith.constant 6 : i32
      %get3A_666 = arith.index_cast %get3A_665 : i32 to index
      %get3A_667 = arith.index_cast %scan3A_600 : i32 to index
      %get3A_668 = arith.constant 48 : index
      %get3A_669 = tpu.vector_load %arg10[%get3A_666, %get3A_667, %get3A_668] {strides = array<i32>} : memref<7x64x128xf32, #tpu.memory_space<vmem>>, vector<1x1x16xf32>,
      %get3A_670 = vector.shape_cast %get3A_669 : vector<1x1x16xf32> to vector<16xf32>
      %mul3A_671 = arith.mulf %get3A_664, %get3A_670 : vector<16xf32>
      %swap3A_672 = arith.constant 6 : i32
      %swap3A_673 = arith.index_cast %swap3A_672 : i32 to index
      %swap3A_674 = arith.index_cast %scan3A_600 : i32 to index
      %swap3A_675 = arith.constant 48 : index
      %swap3A_676 = tpu.vector_load %arg9[%swap3A_673, %swap3A_674, %swap3A_675] {strides = array<i32>} : memref<7x64x128xf32, #tpu.memory_space<vmem>>, vector<1x1x16xf32>,
      %swap3A_677 = vector.shape_cast %swap3A_676 : vector<1x1x16xf32> to vector<16xf32>
      %swap3A_678 = vector.shape_cast %mul3A_671 : vector<16xf32> to vector<1x1x16xf32>
      tpu.vector_store %arg9[%swap3A_673, %swap3A_674, %swap3A_675], %swap3A_678 {strides = array<i32>} : memref<7x64x128xf32, #tpu.memory_space<vmem>>, vector<1x1x16xf32>,
      %get3A_679 = arith.constant 6 : i32
      %get3A_680 = arith.index_cast %get3A_679 : i32 to index
      %get3A_681 = arith.index_cast %scan3A_600 : i32 to index
      %get3A_682 = arith.constant 64 : index
      %get3A_683 = tpu.vector_load %arg9[%get3A_680, %get3A_681, %get3A_682] {strides = array<i32>} : memref<7x64x128xf32, #tpu.memory_space<vmem>>, vector<1x1x16xf32>,
      %get3A_684 = vector.shape_cast %get3A_683 : vector<1x1x16xf32> to vector<16xf32>
      %get3A_685 = arith.constant 6 : i32
      %get3A_686 = arith.index_cast %get3A_685 : i32 to index
      %get3A_687 = arith.index_cast %scan3A_600 : i32 to index
      %get3A_688 = arith.constant 64 : index
      %get3A_689 = tpu.vector_load %arg10[%get3A_686, %get3A_687, %get3A_688] {strides = array<i32>} : memref<7x64x128xf32, #tpu.memory_space<vmem>>, vector<1x1x16xf32>,
      %get3A_690 = vector.shape_cast %get3A_689 : vector<1x1x16xf32> to vector<16xf32>
      %mul3A_691 = arith.mulf %get3A_684, %get3A_690 : vector<16xf32>
      %swap3A_692 = arith.constant 6 : i32
      %swap3A_693 = arith.index_cast %swap3A_692 : i32 to index
      %swap3A_694 = arith.index_cast %scan3A_600 : i32 to index
      %swap3A_695 = arith.constant 64 : index
      %swap3A_696 = tpu.vector_load %arg9[%swap3A_693, %swap3A_694, %swap3A_695] {strides = array<i32>} : memref<7x64x128xf32, #tpu.memory_space<vmem>>, vector<1x1x16xf32>,
      %swap3A_697 = vector.shape_cast %swap3A_696 : vector<1x1x16xf32> to vector<16xf32>
      %swap3A_698 = vector.shape_cast %mul3A_691 : vector<16xf32> to vector<1x1x16xf32>
      tpu.vector_store %arg9[%swap3A_693, %swap3A_694, %swap3A_695], %swap3A_698 {strides = array<i32>} : memref<7x64x128xf32, #tpu.memory_space<vmem>>, vector<1x1x16xf32>,
      %get3A_699 = arith.constant 6 : i32
      %get3A_700 = arith.index_cast %get3A_699 : i32 to index
      %get3A_701 = arith.index_cast %scan3A_600 : i32 to index
      %get3A_702 = arith.constant 80 : index
      %get3A_703 = tpu.vector_load %arg9[%get3A_700, %get3A_701, %get3A_702] {strides = array<i32>} : memref<7x64x128xf32, #tpu.memory_space<vmem>>, vector<1x1x16xf32>,
      %get3A_704 = vector.shape_cast %get3A_703 : vector<1x1x16xf32> to vector<16xf32>
      %get3A_705 = arith.constant 6 : i32
      %get3A_706 = arith.index_cast %get3A_705 : i32 to index
      %get3A_707 = arith.index_cast %scan3A_600 : i32 to index
      %get3A_708 = arith.constant 80 : index
      %get3A_709 = tpu.vector_load %arg10[%get3A_706, %get3A_707, %get3A_708] {strides = array<i32>} : memref<7x64x128xf32, #tpu.memory_space<vmem>>, vector<1x1x16xf32>,
      %get3A_710 = vector.shape_cast %get3A_709 : vector<1x1x16xf32> to vector<16xf32>
      %mul3A_711 = arith.mulf %get3A_704, %get3A_710 : vector<16xf32>
      %swap3A_712 = arith.constant 6 : i32
      %swap3A_713 = arith.index_cast %swap3A_712 : i32 to index
      %swap3A_714 = arith.index_cast %scan3A_600 : i32 to index
      %swap3A_715 = arith.constant 80 : index
      %swap3A_716 = tpu.vector_load %arg9[%swap3A_713, %swap3A_714, %swap3A_715] {strides = array<i32>} : memref<7x64x128xf32, #tpu.memory_space<vmem>>, vector<1x1x16xf32>,
      %swap3A_717 = vector.shape_cast %swap3A_716 : vector<1x1x16xf32> to vector<16xf32>
      %swap3A_718 = vector.shape_cast %mul3A_711 : vector<16xf32> to vector<1x1x16xf32>
      tpu.vector_store %arg9[%swap3A_713, %swap3A_714, %swap3A_715], %swap3A_718 {strides = array<i32>} : memref<7x64x128xf32, #tpu.memory_space<vmem>>, vector<1x1x16xf32>,
      %get3A_719 = arith.constant 6 : i32
      %get3A_720 = arith.index_cast %get3A_719 : i32 to index
      %get3A_721 = arith.index_cast %scan3A_600 : i32 to index
      %get3A_722 = arith.constant 96 : index
      %get3A_723 = tpu.vector_load %arg9[%get3A_720, %get3A_721, %get3A_722] {strides = array<i32>} : memref<7x64x128xf32, #tpu.memory_space<vmem>>, vector<1x1x16xf32>,
      %get3A_724 = vector.shape_cast %get3A_723 : vector<1x1x16xf32> to vector<16xf32>
      %get3A_725 = arith.constant 6 : i32
      %get3A_726 = arith.index_cast %get3A_725 : i32 to index
      %get3A_727 = arith.index_cast %scan3A_600 : i32 to index
      %get3A_728 = arith.constant 96 : index
      %get3A_729 = tpu.vector_load %arg10[%get3A_726, %get3A_727, %get3A_728] {strides = array<i32>} : memref<7x64x128xf32, #tpu.memory_space<vmem>>, vector<1x1x16xf32>,
      %get3A_730 = vector.shape_cast %get3A_729 : vector<1x1x16xf32> to vector<16xf32>
      %mul3A_731 = arith.mulf %get3A_724, %get3A_730 : vector<16xf32>
      %swap3A_732 = arith.constant 6 : i32
      %swap3A_733 = arith.index_cast %swap3A_732 : i32 to index
      %swap3A_734 = arith.index_cast %scan3A_600 : i32 to index
      %swap3A_735 = arith.constant 96 : index
      %swap3A_736 = tpu.vector_load %arg9[%swap3A_733, %swap3A_734, %swap3A_735] {strides = array<i32>} : memref<7x64x128xf32, #tpu.memory_space<vmem>>, vector<1x1x16xf32>,
      %swap3A_737 = vector.shape_cast %swap3A_736 : vector<1x1x16xf32> to vector<16xf32>
      %swap3A_738 = vector.shape_cast %mul3A_731 : vector<16xf32> to vector<1x1x16xf32>
      tpu.vector_store %arg9[%swap3A_733, %swap3A_734, %swap3A_735], %swap3A_738 {strides = array<i32>} : memref<7x64x128xf32, #tpu.memory_space<vmem>>, vector<1x1x16xf32>,
      %get3A_739 = arith.constant 6 : i32
      %get3A_740 = arith.index_cast %get3A_739 : i32 to index
      %get3A_741 = arith.index_cast %scan3A_600 : i32 to index
      %get3A_742 = arith.constant 112 : index
      %get3A_743 = tpu.vector_load %arg9[%get3A_740, %get3A_741, %get3A_742] {strides = array<i32>} : memref<7x64x128xf32, #tpu.memory_space<vmem>>, vector<1x1x16xf32>,
      %get3A_744 = vector.shape_cast %get3A_743 : vector<1x1x16xf32> to vector<16xf32>
      %get3A_745 = arith.constant 6 : i32
      %get3A_746 = arith.index_cast %get3A_745 : i32 to index
      %get3A_747 = arith.index_cast %scan3A_600 : i32 to index
      %get3A_748 = arith.constant 112 : index
      %get3A_749 = tpu.vector_load %arg10[%get3A_746, %get3A_747, %get3A_748] {strides = array<i32>} : memref<7x64x128xf32, #tpu.memory_space<vmem>>, vector<1x1x16xf32>,
      %get3A_750 = vector.shape_cast %get3A_749 : vector<1x1x16xf32> to vector<16xf32>
      %mul3A_751 = arith.mulf %get3A_744, %get3A_750 : vector<16xf32>
      %swap3A_752 = arith.constant 6 : i32
      %swap3A_753 = arith.index_cast %swap3A_752 : i32 to index
      %swap3A_754 = arith.index_cast %scan3A_600 : i32 to index
      %swap3A_755 = arith.constant 112 : index
      %swap3A_756 = tpu.vector_load %arg9[%swap3A_753, %swap3A_754, %swap3A_755] {strides = array<i32>} : memref<7x64x128xf32, #tpu.memory_space<vmem>>, vector<1x1x16xf32>,
      %swap3A_757 = vector.shape_cast %swap3A_756 : vector<1x1x16xf32> to vector<16xf32>
      %swap3A_758 = vector.shape_cast %mul3A_751 : vector<16xf32> to vector<1x1x16xf32>
      tpu.vector_store %arg9[%swap3A_753, %swap3A_754, %swap3A_755], %swap3A_758 {strides = array<i32>} : memref<7x64x128xf32, #tpu.memory_space<vmem>>, vector<1x1x16xf32>,
    }
    %scan3A_452 = arith.constant 64 : i32
    %add3A_453 = arith.constant 384 : i32
    %add3A_454 = arith.addi %mul3A_2, %add3A_453 : i32
    %dma_start3A_455 = arith.constant 6 : i32
    %dma_start3A_456 = arith.constant 0 : i32
    %dma_start3A_457 = arith.constant 0 : i32
    %dma_start3A_458 = tpu.memref_slice %arg9[%dma_start3A_455, %dma_start3A_456, %dma_start3A_457] : memref<7x64x128xf32, #tpu.memory_space<vmem>> -> memref<1x64x128xf32, #tpu.memory_space<vmem>>
    %dma_start3A_459 = tpu.memref_squeeze %dma_start3A_458 : memref<1x64x128xf32, #tpu.memory_space<vmem>> -> memref<64x128xf32, #tpu.memory_space<vmem>>
    %dma_start3A_460 = arith.constant 0 : i32
    %dma_start3A_461 = tpu.memref_slice %arg6[%add3A_454, %dma_start3A_460] : memref<16384x128xf32, #tpu.memory_space<hbm>> -> memref<64x128xf32, #tpu.memory_space<hbm>>
    %dma_start3A_462 = arith.constant 0 : i32
    %dma_start3A_463 = tpu.memref_slice %arg6[%add3A_454, %dma_start3A_462] : memref<16384x128xf32, #tpu.memory_space<hbm>> -> memref<64x128xf32, #tpu.memory_space<hbm>>
    %dma_start3A_464 = arith.constant 0 : i32
    %dma_start3A_465 = arith.constant 0 : i32
    %dma_start3A_466 = tpu.memref_slice %arg9[%dma_start3A_455, %dma_start3A_464, %dma_start3A_465] : memref<7x64x128xf32, #tpu.memory_space<vmem>> -> memref<1x64x128xf32, #tpu.memory_space<vmem>>
    %dma_start3A_467 = tpu.memref_squeeze %dma_start3A_466 : memref<1x64x128xf32, #tpu.memory_space<vmem>> -> memref<64x128xf32, #tpu.memory_space<vmem>>
    tpu.enqueue_dma source(%dma_start3A_467 : memref<64x128xf32, #tpu.memory_space<vmem>>) target(%dma_start3A_463 : memref<64x128xf32, #tpu.memory_space<hbm>>) target_semaphore(%arg24 : memref<!tpu.dma_semaphore, #tpu.memory_space<semaphore_mem>>)
    %dma_wait3A_468 = arith.constant 0 : i32
    %dma_wait3A_469 = arith.constant 0 : i32
    %dma_wait3A_470 = arith.constant 0 : i32
    %dma_wait3A_471 = tpu.memref_slice %arg9[%dma_wait3A_468, %dma_wait3A_469, %dma_wait3A_470] : memref<7x64x128xf32, #tpu.memory_space<vmem>> -> memref<1x64x128xf32, #tpu.memory_space<vmem>>
    %dma_wait3A_472 = tpu.memref_squeeze %dma_wait3A_471 : memref<1x64x128xf32, #tpu.memory_space<vmem>> -> memref<64x128xf32, #tpu.memory_space<vmem>>
    %dma_wait3A_473 = arith.constant 448 : i32
    %dma_wait3A_474 = tpu.memref_slice %arg7[%dma_wait3A_473] : memref<512xi32, #tpu.memory_space<vmem>> -> memref<64xi32, #tpu.memory_space<vmem>>
    %dma_wait3A_475 = arith.constant 0 : i32
    %dma_wait3A_476 = arith.constant 0 : i32
    %dma_wait3A_477 = tpu.memref_slice %arg2[%dma_wait3A_475, %dma_wait3A_476] : memref<100000x128xf32, #tpu.memory_space<hbm>> -> memref<100000x128xf32, #tpu.memory_space<hbm>>
    tpu.wait_indirect_dma semaphore(%arg11 : memref<!tpu.dma_semaphore, #tpu.memory_space<semaphore_mem>>) src(%dma_wait3A_477 : memref<100000x128xf32, #tpu.memory_space<hbm>>) dst(%dma_wait3A_472 : memref<64x128xf32, #tpu.memory_space<vmem>>)
    %dma_wait3A_478 = arith.constant 0 : i32
    %dma_wait3A_479 = arith.constant 0 : i32
    %dma_wait3A_480 = arith.constant 0 : i32
    %dma_wait3A_481 = tpu.memref_slice %arg10[%dma_wait3A_478, %dma_wait3A_479, %dma_wait3A_480] : memref<7x64x128xf32, #tpu.memory_space<vmem>> -> memref<1x64x128xf32, #tpu.memory_space<vmem>>
    %dma_wait3A_482 = tpu.memref_squeeze %dma_wait3A_481 : memref<1x64x128xf32, #tpu.memory_space<vmem>> -> memref<64x128xf32, #tpu.memory_space<vmem>>
    %dma_wait3A_483 = arith.constant 448 : i32
    %dma_wait3A_484 = tpu.memref_slice %arg8[%dma_wait3A_483] : memref<512xi32, #tpu.memory_space<vmem>> -> memref<64xi32, #tpu.memory_space<vmem>>
    %dma_wait3A_485 = arith.constant 0 : i32
    %dma_wait3A_486 = arith.constant 0 : i32
    %dma_wait3A_487 = tpu.memref_slice %arg3[%dma_wait3A_485, %dma_wait3A_486] : memref<100000x128xf32, #tpu.memory_space<hbm>> -> memref<100000x128xf32, #tpu.memory_space<hbm>>
    tpu.wait_indirect_dma semaphore(%arg11 : memref<!tpu.dma_semaphore, #tpu.memory_space<semaphore_mem>>) src(%dma_wait3A_487 : memref<100000x128xf32, #tpu.memory_space<hbm>>) dst(%dma_wait3A_482 : memref<64x128xf32, #tpu.memory_space<vmem>>)
    %scan3A_488 = arith.constant 0 : i32
    %scan3A_489 = arith.constant 0 : i32
    %scan3A_490 = arith.constant 64 : i32
    %scan3A_491 = arith.addi %scan3A_489, %scan3A_490 : i32
    %scan3A_492 = arith.constant 1 : i32
    scf.for %scan3A_600 = %scan3A_489 to %scan3A_491 step %scan3A_492  : i32 {
      %get3A = arith.constant 0 : i32
      %get3A_601 = arith.index_cast %get3A : i32 to index
      %get3A_602 = arith.index_cast %scan3A_600 : i32 to index
      %get3A_603 = arith.constant 0 : index
      %get3A_604 = tpu.vector_load %arg9[%get3A_601, %get3A_602, %get3A_603] {strides = array<i32>} : memref<7x64x128xf32, #tpu.memory_space<vmem>>, vector<1x1x16xf32>,
      %get3A_605 = vector.shape_cast %get3A_604 : vector<1x1x16xf32> to vector<16xf32>
      %get3A_606 = arith.constant 0 : i32
      %get3A_607 = arith.index_cast %get3A_606 : i32 to index
      %get3A_608 = arith.index_cast %scan3A_600 : i32 to index
      %get3A_609 = arith.constant 0 : index
      %get3A_610 = tpu.vector_load %arg10[%get3A_607, %get3A_608, %get3A_609] {strides = array<i32>} : memref<7x64x128xf32, #tpu.memory_space<vmem>>, vector<1x1x16xf32>,
      %get3A_611 = vector.shape_cast %get3A_610 : vector<1x1x16xf32> to vector<16xf32>
      %mul3A_612 = arith.mulf %get3A_605, %get3A_611 : vector<16xf32>
      %swap3A = arith.constant 0 : i32
      %swap3A_613 = arith.index_cast %swap3A : i32 to index
      %swap3A_614 = arith.index_cast %scan3A_600 : i32 to index
      %swap3A_615 = arith.constant 0 : index
      %swap3A_616 = tpu.vector_load %arg9[%swap3A_613, %swap3A_614, %swap3A_615] {strides = array<i32>} : memref<7x64x128xf32, #tpu.memory_space<vmem>>, vector<1x1x16xf32>,
      %swap3A_617 = vector.shape_cast %swap3A_616 : vector<1x1x16xf32> to vector<16xf32>
      %swap3A_618 = vector.shape_cast %mul3A_612 : vector<16xf32> to vector<1x1x16xf32>
      tpu.vector_store %arg9[%swap3A_613, %swap3A_614, %swap3A_615], %swap3A_618 {strides = array<i32>} : memref<7x64x128xf32, #tpu.memory_space<vmem>>, vector<1x1x16xf32>,
      %get3A_619 = arith.constant 0 : i32
      %get3A_620 = arith.index_cast %get3A_619 : i32 to index
      %get3A_621 = arith.index_cast %scan3A_600 : i32 to index
      %get3A_622 = arith.constant 16 : index
      %get3A_623 = tpu.vector_load %arg9[%get3A_620, %get3A_621, %get3A_622] {strides = array<i32>} : memref<7x64x128xf32, #tpu.memory_space<vmem>>, vector<1x1x16xf32>,
      %get3A_624 = vector.shape_cast %get3A_623 : vector<1x1x16xf32> to vector<16xf32>
      %get3A_625 = arith.constant 0 : i32
      %get3A_626 = arith.index_cast %get3A_625 : i32 to index
      %get3A_627 = arith.index_cast %scan3A_600 : i32 to index
      %get3A_628 = arith.constant 16 : index
      %get3A_629 = tpu.vector_load %arg10[%get3A_626, %get3A_627, %get3A_628] {strides = array<i32>} : memref<7x64x128xf32, #tpu.memory_space<vmem>>, vector<1x1x16xf32>,
      %get3A_630 = vector.shape_cast %get3A_629 : vector<1x1x16xf32> to vector<16xf32>
      %mul3A_631 = arith.mulf %get3A_624, %get3A_630 : vector<16xf32>
      %swap3A_632 = arith.constant 0 : i32
      %swap3A_633 = arith.index_cast %swap3A_632 : i32 to index
      %swap3A_634 = arith.index_cast %scan3A_600 : i32 to index
      %swap3A_635 = arith.constant 16 : index
      %swap3A_636 = tpu.vector_load %arg9[%swap3A_633, %swap3A_634, %swap3A_635] {strides = array<i32>} : memref<7x64x128xf32, #tpu.memory_space<vmem>>, vector<1x1x16xf32>,
      %swap3A_637 = vector.shape_cast %swap3A_636 : vector<1x1x16xf32> to vector<16xf32>
      %swap3A_638 = vector.shape_cast %mul3A_631 : vector<16xf32> to vector<1x1x16xf32>
      tpu.vector_store %arg9[%swap3A_633, %swap3A_634, %swap3A_635], %swap3A_638 {strides = array<i32>} : memref<7x64x128xf32, #tpu.memory_space<vmem>>, vector<1x1x16xf32>,
      %get3A_639 = arith.constant 0 : i32
      %get3A_640 = arith.index_cast %get3A_639 : i32 to index
      %get3A_641 = arith.index_cast %scan3A_600 : i32 to index
      %get3A_642 = arith.constant 32 : index
      %get3A_643 = tpu.vector_load %arg9[%get3A_640, %get3A_641, %get3A_642] {strides = array<i32>} : memref<7x64x128xf32, #tpu.memory_space<vmem>>, vector<1x1x16xf32>,
      %get3A_644 = vector.shape_cast %get3A_643 : vector<1x1x16xf32> to vector<16xf32>
      %get3A_645 = arith.constant 0 : i32
      %get3A_646 = arith.index_cast %get3A_645 : i32 to index
      %get3A_647 = arith.index_cast %scan3A_600 : i32 to index
      %get3A_648 = arith.constant 32 : index
      %get3A_649 = tpu.vector_load %arg10[%get3A_646, %get3A_647, %get3A_648] {strides = array<i32>} : memref<7x64x128xf32, #tpu.memory_space<vmem>>, vector<1x1x16xf32>,
      %get3A_650 = vector.shape_cast %get3A_649 : vector<1x1x16xf32> to vector<16xf32>
      %mul3A_651 = arith.mulf %get3A_644, %get3A_650 : vector<16xf32>
      %swap3A_652 = arith.constant 0 : i32
      %swap3A_653 = arith.index_cast %swap3A_652 : i32 to index
      %swap3A_654 = arith.index_cast %scan3A_600 : i32 to index
      %swap3A_655 = arith.constant 32 : index
      %swap3A_656 = tpu.vector_load %arg9[%swap3A_653, %swap3A_654, %swap3A_655] {strides = array<i32>} : memref<7x64x128xf32, #tpu.memory_space<vmem>>, vector<1x1x16xf32>,
      %swap3A_657 = vector.shape_cast %swap3A_656 : vector<1x1x16xf32> to vector<16xf32>
      %swap3A_658 = vector.shape_cast %mul3A_651 : vector<16xf32> to vector<1x1x16xf32>
      tpu.vector_store %arg9[%swap3A_653, %swap3A_654, %swap3A_655], %swap3A_658 {strides = array<i32>} : memref<7x64x128xf32, #tpu.memory_space<vmem>>, vector<1x1x16xf32>,
      %get3A_659 = arith.constant 0 : i32
      %get3A_660 = arith.index_cast %get3A_659 : i32 to index
      %get3A_661 = arith.index_cast %scan3A_600 : i32 to index
      %get3A_662 = arith.constant 48 : index
      %get3A_663 = tpu.vector_load %arg9[%get3A_660, %get3A_661, %get3A_662] {strides = array<i32>} : memref<7x64x128xf32, #tpu.memory_space<vmem>>, vector<1x1x16xf32>,
      %get3A_664 = vector.shape_cast %get3A_663 : vector<1x1x16xf32> to vector<16xf32>
      %get3A_665 = arith.constant 0 : i32
      %get3A_666 = arith.index_cast %get3A_665 : i32 to index
      %get3A_667 = arith.index_cast %scan3A_600 : i32 to index
      %get3A_668 = arith.constant 48 : index
      %get3A_669 = tpu.vector_load %arg10[%get3A_666, %get3A_667, %get3A_668] {strides = array<i32>} : memref<7x64x128xf32, #tpu.memory_space<vmem>>, vector<1x1x16xf32>,
      %get3A_670 = vector.shape_cast %get3A_669 : vector<1x1x16xf32> to vector<16xf32>
      %mul3A_671 = arith.mulf %get3A_664, %get3A_670 : vector<16xf32>
      %swap3A_672 = arith.constant 0 : i32
      %swap3A_673 = arith.index_cast %swap3A_672 : i32 to index
      %swap3A_674 = arith.index_cast %scan3A_600 : i32 to index
      %swap3A_675 = arith.constant 48 : index
      %swap3A_676 = tpu.vector_load %arg9[%swap3A_673, %swap3A_674, %swap3A_675] {strides = array<i32>} : memref<7x64x128xf32, #tpu.memory_space<vmem>>, vector<1x1x16xf32>,
      %swap3A_677 = vector.shape_cast %swap3A_676 : vector<1x1x16xf32> to vector<16xf32>
      %swap3A_678 = vector.shape_cast %mul3A_671 : vector<16xf32> to vector<1x1x16xf32>
      tpu.vector_store %arg9[%swap3A_673, %swap3A_674, %swap3A_675], %swap3A_678 {strides = array<i32>} : memref<7x64x128xf32, #tpu.memory_space<vmem>>, vector<1x1x16xf32>,
      %get3A_679 = arith.constant 0 : i32
      %get3A_680 = arith.index_cast %get3A_679 : i32 to index
      %get3A_681 = arith.index_cast %scan3A_600 : i32 to index
      %get3A_682 = arith.constant 64 : index
      %get3A_683 = tpu.vector_load %arg9[%get3A_680, %get3A_681, %get3A_682] {strides = array<i32>} : memref<7x64x128xf32, #tpu.memory_space<vmem>>, vector<1x1x16xf32>,
      %get3A_684 = vector.shape_cast %get3A_683 : vector<1x1x16xf32> to vector<16xf32>
      %get3A_685 = arith.constant 0 : i32
      %get3A_686 = arith.index_cast %get3A_685 : i32 to index
      %get3A_687 = arith.index_cast %scan3A_600 : i32 to index
      %get3A_688 = arith.constant 64 : index
      %get3A_689 = tpu.vector_load %arg10[%get3A_686, %get3A_687, %get3A_688] {strides = array<i32>} : memref<7x64x128xf32, #tpu.memory_space<vmem>>, vector<1x1x16xf32>,
      %get3A_690 = vector.shape_cast %get3A_689 : vector<1x1x16xf32> to vector<16xf32>
      %mul3A_691 = arith.mulf %get3A_684, %get3A_690 : vector<16xf32>
      %swap3A_692 = arith.constant 0 : i32
      %swap3A_693 = arith.index_cast %swap3A_692 : i32 to index
      %swap3A_694 = arith.index_cast %scan3A_600 : i32 to index
      %swap3A_695 = arith.constant 64 : index
      %swap3A_696 = tpu.vector_load %arg9[%swap3A_693, %swap3A_694, %swap3A_695] {strides = array<i32>} : memref<7x64x128xf32, #tpu.memory_space<vmem>>, vector<1x1x16xf32>,
      %swap3A_697 = vector.shape_cast %swap3A_696 : vector<1x1x16xf32> to vector<16xf32>
      %swap3A_698 = vector.shape_cast %mul3A_691 : vector<16xf32> to vector<1x1x16xf32>
      tpu.vector_store %arg9[%swap3A_693, %swap3A_694, %swap3A_695], %swap3A_698 {strides = array<i32>} : memref<7x64x128xf32, #tpu.memory_space<vmem>>, vector<1x1x16xf32>,
      %get3A_699 = arith.constant 0 : i32
      %get3A_700 = arith.index_cast %get3A_699 : i32 to index
      %get3A_701 = arith.index_cast %scan3A_600 : i32 to index
      %get3A_702 = arith.constant 80 : index
      %get3A_703 = tpu.vector_load %arg9[%get3A_700, %get3A_701, %get3A_702] {strides = array<i32>} : memref<7x64x128xf32, #tpu.memory_space<vmem>>, vector<1x1x16xf32>,
      %get3A_704 = vector.shape_cast %get3A_703 : vector<1x1x16xf32> to vector<16xf32>
      %get3A_705 = arith.constant 0 : i32
      %get3A_706 = arith.index_cast %get3A_705 : i32 to index
      %get3A_707 = arith.index_cast %scan3A_600 : i32 to index
      %get3A_708 = arith.constant 80 : index
      %get3A_709 = tpu.vector_load %arg10[%get3A_706, %get3A_707, %get3A_708] {strides = array<i32>} : memref<7x64x128xf32, #tpu.memory_space<vmem>>, vector<1x1x16xf32>,
      %get3A_710 = vector.shape_cast %get3A_709 : vector<1x1x16xf32> to vector<16xf32>
      %mul3A_711 = arith.mulf %get3A_704, %get3A_710 : vector<16xf32>
      %swap3A_712 = arith.constant 0 : i32
      %swap3A_713 = arith.index_cast %swap3A_712 : i32 to index
      %swap3A_714 = arith.index_cast %scan3A_600 : i32 to index
      %swap3A_715 = arith.constant 80 : index
      %swap3A_716 = tpu.vector_load %arg9[%swap3A_713, %swap3A_714, %swap3A_715] {strides = array<i32>} : memref<7x64x128xf32, #tpu.memory_space<vmem>>, vector<1x1x16xf32>,
      %swap3A_717 = vector.shape_cast %swap3A_716 : vector<1x1x16xf32> to vector<16xf32>
      %swap3A_718 = vector.shape_cast %mul3A_711 : vector<16xf32> to vector<1x1x16xf32>
      tpu.vector_store %arg9[%swap3A_713, %swap3A_714, %swap3A_715], %swap3A_718 {strides = array<i32>} : memref<7x64x128xf32, #tpu.memory_space<vmem>>, vector<1x1x16xf32>,
      %get3A_719 = arith.constant 0 : i32
      %get3A_720 = arith.index_cast %get3A_719 : i32 to index
      %get3A_721 = arith.index_cast %scan3A_600 : i32 to index
      %get3A_722 = arith.constant 96 : index
      %get3A_723 = tpu.vector_load %arg9[%get3A_720, %get3A_721, %get3A_722] {strides = array<i32>} : memref<7x64x128xf32, #tpu.memory_space<vmem>>, vector<1x1x16xf32>,
      %get3A_724 = vector.shape_cast %get3A_723 : vector<1x1x16xf32> to vector<16xf32>
      %get3A_725 = arith.constant 0 : i32
      %get3A_726 = arith.index_cast %get3A_725 : i32 to index
      %get3A_727 = arith.index_cast %scan3A_600 : i32 to index
      %get3A_728 = arith.constant 96 : index
      %get3A_729 = tpu.vector_load %arg10[%get3A_726, %get3A_727, %get3A_728] {strides = array<i32>} : memref<7x64x128xf32, #tpu.memory_space<vmem>>, vector<1x1x16xf32>,
      %get3A_730 = vector.shape_cast %get3A_729 : vector<1x1x16xf32> to vector<16xf32>
      %mul3A_731 = arith.mulf %get3A_724, %get3A_730 : vector<16xf32>
      %swap3A_732 = arith.constant 0 : i32
      %swap3A_733 = arith.index_cast %swap3A_732 : i32 to index
      %swap3A_734 = arith.index_cast %scan3A_600 : i32 to index
      %swap3A_735 = arith.constant 96 : index
      %swap3A_736 = tpu.vector_load %arg9[%swap3A_733, %swap3A_734, %swap3A_735] {strides = array<i32>} : memref<7x64x128xf32, #tpu.memory_space<vmem>>, vector<1x1x16xf32>,
      %swap3A_737 = vector.shape_cast %swap3A_736 : vector<1x1x16xf32> to vector<16xf32>
      %swap3A_738 = vector.shape_cast %mul3A_731 : vector<16xf32> to vector<1x1x16xf32>
      tpu.vector_store %arg9[%swap3A_733, %swap3A_734, %swap3A_735], %swap3A_738 {strides = array<i32>} : memref<7x64x128xf32, #tpu.memory_space<vmem>>, vector<1x1x16xf32>,
      %get3A_739 = arith.constant 0 : i32
      %get3A_740 = arith.index_cast %get3A_739 : i32 to index
      %get3A_741 = arith.index_cast %scan3A_600 : i32 to index
      %get3A_742 = arith.constant 112 : index
      %get3A_743 = tpu.vector_load %arg9[%get3A_740, %get3A_741, %get3A_742] {strides = array<i32>} : memref<7x64x128xf32, #tpu.memory_space<vmem>>, vector<1x1x16xf32>,
      %get3A_744 = vector.shape_cast %get3A_743 : vector<1x1x16xf32> to vector<16xf32>
      %get3A_745 = arith.constant 0 : i32
      %get3A_746 = arith.index_cast %get3A_745 : i32 to index
      %get3A_747 = arith.index_cast %scan3A_600 : i32 to index
      %get3A_748 = arith.constant 112 : index
      %get3A_749 = tpu.vector_load %arg10[%get3A_746, %get3A_747, %get3A_748] {strides = array<i32>} : memref<7x64x128xf32, #tpu.memory_space<vmem>>, vector<1x1x16xf32>,
      %get3A_750 = vector.shape_cast %get3A_749 : vector<1x1x16xf32> to vector<16xf32>
      %mul3A_751 = arith.mulf %get3A_744, %get3A_750 : vector<16xf32>
      %swap3A_752 = arith.constant 0 : i32
      %swap3A_753 = arith.index_cast %swap3A_752 : i32 to index
      %swap3A_754 = arith.index_cast %scan3A_600 : i32 to index
      %swap3A_755 = arith.constant 112 : index
      %swap3A_756 = tpu.vector_load %arg9[%swap3A_753, %swap3A_754, %swap3A_755] {strides = array<i32>} : memref<7x64x128xf32, #tpu.memory_space<vmem>>, vector<1x1x16xf32>,
      %swap3A_757 = vector.shape_cast %swap3A_756 : vector<1x1x16xf32> to vector<16xf32>
      %swap3A_758 = vector.shape_cast %mul3A_751 : vector<16xf32> to vector<1x1x16xf32>
      tpu.vector_store %arg9[%swap3A_753, %swap3A_754, %swap3A_755], %swap3A_758 {strides = array<i32>} : memref<7x64x128xf32, #tpu.memory_space<vmem>>, vector<1x1x16xf32>,
    }
    %scan3A_493 = arith.constant 64 : i32
    %add3A_494 = arith.constant 448 : i32
    %add3A_495 = arith.addi %mul3A_2, %add3A_494 : i32
    %dma_start3A_496 = arith.constant 0 : i32
    %dma_start3A_497 = arith.constant 0 : i32
    %dma_start3A_498 = arith.constant 0 : i32
    %dma_start3A_499 = tpu.memref_slice %arg9[%dma_start3A_496, %dma_start3A_497, %dma_start3A_498] : memref<7x64x128xf32, #tpu.memory_space<vmem>> -> memref<1x64x128xf32, #tpu.memory_space<vmem>>
    %dma_start3A_500 = tpu.memref_squeeze %dma_start3A_499 : memref<1x64x128xf32, #tpu.memory_space<vmem>> -> memref<64x128xf32, #tpu.memory_space<vmem>>
    %dma_start3A_501 = arith.constant 0 : i32
    %dma_start3A_502 = tpu.memref_slice %arg6[%add3A_495, %dma_start3A_501] : memref<16384x128xf32, #tpu.memory_space<hbm>> -> memref<64x128xf32, #tpu.memory_space<hbm>>
    %dma_start3A_503 = arith.constant 0 : i32
    %dma_start3A_504 = tpu.memref_slice %arg6[%add3A_495, %dma_start3A_503] : memref<16384x128xf32, #tpu.memory_space<hbm>> -> memref<64x128xf32, #tpu.memory_space<hbm>>
    %dma_start3A_505 = arith.constant 0 : i32
    %dma_start3A_506 = arith.constant 0 : i32
    %dma_start3A_507 = tpu.memref_slice %arg9[%dma_start3A_496, %dma_start3A_505, %dma_start3A_506] : memref<7x64x128xf32, #tpu.memory_space<vmem>> -> memref<1x64x128xf32, #tpu.memory_space<vmem>>
    %dma_start3A_508 = tpu.memref_squeeze %dma_start3A_507 : memref<1x64x128xf32, #tpu.memory_space<vmem>> -> memref<64x128xf32, #tpu.memory_space<vmem>>
    tpu.enqueue_dma source(%dma_start3A_508 : memref<64x128xf32, #tpu.memory_space<vmem>>) target(%dma_start3A_504 : memref<64x128xf32, #tpu.memory_space<hbm>>) target_semaphore(%arg18 : memref<!tpu.dma_semaphore, #tpu.memory_space<semaphore_mem>>)
    %dma_wait3A_509 = arith.constant 0 : i32
    %dma_wait3A_510 = arith.constant 0 : i32
    %dma_wait3A_511 = arith.constant 0 : i32
    %dma_wait3A_512 = tpu.memref_slice %arg9[%dma_wait3A_509, %dma_wait3A_510, %dma_wait3A_511] : memref<7x64x128xf32, #tpu.memory_space<vmem>> -> memref<1x64x128xf32, #tpu.memory_space<vmem>>
    %dma_wait3A_513 = tpu.memref_squeeze %dma_wait3A_512 : memref<1x64x128xf32, #tpu.memory_space<vmem>> -> memref<64x128xf32, #tpu.memory_space<vmem>>
    %dma_wait3A_514 = arith.constant 0 : i32
    %dma_wait3A_515 = tpu.memref_slice %arg6[%add3A_495, %dma_wait3A_514] : memref<16384x128xf32, #tpu.memory_space<hbm>> -> memref<64x128xf32, #tpu.memory_space<hbm>>
    %dma_wait3A_516 = arith.constant 0 : i32
    %dma_wait3A_517 = tpu.memref_slice %arg6[%add3A_495, %dma_wait3A_516] : memref<16384x128xf32, #tpu.memory_space<hbm>> -> memref<64x128xf32, #tpu.memory_space<hbm>>
    %dma_wait3A_518 = arith.constant 0 : i32
    %dma_wait3A_519 = arith.constant 0 : i32
    %dma_wait3A_520 = tpu.memref_slice %arg9[%dma_wait3A_509, %dma_wait3A_518, %dma_wait3A_519] : memref<7x64x128xf32, #tpu.memory_space<vmem>> -> memref<1x64x128xf32, #tpu.memory_space<vmem>>
    %dma_wait3A_521 = tpu.memref_squeeze %dma_wait3A_520 : memref<1x64x128xf32, #tpu.memory_space<vmem>> -> memref<64x128xf32, #tpu.memory_space<vmem>>
    tpu.wait_dma2 semaphore(%arg18 : memref<!tpu.dma_semaphore, #tpu.memory_space<semaphore_mem>>) src(%dma_wait3A_521 : memref<64x128xf32, #tpu.memory_space<vmem>>) dst(%dma_wait3A_517 : memref<64x128xf32, #tpu.memory_space<hbm>>)
    %dma_wait3A_522 = arith.constant 1 : i32
    %dma_wait3A_523 = arith.constant 0 : i32
    %dma_wait3A_524 = arith.constant 0 : i32
    %dma_wait3A_525 = tpu.memref_slice %arg9[%dma_wait3A_522, %dma_wait3A_523, %dma_wait3A_524] : memref<7x64x128xf32, #tpu.memory_space<vmem>> -> memref<1x64x128xf32, #tpu.memory_space<vmem>>
    %dma_wait3A_526 = tpu.memref_squeeze %dma_wait3A_525 : memref<1x64x128xf32, #tpu.memory_space<vmem>> -> memref<64x128xf32, #tpu.memory_space<vmem>>
    %dma_wait3A_527 = arith.constant 0 : i32
    %dma_wait3A_528 = tpu.memref_slice %arg6[%add3A_249, %dma_wait3A_527] : memref<16384x128xf32, #tpu.memory_space<hbm>> -> memref<64x128xf32, #tpu.memory_space<hbm>>
    %dma_wait3A_529 = arith.constant 0 : i32
    %dma_wait3A_530 = tpu.memref_slice %arg6[%add3A_249, %dma_wait3A_529] : memref<16384x128xf32, #tpu.memory_space<hbm>> -> memref<64x128xf32, #tpu.memory_space<hbm>>
    %dma_wait3A_531 = arith.constant 0 : i32
    %dma_wait3A_532 = arith.constant 0 : i32
    %dma_wait3A_533 = tpu.memref_slice %arg9[%dma_wait3A_522, %dma_wait3A_531, %dma_wait3A_532] : memref<7x64x128xf32, #tpu.memory_space<vmem>> -> memref<1x64x128xf32, #tpu.memory_space<vmem>>
    %dma_wait3A_534 = tpu.memref_squeeze %dma_wait3A_533 : memref<1x64x128xf32, #tpu.memory_space<vmem>> -> memref<64x128xf32, #tpu.memory_space<vmem>>
    tpu.wait_dma2 semaphore(%arg19 : memref<!tpu.dma_semaphore, #tpu.memory_space<semaphore_mem>>) src(%dma_wait3A_534 : memref<64x128xf32, #tpu.memory_space<vmem>>) dst(%dma_wait3A_530 : memref<64x128xf32, #tpu.memory_space<hbm>>)
    %dma_wait3A_535 = arith.constant 2 : i32
    %dma_wait3A_536 = arith.constant 0 : i32
    %dma_wait3A_537 = arith.constant 0 : i32
    %dma_wait3A_538 = tpu.memref_slice %arg9[%dma_wait3A_535, %dma_wait3A_536, %dma_wait3A_537] : memref<7x64x128xf32, #tpu.memory_space<vmem>> -> memref<1x64x128xf32, #tpu.memory_space<vmem>>
    %dma_wait3A_539 = tpu.memref_squeeze %dma_wait3A_538 : memref<1x64x128xf32, #tpu.memory_space<vmem>> -> memref<64x128xf32, #tpu.memory_space<vmem>>
    %dma_wait3A_540 = arith.constant 0 : i32
    %dma_wait3A_541 = tpu.memref_slice %arg6[%add3A_290, %dma_wait3A_540] : memref<16384x128xf32, #tpu.memory_space<hbm>> -> memref<64x128xf32, #tpu.memory_space<hbm>>
    %dma_wait3A_542 = arith.constant 0 : i32
    %dma_wait3A_543 = tpu.memref_slice %arg6[%add3A_290, %dma_wait3A_542] : memref<16384x128xf32, #tpu.memory_space<hbm>> -> memref<64x128xf32, #tpu.memory_space<hbm>>
    %dma_wait3A_544 = arith.constant 0 : i32
    %dma_wait3A_545 = arith.constant 0 : i32
    %dma_wait3A_546 = tpu.memref_slice %arg9[%dma_wait3A_535, %dma_wait3A_544, %dma_wait3A_545] : memref<7x64x128xf32, #tpu.memory_space<vmem>> -> memref<1x64x128xf32, #tpu.memory_space<vmem>>
    %dma_wait3A_547 = tpu.memref_squeeze %dma_wait3A_546 : memref<1x64x128xf32, #tpu.memory_space<vmem>> -> memref<64x128xf32, #tpu.memory_space<vmem>>
    tpu.wait_dma2 semaphore(%arg20 : memref<!tpu.dma_semaphore, #tpu.memory_space<semaphore_mem>>) src(%dma_wait3A_547 : memref<64x128xf32, #tpu.memory_space<vmem>>) dst(%dma_wait3A_543 : memref<64x128xf32, #tpu.memory_space<hbm>>)
    %dma_wait3A_548 = arith.constant 3 : i32
    %dma_wait3A_549 = arith.constant 0 : i32
    %dma_wait3A_550 = arith.constant 0 : i32
    %dma_wait3A_551 = tpu.memref_slice %arg9[%dma_wait3A_548, %dma_wait3A_549, %dma_wait3A_550] : memref<7x64x128xf32, #tpu.memory_space<vmem>> -> memref<1x64x128xf32, #tpu.memory_space<vmem>>
    %dma_wait3A_552 = tpu.memref_squeeze %dma_wait3A_551 : memref<1x64x128xf32, #tpu.memory_space<vmem>> -> memref<64x128xf32, #tpu.memory_space<vmem>>
    %dma_wait3A_553 = arith.constant 0 : i32
    %dma_wait3A_554 = tpu.memref_slice %arg6[%add3A_331, %dma_wait3A_553] : memref<16384x128xf32, #tpu.memory_space<hbm>> -> memref<64x128xf32, #tpu.memory_space<hbm>>
    %dma_wait3A_555 = arith.constant 0 : i32
    %dma_wait3A_556 = tpu.memref_slice %arg6[%add3A_331, %dma_wait3A_555] : memref<16384x128xf32, #tpu.memory_space<hbm>> -> memref<64x128xf32, #tpu.memory_space<hbm>>
    %dma_wait3A_557 = arith.constant 0 : i32
    %dma_wait3A_558 = arith.constant 0 : i32
    %dma_wait3A_559 = tpu.memref_slice %arg9[%dma_wait3A_548, %dma_wait3A_557, %dma_wait3A_558] : memref<7x64x128xf32, #tpu.memory_space<vmem>> -> memref<1x64x128xf32, #tpu.memory_space<vmem>>
    %dma_wait3A_560 = tpu.memref_squeeze %dma_wait3A_559 : memref<1x64x128xf32, #tpu.memory_space<vmem>> -> memref<64x128xf32, #tpu.memory_space<vmem>>
    tpu.wait_dma2 semaphore(%arg21 : memref<!tpu.dma_semaphore, #tpu.memory_space<semaphore_mem>>) src(%dma_wait3A_560 : memref<64x128xf32, #tpu.memory_space<vmem>>) dst(%dma_wait3A_556 : memref<64x128xf32, #tpu.memory_space<hbm>>)
    %dma_wait3A_561 = arith.constant 4 : i32
    %dma_wait3A_562 = arith.constant 0 : i32
    %dma_wait3A_563 = arith.constant 0 : i32
    %dma_wait3A_564 = tpu.memref_slice %arg9[%dma_wait3A_561, %dma_wait3A_562, %dma_wait3A_563] : memref<7x64x128xf32, #tpu.memory_space<vmem>> -> memref<1x64x128xf32, #tpu.memory_space<vmem>>
    %dma_wait3A_565 = tpu.memref_squeeze %dma_wait3A_564 : memref<1x64x128xf32, #tpu.memory_space<vmem>> -> memref<64x128xf32, #tpu.memory_space<vmem>>
    %dma_wait3A_566 = arith.constant 0 : i32
    %dma_wait3A_567 = tpu.memref_slice %arg6[%add3A_372, %dma_wait3A_566] : memref<16384x128xf32, #tpu.memory_space<hbm>> -> memref<64x128xf32, #tpu.memory_space<hbm>>
    %dma_wait3A_568 = arith.constant 0 : i32
    %dma_wait3A_569 = tpu.memref_slice %arg6[%add3A_372, %dma_wait3A_568] : memref<16384x128xf32, #tpu.memory_space<hbm>> -> memref<64x128xf32, #tpu.memory_space<hbm>>
    %dma_wait3A_570 = arith.constant 0 : i32
    %dma_wait3A_571 = arith.constant 0 : i32
    %dma_wait3A_572 = tpu.memref_slice %arg9[%dma_wait3A_561, %dma_wait3A_570, %dma_wait3A_571] : memref<7x64x128xf32, #tpu.memory_space<vmem>> -> memref<1x64x128xf32, #tpu.memory_space<vmem>>
    %dma_wait3A_573 = tpu.memref_squeeze %dma_wait3A_572 : memref<1x64x128xf32, #tpu.memory_space<vmem>> -> memref<64x128xf32, #tpu.memory_space<vmem>>
    tpu.wait_dma2 semaphore(%arg22 : memref<!tpu.dma_semaphore, #tpu.memory_space<semaphore_mem>>) src(%dma_wait3A_573 : memref<64x128xf32, #tpu.memory_space<vmem>>) dst(%dma_wait3A_569 : memref<64x128xf32, #tpu.memory_space<hbm>>)
    %dma_wait3A_574 = arith.constant 5 : i32
    %dma_wait3A_575 = arith.constant 0 : i32
    %dma_wait3A_576 = arith.constant 0 : i32
    %dma_wait3A_577 = tpu.memref_slice %arg9[%dma_wait3A_574, %dma_wait3A_575, %dma_wait3A_576] : memref<7x64x128xf32, #tpu.memory_space<vmem>> -> memref<1x64x128xf32, #tpu.memory_space<vmem>>
    %dma_wait3A_578 = tpu.memref_squeeze %dma_wait3A_577 : memref<1x64x128xf32, #tpu.memory_space<vmem>> -> memref<64x128xf32, #tpu.memory_space<vmem>>
    %dma_wait3A_579 = arith.constant 0 : i32
    %dma_wait3A_580 = tpu.memref_slice %arg6[%add3A_413, %dma_wait3A_579] : memref<16384x128xf32, #tpu.memory_space<hbm>> -> memref<64x128xf32, #tpu.memory_space<hbm>>
    %dma_wait3A_581 = arith.constant 0 : i32
    %dma_wait3A_582 = tpu.memref_slice %arg6[%add3A_413, %dma_wait3A_581] : memref<16384x128xf32, #tpu.memory_space<hbm>> -> memref<64x128xf32, #tpu.memory_space<hbm>>
    %dma_wait3A_583 = arith.constant 0 : i32
    %dma_wait3A_584 = arith.constant 0 : i32
    %dma_wait3A_585 = tpu.memref_slice %arg9[%dma_wait3A_574, %dma_wait3A_583, %dma_wait3A_584] : memref<7x64x128xf32, #tpu.memory_space<vmem>> -> memref<1x64x128xf32, #tpu.memory_space<vmem>>
    %dma_wait3A_586 = tpu.memref_squeeze %dma_wait3A_585 : memref<1x64x128xf32, #tpu.memory_space<vmem>> -> memref<64x128xf32, #tpu.memory_space<vmem>>
    tpu.wait_dma2 semaphore(%arg23 : memref<!tpu.dma_semaphore, #tpu.memory_space<semaphore_mem>>) src(%dma_wait3A_586 : memref<64x128xf32, #tpu.memory_space<vmem>>) dst(%dma_wait3A_582 : memref<64x128xf32, #tpu.memory_space<hbm>>)
    %dma_wait3A_587 = arith.constant 6 : i32
    %dma_wait3A_588 = arith.constant 0 : i32
    %dma_wait3A_589 = arith.constant 0 : i32
    %dma_wait3A_590 = tpu.memref_slice %arg9[%dma_wait3A_587, %dma_wait3A_588, %dma_wait3A_589] : memref<7x64x128xf32, #tpu.memory_space<vmem>> -> memref<1x64x128xf32, #tpu.memory_space<vmem>>
    %dma_wait3A_591 = tpu.memref_squeeze %dma_wait3A_590 : memref<1x64x128xf32, #tpu.memory_space<vmem>> -> memref<64x128xf32, #tpu.memory_space<vmem>>
    %dma_wait3A_592 = arith.constant 0 : i32
    %dma_wait3A_593 = tpu.memref_slice %arg6[%add3A_454, %dma_wait3A_592] : memref<16384x128xf32, #tpu.memory_space<hbm>> -> memref<64x128xf32, #tpu.memory_space<hbm>>
    %dma_wait3A_594 = arith.constant 0 : i32
    %dma_wait3A_595 = tpu.memref_slice %arg6[%add3A_454, %dma_wait3A_594] : memref<16384x128xf32, #tpu.memory_space<hbm>> -> memref<64x128xf32, #tpu.memory_space<hbm>>
    %dma_wait3A_596 = arith.constant 0 : i32
    %dma_wait3A_597 = arith.constant 0 : i32
    %dma_wait3A_598 = tpu.memref_slice %arg9[%dma_wait3A_587, %dma_wait3A_596, %dma_wait3A_597] : memref<7x64x128xf32, #tpu.memory_space<vmem>> -> memref<1x64x128xf32, #tpu.memory_space<vmem>>
    %dma_wait3A_599 = tpu.memref_squeeze %dma_wait3A_598 : memref<1x64x128xf32, #tpu.memory_space<vmem>> -> memref<64x128xf32, #tpu.memory_space<vmem>>
    tpu.wait_dma2 semaphore(%arg24 : memref<!tpu.dma_semaphore, #tpu.memory_space<semaphore_mem>>) src(%dma_wait3A_599 : memref<64x128xf32, #tpu.memory_space<vmem>>) dst(%dma_wait3A_595 : memref<64x128xf32, #tpu.memory_space<hbm>>)
    return
  }
}

</mosaic_0001>

<sc_bundles>
// kernel: _gmf.3.cloned.1.call-start
scs
__scs_entry_jumppad:
0x0: {  	(pc) =	sbr.rel $0x88, $3  }
0x1: {  	(tag) =	ssettag $0x0;
	lr =	simm.s32 $0x1  }
0x2: {  	[smem:$0x3F9D] =	sst lr;
	_ =	strace $0xD0000000  }
0x3: {  	_ = 	snop  }
0x4: {  	_ = 	snop  }
0x5: {  	_ = 	snop  }
0x6: {  	_ = 	snop  }
0x7: {  	_ = 	snop  }
__scs_overlays_trampoline_lowered:
0x8: {  	[smem:$0x3FAC] =	sst s0  }
0x9: {  	[smem:$0x3FAD] =	sst s1  }
0xa: {  	[smem:$0x3FAE] =	sst s2  }
0xb: {  	[smem:$0x3FAF] =	sst s3  }
0xc: {  	[smem:$0x3FB0] =	sst s4  }
0xd: {  	[smem:$0x3FB1] =	sst s5  }
0xe: {  	[smem:$0x3FB2] =	sst s6  }
0xf: {  	[smem:$0x3FB3] =	sst s7  }
0x10: {  	[smem:$0x3FB4] =	sst s8  }
0x11: {  	[smem:$0x3FB5] =	sst s9;
	s0 =	simm.s32 @!p0 $0x0  }
0x12: {  	s1 =	sld [smem:$0x3F9B];
	s0 =	simm.s32 @p0 $0x1  }
0x13: {  	[smem:$0x3FB6] =	sst s0;
	s0 =	simm.s32 @!p1 $0x0  }
0x14: {  	s2 =	sld [smem:$0x3F9A];
	s0 =	simm.s32 @p1 $0x1  }
0x15: {  	[smem:$0x3FB7] =	sst s0;
	s0 =	simm.s32 @!p2 $0x0  }
0x16: {  	s3 =	sld [smem:$0x3FDB];
	s0 =	simm.s32 @p2 $0x1  }
0x17: {  	s4 =	simm.s32 $0x1BF5;
	[smem:$0x3FB9] =	sst s0  }
0x18: {  	s0 =	sld [smem:$0x3F9C];
	_ =	swait.ge [sflag:s4], $0x0  }
0x19: {  	s7 =	sld [smem:$0x3F9D]  }
0x1a: {  	s8 =	sadd.s32 $0xFFFFE003, lr  }
0x1b: {  	s9 =	sadd.s32 $0xFFFFFEF7, lr;
	s5 =	simm.s32 $0xFFFFFFFF;
	p2 =	slt.u32 s8, $0xFFFFF086  }
0x1c: {  	p1 =	slt.u32 s9, $0xF7A;
	s5 =	simm.s32 @!p2 $0x0  }
0x1d: {  	s5 =	simm.s32 @p1 $0x1;
	p0 =	seq.s32 s7, s2  }
0x1e: {  	s7 =	smul.u32 @!p0 $0xF7A, s2;
	p2 =	seq.s32 @!p0 s5, $0x0  }
0x1f: {  	s9 =	smul.u32 $0xF7A, s1;
	s8 =	simm.s32 @!p0 $0x1BF5;
	p2 =	por !p2, p0  }
0x20: {  	[sflag:s8] =	ssyncset.s32 @!p0 $0xFFFFF086;
	s6 =	sadd.s32 @!p0 s3, s7;
	s7 =	simm.s32 @!p0 $0x108  }
0x21: {  	s3 =	sadd.s32 s3, s9;
	s6 =	sadd.s32 @!p0 $0x88, s6;
	s7 =	simm.s32 @p2 $0x1082  }
0x22: {  	[simem:s7], [sflag:s8] =	dma.local @!p0 [hbm:s6], $0xF7A  }
0x23: {  	s9 =	sor.u32 $0xD0000000, s2;
	s6 =	simm.s32 $0x108;
	_ =	swait.ge @!p0 [sflag:s8], $0x0  }
0x24: {  	s3 =	sadd.s32 $0x88, s3;
	s6 =	simm.s32 @!p1 $0x1082;
	[sflag:s4] =	ssyncset.s32 $0xFFFFF086  }
0x25: {  	[simem:s6], [sflag:s4] =	dma.local [hbm:s3], $0xF7A  }
0x26: {  	[smem:$0x3F9D] =	sst s1;
	(tag) =	ssettag s2;
	_ =	strace s9  }
0x27: {  	s1 =	sld [smem:$0x3FAD]  }
0x28: {  	s2 =	sld [smem:$0x3FAE]  }
0x29: {  	s4 =	sld [smem:$0x3FB0]  }
0x2a: {  	p0 =	seq.s32 s5, $0x0;
	s5 =	sld [smem:$0x3FB1]  }
0x2b: {  	s6 =	sld [smem:$0x3FB2]  }
0x2c: {  	s7 =	sld [smem:$0x3FB3]  }
0x2d: {  	s3 =	simm.s32 $0x108;
	s8 =	sld [smem:$0x3FB4]  }
0x2e: {  	s3 =	simm.s32 @!p0 $0x1082;
	s9 =	sld [smem:$0x3FB5]  }
0x2f: {  	lr =	sadd.s32 s0, s3;
	s0 =	sld [smem:$0x3FAC]  }
0x30: {  	s3 =	sld [smem:$0x3FAF]  }
0x31: {  	[smem:$0x3FB8] =	sst s10  }
0x32: {  	s10 =	sld [smem:$0x3FB6];
	_ =	sdelay $0x3  }
0x33: {  	p0 =	seq.s32 s10, $0x1;
	s10 =	sld [smem:$0x3FB8];
	_ =	sdelay $0x3  }
0x34: {  	[smem:$0x3FB8] =	sst s10  }
0x35: {  	s10 =	sld [smem:$0x3FB7];
	_ =	sdelay $0x3  }
0x36: {  	p1 =	seq.s32 s10, $0x1;
	s10 =	sld [smem:$0x3FB8];
	_ =	sdelay $0x3  }
0x37: {  	[smem:$0x3FB8] =	sst s10  }
0x38: {  	s10 =	sld [smem:$0x3FB9]  }
0x39: {  	_ = 	snop;
	(pc) =	sbr.ind lr, $3  }
0x3a: {  	_ = 	snop  }
0x3b: {  	_ = 	snop  }
0x3c: {  	p2 =	seq.s32 s10, $0x1;
	s10 =	sld [smem:$0x3FB8]  }
0x3d: {  	_ =	shalt  }
0x3e: {  	_ =	shalt  }
0x3f: {  	_ =	shalt  }
0x40: {  	_ =	shalt  }
0x41: {  	_ =	shalt  }
0x42: {  	_ =	shalt  }
0x43: {  	_ =	shalt  }
0x44: {  	_ =	shalt  }
0x45: {  	_ =	shalt  }
0x46: {  	_ =	shalt  }
0x47: {  	_ =	shalt  }
0x48: {  	_ =	shalt  }
0x49: {  	_ =	shalt  }
0x4a: {  	_ =	shalt  }
0x4b: {  	_ =	shalt  }
0x4c: {  	_ =	shalt  }
0x4d: {  	_ =	shalt  }
0x4e: {  	_ =	shalt  }
0x4f: {  	_ =	shalt  }
0x50: {  	_ =	shalt  }
0x51: {  	_ =	shalt  }
0x52: {  	_ =	shalt  }
0x53: {  	_ =	shalt  }
0x54: {  	_ =	shalt  }
0x55: {  	_ =	shalt  }
0x56: {  	_ =	shalt  }
0x57: {  	_ =	shalt  }
0x58: {  	_ =	shalt  }
0x59: {  	_ =	shalt  }
0x5a: {  	_ =	shalt  }
0x5b: {  	_ =	shalt  }
0x5c: {  	_ =	shalt  }
0x5d: {  	_ =	shalt  }
0x5e: {  	_ =	shalt  }
0x5f: {  	_ =	shalt  }
0x60: {  	_ =	shalt  }
0x61: {  	_ =	shalt  }
0x62: {  	_ =	shalt  }
0x63: {  	_ =	shalt  }
0x64: {  	_ =	shalt  }
0x65: {  	_ =	shalt  }
0x66: {  	_ =	shalt  }
0x67: {  	_ =	shalt  }
0x68: {  	_ =	shalt  }
0x69: {  	_ =	shalt  }
0x6a: {  	_ =	shalt  }
0x6b: {  	_ =	shalt  }
0x6c: {  	_ =	shalt  }
0x6d: {  	_ =	shalt  }
0x6e: {  	_ =	shalt  }
0x6f: {  	_ =	shalt  }
0x70: {  	_ =	shalt  }
0x71: {  	_ =	shalt  }
0x72: {  	_ =	shalt  }
0x73: {  	_ =	shalt  }
0x74: {  	_ =	shalt  }
0x75: {  	_ =	shalt  }
0x76: {  	_ =	shalt  }
0x77: {  	_ =	shalt  }
0x78: {  	_ =	shalt  }
0x79: {  	_ =	shalt  }
0x7a: {  	_ =	shalt  }
0x7b: {  	_ =	shalt  }
0x7c: {  	_ =	shalt  }
0x7d: {  	_ =	shalt  }
0x7e: {  	_ =	shalt  }
0x7f: {  	_ =	shalt  }
0x80: {  	_ =	shalt  }
0x81: {  	_ =	shalt  }
0x82: {  	_ =	shalt  }
0x83: {  	_ =	shalt  }
0x84: {  	_ =	shalt  }
0x85: {  	_ =	shalt  }
0x86: {  	_ =	shalt  }
0x87: {  	_ =	shalt  }
.Lfunc_end0:
.L_simem_size_0:
called_computation_lowered:
.L_overlay_start_0:
0x88: {  	s2 =	sld [smem:$0x3FD9]  }
0x89: {  	s3 =	sld [smem:$0x3FFE];
	_ =	sdelay $0x1  }
0x8a: {  	s1 =	srdreg.scid  }
0x8b: {  	s0 =	sand.u32 $0x1, s1  }
0x8c: {  	s18 =	sshll.u32 s0, $0xA;
	s2 =	sadd.s32 s3, s2  }
0x8d: {  	s2 =	sadd.s32 s2, s18  }
0x8e: {  	[smem:$0x3FC4] =	sst s2  }
0x8f: {  	_ = 	snop  }
0x90: {  	s2 =	sld [smem:$0x3FC9]  }
0x91: {  	s19 =	sld [smem:$0x3FC8]  }
0x92: {  	s4 =	sld [smem:$0x3FC7]  }
0x93: {  	s5 =	sld [smem:$0x3FC6]  }
0x94: {  	s6 =	sld [smem:$0x3FD0];
	(tm) =	ssettm $0x1  }
0x95: {  	s7 =	sld [smem:$0x3FFB];
	_ =	sdelay $0x3  }
0x96: {  	_ =	strace s7  }
0x97: {  	s7 =	sld [smem:$0x3FFC];
	_ =	sdelay $0x3  }
0x98: {  	_ =	strace s7  }
0x99: {  	s7 =	sld [smem:$0x3FFD];
	_ =	sdelay $0x3  }
0x9a: {  	_ =	strace s7  }
0x9b: {  	_ =	strace $0x8FFFFFFF  }
0x9c: {  	s20 =	sld [smem:$0x3FDB];
	_ =	sdelay $0x1  }
0x9d: {  	s8 =	simm.s32 $_scs_section_size  }
0x9e: {  	s9 =	simm.s32 $_size__tile_overlayer_lowered;
	s10 =	simm.s32 $_tile_overlayer_lowered  }
0x9f: {  	s23 =	simm.s32 $0x1BFF;
	s22 =	sshll.u32 s10, $0x1;
	s7 =	sadd.s32 s8, s20  }
0xa0: {  	s11 =	simm.s32 $0x0;
	s21 =	sshll.u32 s9, $0x1;
	s9 =	sadd.s32 s22, s7  }
0xa1: {  	[timem:s11], [sflag:s23] =	dma.local [hbm:s9], s21  }
0xa2: {  	_ =	swait.ge [sflag:s23], s21  }
0xa3: {  	s8 =	ssub.s32 $0x0, s21;
	[sflag:s23] =	ssyncset.done $0x0  }
0xa4: {  	[sflag:s23] =	ssyncadd.s32 s8;
	_ =	sdelay $0x1  }
0xa5: {  	s24 =	simm.s32 $0x1B8B  }
0xa6: {  	_ =	swait.ge [sflag:s24], $0x1  }
0xa7: {  	[sflag:s24] =	ssyncset.done $0x0  }
0xa8: {  	s25 =	simm.s32 $0x1B8E;
	[sflag:s24] =	ssyncadd.s32 $0xFFFFFFFF  }
0xa9: {  	s26 =	simm.s32 $execute0_lowered;
	[smem:$0x3FD2] =	sst s25  }
0xaa: {  	s8 =	sshll.u32 s26, $0x1;
	_ =	strace $0x80000046;
	[dreg:$0x1] =	wrdreg $0xFFFFFFFF  }
0xab: {  	s28 =	simm.s32 $_size_execute0_lowered;
	s7 =	sadd.s32 s7, s8;
	[dreg:$0x0] =	wrdreg $0x0  }
0xac: {  	s8 =	sshll.u32 s28, $0x1;
	[dreg:$0x2] =	wrdreg s7  }
0xad: {  	[dreg:$0x3] =	wrdreg s8  }
0xae: {  	[dreg:$0x4] =	wrdreg $0xC0  }
0xaf: {  	_ =	task [dreg:s11], $0x5FFFF  }
0xb0: {  	[dreg:$0x1] =	wrdreg $0xFFFFFFFF  }
0xb1: {  	[dreg:$0x0] =	wrdreg $0x60  }
0xb2: {  	[dreg:$0x2] =	wrdreg s2  }
0xb3: {  	[dreg:$0x3] =	wrdreg s19  }
0xb4: {  	[dreg:$0x4] =	wrdreg s4  }
0xb5: {  	[dreg:$0x5] =	wrdreg s5  }
0xb6: {  	[dreg:$0x6] =	wrdreg s6  }
0xb7: {  	[dreg:$0x7] =	wrdreg $0x9  }
0xb8: {  	_ =	task.clear_ibuf [dreg:s11], $0x8FFFF;
	_ =	strace $0x90000046  }
0xb9: {  	s29 =	simm.s32 $0x9;
	_ =	strace $0x80000048  }
0xba: {  	_ =	swait.ge [sflag:s29], $0x1  }
0xbb: {  	[sflag:s29] =	ssyncadd.s32 $0xFFFFFFFF  }
0xbc: {  	_ =	strace $0x90000048  }
0xbd: {  	_ =	sfence  }
0xbe: {  	s30 =	sld [smem:$0x0];
	_ =	sdelay $0x2  }
0xbf: {  	s31 =	sshll.u32 s1, $0xD;
	s1 =	sshrl.u32 s1, $0x2  }
0xc0: {  	s3 =	sand.u32 $0x4000, s31;
	s1 =	sadd.s32 s1, s30  }
0xc1: {  	s0 =	sor.u32 s3, s0;
	s1 =	sshll.u32 s1, $0x11  }
0xc2: {  	s0 =	sor.u32 s1, s0  }
0xc3: {  	s0 =	sadd.s32 $0x8F2B, s0  }
0xc4: {  	[sflag:s0] =	ssyncadd.remote.s32 $0x1  }
0xc5: {  	_ =	sfence.sel $0xFFFF  }
0xc6: {  	[dreg:$0x0] =	wrdreg $0xFFFFFFFF;
	(pc) =	sbr.abs _section_cstart, $3  }
0xc7: {  	[dreg:$0x1] =	wrdreg $0xFFFFFFFF  }
0xc8: {  	_ =	task.clear_ibuf [dreg:s11], $0x2FFFF;
	_ =	strace $0x9FFFFFFF  }
0xc9: {  	(tm) =	ssettm $0x7FFFFFFF  }
tec
execute0_lowered:
.L_overlay_start_1:
0x0: {  	(tag) =	ssettag $0x1  }
0x1: {  	s1 =	rddreg [dreg:$0x0]  }
0x2: {  	s2 =	rddreg [dreg:$0x1]  }
0x3: {  	s0 =	rddreg [dreg:$0x2]  }
0x4: {  	s3 =	rddreg [dreg:$0x3]  }
0x5: {  	s5 =	rddreg [dreg:$0x4];
	s6 =	srdreg.scid  }
0x6: {  	s4 =	simm.s32 $0x0;
	s7 =	stileid.u32;
	s17 =	simm.s32 $0xF  }
0x7: {  	s18 =	simm.s32 $0x40;
	s30 =	simm.s32 $0x6400;
	s28 =	simm.s32 $0xA400  }
0x8: {  	s29 =	simm.s32 $0x8;
	s31 =	simm.s32 $0x4;
	s16 =	simm.s32 $0x6  }
0x9: {  	s10 =	simm.s32 $0xE;
	s11 =	simm.s32 $0x0;
	s6 =	sand.u32 $0x1, s6  }
0xa: {  	[smem:$0x7FF] =	sst s4;
	s7 =	sshll.u32 s7, $0xA;
	s8 =	sshll.u32 s6, $0x9  }
0xb: {  	_ =	strace $0x80000047;
	s6 =	ssub.s32 $0x2, s6;
	s7 =	sor.u32 s8, s7  }
0xc: {  	s19 =	sshrl.u32 s6, $0x1;
	s9 =	sshrl.u32 s7, $0x3;
	s7 =	sshll.u32 s7, $0x4  }
0xd: {  	s8 =	ssub.s32 s6, s19;
	s19 =	simm.s32 $0x400;
	s0 =	sadd.s32 s0, s9  }
0xe: {  	s6 =	sadd.s32 s5, s7;
	s20 =	sadd.s32 s3, s9;
	s15 =	smax.u32 s8, $0x1  }
0xf: {  	s3 =	simm.s32 $0xC400;
	s5 =	simm.s32 $0x7;
	[dreg:$0x6] =	wrdreg s0  }
0x10: {  	s7 =	simm.s32 $0xA;
	[dreg:$0x7] =	wrdreg s20;
	s21 =	sadd.s32 $0x400, s6  }
0x11: {  	s8 =	simm.s32 $0xC;
	s22 =	sadd.s32 $0x800, s6;
	[dreg:$0x8] =	wrdreg s21  }
0x12: {  	s9 =	simm.s32 $0xD;
	s23 =	sadd.s32 $0xC00, s6;
	[dreg:$0x9] =	wrdreg s22  }
0x13: {  	s24 =	sadd.s32 $0x1000, s6;
	s25 =	sadd.s32 $0x1400, s6;
	[dreg:$0xa] =	wrdreg s23  }
0x14: {  	s26 =	sadd.s32 $0x1800, s6;
	s14 =	sadd.s32 $0x1C00, s6;
	[dreg:$0xb] =	wrdreg s24  }
0x15: {  	s0 =	simm.s32 $0x5;
	s20 =	simm.s32 $0x9;
	[dreg:$0xc] =	wrdreg s25  }
0x16: {  	[dreg:$0xd] =	wrdreg s26;
	s22 =	simm.s32 $0x8400;
	s26 =	simm.s32 $0x1  }
0x17: {  	s23 =	simm.s32 $0x2;
	s24 =	simm.s32 $0x3;
	s21 =	simm.s32 $0xB  }
.LBB2_1:
0x18: {  	s12 =	rddreg [dreg:$0x6]  }
0x19: {  	[tilespmem:s4], [sflag:$0xF] =	stream.linear.gather [hbm4b:s12+s4], $0x200, $0x38;
	[tilespmem:$0x1C400] =	vst v63  }
0x1a: {  	s25 =	rddreg [dreg:$0x7];
	s13 =	simm.s32 $0x200  }
0x1b: {  	[tilespmem:s13], [sflag:$0xF] =	stream.linear.gather [hbm4b:s25+s4], $0x200, $0x38;
	[tilespmem:$0x1C400] =	vst v63  }
0x1c: {  	_ =	swait.ge [sflag:s17], $0x200  }
0x1d: {  	[sflag:s17] =	ssyncset.done $0x0  }
0x1e: {  	[sflag:s17] =	ssyncadd.s32 $0xFFFFFE00  }
0x1f: {  	_ =	swait.ge [sflag:s17], $0x200  }
0x20: {  	[sflag:s17] =	ssyncset.done $0x0  }
0x21: {  	[sflag:s17] =	ssyncadd.s32 $0xFFFFFE00  }
0x22: {  	[tilespmem:s19], [sflag:$0x1] =	stream.indirect.gather [hbm4b:s1+s18], $0x80, s4, s18, $0xb8;
	[tilespmem:$0x1C400] =	vst v63  }
0x23: {  	s25 =	simm.s32 $0xE400  }
0x24: {  	[tilespmem:s25], [sflag:$0x1] =	stream.indirect.gather [hbm4b:s2+s18], $0x80, s13, s18, $0xb8;
	[tilespmem:$0x1C400] =	vst v63  }
0x25: {  	s25 =	simm.s32 $0x2400  }
0x26: {  	[tilespmem:s25], [sflag:$0x2] =	stream.indirect.gather [hbm4b:s1+s18], $0x80, s18, s18, $0xb8;
	[tilespmem:$0x1C400] =	vst v63  }
0x27: {  	s13 =	simm.s32 $0x240;
	s25 =	simm.s32 $0x10400  }
0x28: {  	[tilespmem:s25], [sflag:$0x2] =	stream.indirect.gather [hbm4b:s2+s18], $0x80, s13, s18, $0xb8;
	[tilespmem:$0x1C400] =	vst v63  }
0x29: {  	s13 =	simm.s32 $0x80;
	s25 =	simm.s32 $0x4400  }
0x2a: {  	[tilespmem:s25], [sflag:$0x3] =	stream.indirect.gather [hbm4b:s1+s18], $0x80, s13, s18, $0xb8;
	[tilespmem:$0x1C400] =	vst v63  }
0x2b: {  	s13 =	simm.s32 $0x280;
	s25 =	simm.s32 $0x12400  }
0x2c: {  	[tilespmem:s25], [sflag:$0x3] =	stream.indirect.gather [hbm4b:s2+s18], $0x80, s13, s18, $0xb8;
	[tilespmem:$0x1C400] =	vst v63  }
0x2d: {  	s25 =	simm.s32 $0xC0  }
0x2e: {  	[tilespmem:s30], [sflag:$0x4] =	stream.indirect.gather [hbm4b:s1+s18], $0x80, s25, s18, $0xb8;
	[tilespmem:$0x1C400] =	vst v63  }
0x2f: {  	s13 =	simm.s32 $0x2C0;
	s25 =	simm.s32 $0x14400  }
0x30: {  	[tilespmem:s25], [sflag:$0x4] =	stream.indirect.gather [hbm4b:s2+s18], $0x80, s13, s18, $0xb8;
	[tilespmem:$0x1C400] =	vst v63  }
0x31: {  	s25 =	simm.s32 $0x100  }
0x32: {  	[tilespmem:s22], [sflag:$0x5] =	stream.indirect.gather [hbm4b:s1+s18], $0x80, s25, s18, $0xb8;
	[tilespmem:$0x1C400] =	vst v63  }
0x33: {  	s13 =	simm.s32 $0x300;
	s25 =	simm.s32 $0x16400  }
0x34: {  	[tilespmem:s25], [sflag:$0x5] =	stream.indirect.gather [hbm4b:s2+s18], $0x80, s13, s18, $0xb8;
	[tilespmem:$0x1C400] =	vst v63  }
0x35: {  	s25 =	simm.s32 $0x140  }
0x36: {  	[tilespmem:s28], [sflag:$0x6] =	stream.indirect.gather [hbm4b:s1+s18], $0x80, s25, s18, $0xb8;
	[tilespmem:$0x1C400] =	vst v63  }
0x37: {  	s13 =	simm.s32 $0x340;
	s25 =	simm.s32 $0x18400  }
0x38: {  	[tilespmem:s25], [sflag:$0x6] =	stream.indirect.gather [hbm4b:s2+s18], $0x80, s13, s18, $0xb8;
	[tilespmem:$0x1C400] =	vst v63  }
0x39: {  	s25 =	simm.s32 $0x180  }
0x3a: {  	[tilespmem:s3], [sflag:$0x7] =	stream.indirect.gather [hbm4b:s1+s18], $0x80, s25, s18, $0xb8;
	[tilespmem:$0x1C400] =	vst v63  }
0x3b: {  	s13 =	simm.s32 $0x380;
	s25 =	simm.s32 $0x1A400  }
0x3c: {  	[tilespmem:s25], [sflag:$0x7] =	stream.indirect.gather [hbm4b:s2+s18], $0x80, s13, s18, $0xb8;
	[tilespmem:$0x1C400] =	vst v63  }
0x3d: {  	_ =	swait.ge [sflag:s26], $0x2000  }
0x3e: {  	[sflag:s26] =	ssyncset.done $0x0  }
0x3f: {  	[sflag:s26] =	ssyncadd.s32 $0xFFFFE000  }
0x40: {  	_ =	swait.ge [sflag:s26], $0x2000  }
0x41: {  	[sflag:s26] =	ssyncset.done $0x0  }
0x42: {  	s25 =	simm.s32 $0x0;
	[sflag:s26] =	ssyncadd.s32 $0xFFFFE000  }
0x43: {  	v7 =	vld [tilespmem:s25+$0xE400]  }
0x44: {  	v11 =	vld [tilespmem:s25+$0xE410]  }
0x45: {  	v5 =	vld [tilespmem:s25+$0xE420]  }
0x46: {  	v4 =	vld [tilespmem:s25+$0xE430]  }
0x47: {  	v3 =	vld [tilespmem:s25+$0xE440]  }
0x48: {  	v2 =	vld [tilespmem:s25+$0xE450]  }
0x49: {  	v1 =	vld [tilespmem:s25+$0xE460]  }
0x4a: {  	v0 =	vld [tilespmem:s25+$0xE470]  }
0x4b: {  	v12 =	vld [tilespmem:s25+$0x400]  }
0x4c: {  	v13 =	vld [tilespmem:s25+$0x410]  }
0x4d: {  	v10 =	vld [tilespmem:s25+$0x420]  }
0x4e: {  	v9 =	vld [tilespmem:s25+$0x430]  }
0x4f: {  	v8 =	vld [tilespmem:s25+$0x440]  }
0x50: {  	v6 =	vld [tilespmem:s25+$0x450];
	v12 =	vmul.f32 v7, v12  }
0x51: {  	s12 =	simm.s32 $0x200;
	v11 =	vmul.f32 v11, v13;
	v7 =	vld [tilespmem:s25+$0x460]  }
.LBB2_2:
0x52: {  	s13 =	sshra.s32 s12, $0x2;
	p0 =	sne.s32 s12, $0x7E00;
	[tilespmem:s25+$0x400] =	vst v12;
	v5 =	vmul.f32 v5, v10;
	v10 =	vld [tilespmem:s25+$0x470]  }
0x53: {  	v12 =	vld [tilespmem:s13+$0xE400];
	[tilespmem:s25+$0x410] =	vst v11;
	v4 =	vmul.f32 v4, v9  }
0x54: {  	v11 =	vld [tilespmem:s13+$0xE410];
	[tilespmem:s25+$0x420] =	vst v5;
	v3 =	vmul.f32 v3, v8  }
0x55: {  	v5 =	vld [tilespmem:s13+$0xE420];
	[tilespmem:s25+$0x430] =	vst v4;
	v2 =	vmul.f32 v2, v6  }
0x56: {  	v4 =	vld [tilespmem:s13+$0xE430];
	[tilespmem:s25+$0x440] =	vst v3;
	v1 =	vmul.f32 v1, v7  }
0x57: {  	v3 =	vld [tilespmem:s13+$0xE440];
	[tilespmem:s25+$0x450] =	vst v2;
	v0 =	vmul.f32 v0, v10  }
0x58: {  	v2 =	vld [tilespmem:s13+$0xE450];
	[tilespmem:s25+$0x460] =	vst v1  }
0x59: {  	v1 =	vld [tilespmem:s13+$0xE460];
	[tilespmem:s25+$0x470] =	vst v0;
	s25 =	smov.u32 s13  }
0x5a: {  	v0 =	vld [tilespmem:s25+$0xE470]  }
0x5b: {  	v6 =	vld [tilespmem:s25+$0x400]  }
0x5c: {  	v7 =	vld [tilespmem:s25+$0x410]  }
.Ltmp0:
0x5d: {  	v10 =	vld [tilespmem:s25+$0x420];
	(pc) =	sbr.rel @p0 .LBB2_2-.Ltmp0, $4  }
0x5e: {  	v9 =	vld [tilespmem:s25+$0x430]  }
0x5f: {  	v8 =	vld [tilespmem:s25+$0x440]  }
0x60: {  	v12 =	vmul.f32 v12, v6;
	v6 =	vld [tilespmem:s25+$0x450]  }
0x61: {  	s12 =	sadd.s32 $0x200, s12;
	v11 =	vmul.f32 v11, v7;
	v7 =	vld [tilespmem:s25+$0x460]  }
0x62: {  	[tilespmem:s25+$0x400] =	vst v12;
	v5 =	vmul.f32 v5, v10;
	v10 =	vld [tilespmem:s25+$0x470]  }
0x63: {  	[tilespmem:s25+$0x410] =	vst v11;
	v4 =	vmul.f32 v4, v9  }
0x64: {  	[tilespmem:s25+$0x420] =	vst v5;
	v3 =	vmul.f32 v3, v8  }
0x65: {  	[tilespmem:s25+$0x430] =	vst v4;
	v2 =	vmul.f32 v2, v6  }
0x66: {  	[tilespmem:s25+$0x440] =	vst v3;
	v1 =	vmul.f32 v1, v7  }
0x67: {  	[tilespmem:s25+$0x450] =	vst v2;
	v0 =	vmul.f32 v0, v10  }
0x68: {  	[tilespmem:s25+$0x460] =	vst v1  }
0x69: {  	s12 =	simm.s32 $0x0;
	[tilespmem:s25+$0x470] =	vst v0  }
0x6a: {  	[hbm4b:s6+s12] =	stream.linear.scatter [tilespmem:s19], [sflag:$0x8], $0x2000, $0x38;
	[tilespmem:$0x1C400] =	vst v63  }
0x6b: {  	_ =	swait.ge [sflag:s29], $0x2000  }
0x6c: {  	[sflag:s29] =	ssyncset.done $0x0  }
0x6d: {  	s13 =	simm.s32 $0x1C0;
	[sflag:s29] =	ssyncadd.s32 $0xFFFFE000  }
0x6e: {  	[tilespmem:s19], [sflag:$0x1] =	stream.indirect.gather [hbm4b:s1+s18], $0x80, s13, s18, $0xb8;
	[tilespmem:$0x1C400] =	vst v63  }
0x6f: {  	s25 =	simm.s32 $0xE400;
	s13 =	simm.s32 $0x3C0  }
0x70: {  	[tilespmem:s25], [sflag:$0x1] =	stream.indirect.gather [hbm4b:s2+s18], $0x80, s13, s18, $0xb8;
	[tilespmem:$0x1C400] =	vst v63  }
0x71: {  	_ =	swait.ge [sflag:s23], $0x2000  }
0x72: {  	[sflag:s23] =	ssyncset.done $0x0  }
0x73: {  	[sflag:s23] =	ssyncadd.s32 $0xFFFFE000  }
0x74: {  	_ =	swait.ge [sflag:s23], $0x2000  }
0x75: {  	[sflag:s23] =	ssyncset.done $0x0  }
0x76: {  	s25 =	simm.s32 $0x0;
	[sflag:s23] =	ssyncadd.s32 $0xFFFFE000  }
0x77: {  	v7 =	vld [tilespmem:s25+$0x10400]  }
0x78: {  	v11 =	vld [tilespmem:s25+$0x10410]  }
0x79: {  	v5 =	vld [tilespmem:s25+$0x10420]  }
0x7a: {  	v4 =	vld [tilespmem:s25+$0x10430]  }
0x7b: {  	v3 =	vld [tilespmem:s25+$0x10440]  }
0x7c: {  	v2 =	vld [tilespmem:s25+$0x10450]  }
0x7d: {  	v1 =	vld [tilespmem:s25+$0x10460]  }
0x7e: {  	v0 =	vld [tilespmem:s25+$0x10470]  }
0x7f: {  	v12 =	vld [tilespmem:s25+$0x2400]  }
0x80: {  	v13 =	vld [tilespmem:s25+$0x2410]  }
0x81: {  	v10 =	vld [tilespmem:s25+$0x2420]  }
0x82: {  	v9 =	vld [tilespmem:s25+$0x2430]  }
0x83: {  	v8 =	vld [tilespmem:s25+$0x2440]  }
0x84: {  	v6 =	vld [tilespmem:s25+$0x2450];
	v12 =	vmul.f32 v7, v12  }
0x85: {  	s12 =	simm.s32 $0x200;
	v11 =	vmul.f32 v11, v13;
	v7 =	vld [tilespmem:s25+$0x2460]  }
.LBB2_4:
0x86: {  	s13 =	sshra.s32 s12, $0x2;
	p0 =	sne.s32 s12, $0x7E00;
	[tilespmem:s25+$0x2400] =	vst v12;
	v5 =	vmul.f32 v5, v10;
	v10 =	vld [tilespmem:s25+$0x2470]  }
0x87: {  	v12 =	vld [tilespmem:s13+$0x10400];
	[tilespmem:s25+$0x2410] =	vst v11;
	v4 =	vmul.f32 v4, v9  }
0x88: {  	v11 =	vld [tilespmem:s13+$0x10410];
	[tilespmem:s25+$0x2420] =	vst v5;
	v3 =	vmul.f32 v3, v8  }
0x89: {  	v5 =	vld [tilespmem:s13+$0x10420];
	[tilespmem:s25+$0x2430] =	vst v4;
	v2 =	vmul.f32 v2, v6  }
0x8a: {  	v4 =	vld [tilespmem:s13+$0x10430];
	[tilespmem:s25+$0x2440] =	vst v3;
	v1 =	vmul.f32 v1, v7  }
0x8b: {  	v3 =	vld [tilespmem:s13+$0x10440];
	[tilespmem:s25+$0x2450] =	vst v2;
	v0 =	vmul.f32 v0, v10  }
0x8c: {  	v2 =	vld [tilespmem:s13+$0x10450];
	[tilespmem:s25+$0x2460] =	vst v1  }
0x8d: {  	v1 =	vld [tilespmem:s13+$0x10460];
	[tilespmem:s25+$0x2470] =	vst v0;
	s25 =	smov.u32 s13  }
0x8e: {  	v0 =	vld [tilespmem:s25+$0x10470]  }
0x8f: {  	v6 =	vld [tilespmem:s25+$0x2400]  }
0x90: {  	v7 =	vld [tilespmem:s25+$0x2410]  }
.Ltmp1:
0x91: {  	v10 =	vld [tilespmem:s25+$0x2420];
	(pc) =	sbr.rel @p0 .LBB2_4-.Ltmp1, $4  }
0x92: {  	v9 =	vld [tilespmem:s25+$0x2430]  }
0x93: {  	v8 =	vld [tilespmem:s25+$0x2440]  }
0x94: {  	v12 =	vmul.f32 v12, v6;
	v6 =	vld [tilespmem:s25+$0x2450]  }
0x95: {  	s12 =	sadd.s32 $0x200, s12;
	v11 =	vmul.f32 v11, v7;
	v7 =	vld [tilespmem:s25+$0x2460]  }
0x96: {  	[tilespmem:s25+$0x2400] =	vst v12;
	v5 =	vmul.f32 v5, v10;
	v10 =	vld [tilespmem:s25+$0x2470]  }
0x97: {  	[tilespmem:s25+$0x2410] =	vst v11;
	v4 =	vmul.f32 v4, v9  }
0x98: {  	[tilespmem:s25+$0x2420] =	vst v5;
	v3 =	vmul.f32 v3, v8  }
0x99: {  	[tilespmem:s25+$0x2430] =	vst v4;
	v2 =	vmul.f32 v2, v6  }
0x9a: {  	[tilespmem:s25+$0x2440] =	vst v3;
	v1 =	vmul.f32 v1, v7  }
0x9b: {  	[tilespmem:s25+$0x2450] =	vst v2;
	v0 =	vmul.f32 v0, v10  }
0x9c: {  	[tilespmem:s25+$0x2460] =	vst v1  }
0x9d: {  	s12 =	simm.s32 $0x0;
	s13 =	rddreg [dreg:$0x8];
	[tilespmem:s25+$0x2470] =	vst v0;
	s25 =	simm.s32 $0x2400  }
0x9e: {  	[hbm4b:s13+s12] =	stream.linear.scatter [tilespmem:s25], [sflag:$0x9], $0x2000, $0x38;
	[tilespmem:$0x1C400] =	vst v63  }
0x9f: {  	_ =	swait.ge [sflag:s24], $0x2000  }
0xa0: {  	[sflag:s24] =	ssyncset.done $0x0  }
0xa1: {  	[sflag:s24] =	ssyncadd.s32 $0xFFFFE000  }
0xa2: {  	_ =	swait.ge [sflag:s24], $0x2000  }
0xa3: {  	[sflag:s24] =	ssyncset.done $0x0  }
0xa4: {  	s25 =	simm.s32 $0x0;
	[sflag:s24] =	ssyncadd.s32 $0xFFFFE000  }
0xa5: {  	v7 =	vld [tilespmem:s25+$0x12400]  }
0xa6: {  	v11 =	vld [tilespmem:s25+$0x12410]  }
0xa7: {  	v5 =	vld [tilespmem:s25+$0x12420]  }
0xa8: {  	v4 =	vld [tilespmem:s25+$0x12430]  }
0xa9: {  	v3 =	vld [tilespmem:s25+$0x12440]  }
0xaa: {  	v2 =	vld [tilespmem:s25+$0x12450]  }
0xab: {  	v1 =	vld [tilespmem:s25+$0x12460]  }
0xac: {  	v0 =	vld [tilespmem:s25+$0x12470]  }
0xad: {  	v12 =	vld [tilespmem:s25+$0x4400]  }
0xae: {  	v13 =	vld [tilespmem:s25+$0x4410]  }
0xaf: {  	v10 =	vld [tilespmem:s25+$0x4420]  }
0xb0: {  	v9 =	vld [tilespmem:s25+$0x4430]  }
0xb1: {  	v8 =	vld [tilespmem:s25+$0x4440]  }
0xb2: {  	v6 =	vld [tilespmem:s25+$0x4450];
	v12 =	vmul.f32 v7, v12  }
0xb3: {  	s12 =	simm.s32 $0x200;
	v11 =	vmul.f32 v11, v13;
	v7 =	vld [tilespmem:s25+$0x4460]  }
.LBB2_6:
0xb4: {  	s13 =	sshra.s32 s12, $0x2;
	p0 =	sne.s32 s12, $0x7E00;
	[tilespmem:s25+$0x4400] =	vst v12;
	v5 =	vmul.f32 v5, v10;
	v10 =	vld [tilespmem:s25+$0x4470]  }
0xb5: {  	v12 =	vld [tilespmem:s13+$0x12400];
	[tilespmem:s25+$0x4410] =	vst v11;
	v4 =	vmul.f32 v4, v9  }
0xb6: {  	v11 =	vld [tilespmem:s13+$0x12410];
	[tilespmem:s25+$0x4420] =	vst v5;
	v3 =	vmul.f32 v3, v8  }
0xb7: {  	v5 =	vld [tilespmem:s13+$0x12420];
	[tilespmem:s25+$0x4430] =	vst v4;
	v2 =	vmul.f32 v2, v6  }
0xb8: {  	v4 =	vld [tilespmem:s13+$0x12430];
	[tilespmem:s25+$0x4440] =	vst v3;
	v1 =	vmul.f32 v1, v7  }
0xb9: {  	v3 =	vld [tilespmem:s13+$0x12440];
	[tilespmem:s25+$0x4450] =	vst v2;
	v0 =	vmul.f32 v0, v10  }
0xba: {  	v2 =	vld [tilespmem:s13+$0x12450];
	[tilespmem:s25+$0x4460] =	vst v1  }
0xbb: {  	v1 =	vld [tilespmem:s13+$0x12460];
	[tilespmem:s25+$0x4470] =	vst v0;
	s25 =	smov.u32 s13  }
0xbc: {  	v0 =	vld [tilespmem:s25+$0x12470]  }
0xbd: {  	v6 =	vld [tilespmem:s25+$0x4400]  }
0xbe: {  	v7 =	vld [tilespmem:s25+$0x4410]  }
.Ltmp2:
0xbf: {  	v10 =	vld [tilespmem:s25+$0x4420];
	(pc) =	sbr.rel @p0 .LBB2_6-.Ltmp2, $4  }
0xc0: {  	v9 =	vld [tilespmem:s25+$0x4430]  }
0xc1: {  	v8 =	vld [tilespmem:s25+$0x4440]  }
0xc2: {  	v12 =	vmul.f32 v12, v6;
	v6 =	vld [tilespmem:s25+$0x4450]  }
0xc3: {  	s12 =	sadd.s32 $0x200, s12;
	v11 =	vmul.f32 v11, v7;
	v7 =	vld [tilespmem:s25+$0x4460]  }
0xc4: {  	[tilespmem:s25+$0x4400] =	vst v12;
	v5 =	vmul.f32 v5, v10;
	v10 =	vld [tilespmem:s25+$0x4470]  }
0xc5: {  	[tilespmem:s25+$0x4410] =	vst v11;
	v4 =	vmul.f32 v4, v9  }
0xc6: {  	[tilespmem:s25+$0x4420] =	vst v5;
	v3 =	vmul.f32 v3, v8  }
0xc7: {  	[tilespmem:s25+$0x4430] =	vst v4;
	v2 =	vmul.f32 v2, v6  }
0xc8: {  	[tilespmem:s25+$0x4440] =	vst v3;
	v1 =	vmul.f32 v1, v7  }
0xc9: {  	[tilespmem:s25+$0x4450] =	vst v2;
	v0 =	vmul.f32 v0, v10  }
0xca: {  	[tilespmem:s25+$0x4460] =	vst v1  }
0xcb: {  	s12 =	simm.s32 $0x0;
	s13 =	rddreg [dreg:$0x9];
	[tilespmem:s25+$0x4470] =	vst v0;
	s25 =	simm.s32 $0x4400  }
0xcc: {  	[hbm4b:s13+s12] =	stream.linear.scatter [tilespmem:s25], [sflag:$0xA], $0x2000, $0x38;
	[tilespmem:$0x1C400] =	vst v63  }
0xcd: {  	_ =	swait.ge [sflag:s31], $0x2000  }
0xce: {  	[sflag:s31] =	ssyncset.done $0x0  }
0xcf: {  	[sflag:s31] =	ssyncadd.s32 $0xFFFFE000  }
0xd0: {  	_ =	swait.ge [sflag:s31], $0x2000  }
0xd1: {  	[sflag:s31] =	ssyncset.done $0x0  }
0xd2: {  	s25 =	simm.s32 $0x0;
	[sflag:s31] =	ssyncadd.s32 $0xFFFFE000  }
0xd3: {  	v7 =	vld [tilespmem:s25+$0x14400]  }
0xd4: {  	v11 =	vld [tilespmem:s25+$0x14410]  }
0xd5: {  	v5 =	vld [tilespmem:s25+$0x14420]  }
0xd6: {  	v4 =	vld [tilespmem:s25+$0x14430]  }
0xd7: {  	v3 =	vld [tilespmem:s25+$0x14440]  }
0xd8: {  	v2 =	vld [tilespmem:s25+$0x14450]  }
0xd9: {  	v1 =	vld [tilespmem:s25+$0x14460]  }
0xda: {  	v0 =	vld [tilespmem:s25+$0x14470]  }
0xdb: {  	v12 =	vld [tilespmem:s25+$0x6400]  }
0xdc: {  	v13 =	vld [tilespmem:s25+$0x6410]  }
0xdd: {  	v10 =	vld [tilespmem:s25+$0x6420]  }
0xde: {  	v9 =	vld [tilespmem:s25+$0x6430]  }
0xdf: {  	v8 =	vld [tilespmem:s25+$0x6440]  }
0xe0: {  	v6 =	vld [tilespmem:s25+$0x6450];
	v12 =	vmul.f32 v7, v12  }
0xe1: {  	s12 =	simm.s32 $0x200;
	v11 =	vmul.f32 v11, v13;
	v7 =	vld [tilespmem:s25+$0x6460]  }
.LBB2_8:
0xe2: {  	s13 =	sshra.s32 s12, $0x2;
	p0 =	sne.s32 s12, $0x7E00;
	[tilespmem:s25+$0x6400] =	vst v12;
	v5 =	vmul.f32 v5, v10;
	v10 =	vld [tilespmem:s25+$0x6470]  }
0xe3: {  	v12 =	vld [tilespmem:s13+$0x14400];
	[tilespmem:s25+$0x6410] =	vst v11;
	v4 =	vmul.f32 v4, v9  }
0xe4: {  	v11 =	vld [tilespmem:s13+$0x14410];
	[tilespmem:s25+$0x6420] =	vst v5;
	v3 =	vmul.f32 v3, v8  }
0xe5: {  	v5 =	vld [tilespmem:s13+$0x14420];
	[tilespmem:s25+$0x6430] =	vst v4;
	v2 =	vmul.f32 v2, v6  }
0xe6: {  	v4 =	vld [tilespmem:s13+$0x14430];
	[tilespmem:s25+$0x6440] =	vst v3;
	v1 =	vmul.f32 v1, v7  }
0xe7: {  	v3 =	vld [tilespmem:s13+$0x14440];
	[tilespmem:s25+$0x6450] =	vst v2;
	v0 =	vmul.f32 v0, v10  }
0xe8: {  	v2 =	vld [tilespmem:s13+$0x14450];
	[tilespmem:s25+$0x6460] =	vst v1  }
0xe9: {  	v1 =	vld [tilespmem:s13+$0x14460];
	[tilespmem:s25+$0x6470] =	vst v0;
	s25 =	smov.u32 s13  }
0xea: {  	v0 =	vld [tilespmem:s25+$0x14470]  }
0xeb: {  	v6 =	vld [tilespmem:s25+$0x6400]  }
0xec: {  	v7 =	vld [tilespmem:s25+$0x6410]  }
.Ltmp3:
0xed: {  	v10 =	vld [tilespmem:s25+$0x6420];
	(pc) =	sbr.rel @p0 .LBB2_8-.Ltmp3, $4  }
0xee: {  	v9 =	vld [tilespmem:s25+$0x6430]  }
0xef: {  	v8 =	vld [tilespmem:s25+$0x6440]  }
0xf0: {  	v12 =	vmul.f32 v12, v6;
	v6 =	vld [tilespmem:s25+$0x6450]  }
0xf1: {  	s12 =	sadd.s32 $0x200, s12;
	v11 =	vmul.f32 v11, v7;
	v7 =	vld [tilespmem:s25+$0x6460]  }
0xf2: {  	[tilespmem:s25+$0x6400] =	vst v12;
	v5 =	vmul.f32 v5, v10;
	v10 =	vld [tilespmem:s25+$0x6470]  }
0xf3: {  	[tilespmem:s25+$0x6410] =	vst v11;
	v4 =	vmul.f32 v4, v9  }
0xf4: {  	[tilespmem:s25+$0x6420] =	vst v5;
	v3 =	vmul.f32 v3, v8  }
0xf5: {  	[tilespmem:s25+$0x6430] =	vst v4;
	v2 =	vmul.f32 v2, v6  }
0xf6: {  	[tilespmem:s25+$0x6440] =	vst v3;
	v1 =	vmul.f32 v1, v7  }
0xf7: {  	[tilespmem:s25+$0x6450] =	vst v2;
	v0 =	vmul.f32 v0, v10  }
0xf8: {  	[tilespmem:s25+$0x6460] =	vst v1  }
0xf9: {  	s12 =	simm.s32 $0x0;
	s13 =	rddreg [dreg:$0xa];
	[tilespmem:s25+$0x6470] =	vst v0  }
0xfa: {  	[hbm4b:s13+s12] =	stream.linear.scatter [tilespmem:s30], [sflag:$0xB], $0x2000, $0x38;
	[tilespmem:$0x1C400] =	vst v63  }
0xfb: {  	_ =	swait.ge [sflag:s0], $0x2000  }
0xfc: {  	[sflag:s0] =	ssyncset.done $0x0  }
0xfd: {  	[sflag:s0] =	ssyncadd.s32 $0xFFFFE000  }
0xfe: {  	_ =	swait.ge [sflag:s0], $0x2000  }
0xff: {  	[sflag:s0] =	ssyncset.done $0x0  }
0x100: {  	s25 =	simm.s32 $0x0;
	[sflag:s0] =	ssyncadd.s32 $0xFFFFE000  }
0x101: {  	v7 =	vld [tilespmem:s25+$0x16400]  }
0x102: {  	v11 =	vld [tilespmem:s25+$0x16410]  }
0x103: {  	v5 =	vld [tilespmem:s25+$0x16420]  }
0x104: {  	v4 =	vld [tilespmem:s25+$0x16430]  }
0x105: {  	v3 =	vld [tilespmem:s25+$0x16440]  }
0x106: {  	v2 =	vld [tilespmem:s25+$0x16450]  }
0x107: {  	v1 =	vld [tilespmem:s25+$0x16460]  }
0x108: {  	v0 =	vld [tilespmem:s25+$0x16470]  }
0x109: {  	v12 =	vld [tilespmem:s25+$0x8400]  }
0x10a: {  	v13 =	vld [tilespmem:s25+$0x8410]  }
0x10b: {  	v10 =	vld [tilespmem:s25+$0x8420]  }
0x10c: {  	v9 =	vld [tilespmem:s25+$0x8430]  }
0x10d: {  	v8 =	vld [tilespmem:s25+$0x8440]  }
0x10e: {  	v6 =	vld [tilespmem:s25+$0x8450];
	v12 =	vmul.f32 v7, v12  }
0x10f: {  	s12 =	simm.s32 $0x200;
	v11 =	vmul.f32 v11, v13;
	v7 =	vld [tilespmem:s25+$0x8460]  }
.LBB2_10:
0x110: {  	s13 =	sshra.s32 s12, $0x2;
	p0 =	sne.s32 s12, $0x7E00;
	[tilespmem:s25+$0x8400] =	vst v12;
	v5 =	vmul.f32 v5, v10;
	v10 =	vld [tilespmem:s25+$0x8470]  }
0x111: {  	v12 =	vld [tilespmem:s13+$0x16400];
	[tilespmem:s25+$0x8410] =	vst v11;
	v4 =	vmul.f32 v4, v9  }
0x112: {  	v11 =	vld [tilespmem:s13+$0x16410];
	[tilespmem:s25+$0x8420] =	vst v5;
	v3 =	vmul.f32 v3, v8  }
0x113: {  	v5 =	vld [tilespmem:s13+$0x16420];
	[tilespmem:s25+$0x8430] =	vst v4;
	v2 =	vmul.f32 v2, v6  }
0x114: {  	v4 =	vld [tilespmem:s13+$0x16430];
	[tilespmem:s25+$0x8440] =	vst v3;
	v1 =	vmul.f32 v1, v7  }
0x115: {  	v3 =	vld [tilespmem:s13+$0x16440];
	[tilespmem:s25+$0x8450] =	vst v2;
	v0 =	vmul.f32 v0, v10  }
0x116: {  	v2 =	vld [tilespmem:s13+$0x16450];
	[tilespmem:s25+$0x8460] =	vst v1  }
0x117: {  	v1 =	vld [tilespmem:s13+$0x16460];
	[tilespmem:s25+$0x8470] =	vst v0;
	s25 =	smov.u32 s13  }
0x118: {  	v0 =	vld [tilespmem:s25+$0x16470]  }
0x119: {  	v6 =	vld [tilespmem:s25+$0x8400]  }
0x11a: {  	v7 =	vld [tilespmem:s25+$0x8410]  }
.Ltmp4:
0x11b: {  	v10 =	vld [tilespmem:s25+$0x8420];
	(pc) =	sbr.rel @p0 .LBB2_10-.Ltmp4, $4  }
0x11c: {  	v9 =	vld [tilespmem:s25+$0x8430]  }
0x11d: {  	v8 =	vld [tilespmem:s25+$0x8440]  }
0x11e: {  	v12 =	vmul.f32 v12, v6;
	v6 =	vld [tilespmem:s25+$0x8450]  }
0x11f: {  	s12 =	sadd.s32 $0x200, s12;
	v11 =	vmul.f32 v11, v7;
	v7 =	vld [tilespmem:s25+$0x8460]  }
0x120: {  	[tilespmem:s25+$0x8400] =	vst v12;
	v5 =	vmul.f32 v5, v10;
	v10 =	vld [tilespmem:s25+$0x8470]  }
0x121: {  	[tilespmem:s25+$0x8410] =	vst v11;
	v4 =	vmul.f32 v4, v9  }
0x122: {  	[tilespmem:s25+$0x8420] =	vst v5;
	v3 =	vmul.f32 v3, v8  }
0x123: {  	[tilespmem:s25+$0x8430] =	vst v4;
	v2 =	vmul.f32 v2, v6  }
0x124: {  	[tilespmem:s25+$0x8440] =	vst v3;
	v1 =	vmul.f32 v1, v7  }
0x125: {  	[tilespmem:s25+$0x8450] =	vst v2;
	v0 =	vmul.f32 v0, v10  }
0x126: {  	[tilespmem:s25+$0x8460] =	vst v1  }
0x127: {  	s12 =	simm.s32 $0x0;
	s13 =	rddreg [dreg:$0xb];
	[tilespmem:s25+$0x8470] =	vst v0  }
0x128: {  	[hbm4b:s13+s12] =	stream.linear.scatter [tilespmem:s22], [sflag:$0xC], $0x2000, $0x38;
	[tilespmem:$0x1C400] =	vst v63  }
0x129: {  	_ =	swait.ge [sflag:s16], $0x2000  }
0x12a: {  	[sflag:s16] =	ssyncset.done $0x0  }
0x12b: {  	[sflag:s16] =	ssyncadd.s32 $0xFFFFE000  }
0x12c: {  	_ =	swait.ge [sflag:s16], $0x2000  }
0x12d: {  	[sflag:s16] =	ssyncset.done $0x0  }
0x12e: {  	s25 =	simm.s32 $0x0;
	[sflag:s16] =	ssyncadd.s32 $0xFFFFE000  }
0x12f: {  	v7 =	vld [tilespmem:s25+$0x18400]  }
0x130: {  	v11 =	vld [tilespmem:s25+$0x18410]  }
0x131: {  	v5 =	vld [tilespmem:s25+$0x18420]  }
0x132: {  	v4 =	vld [tilespmem:s25+$0x18430]  }
0x133: {  	v3 =	vld [tilespmem:s25+$0x18440]  }
0x134: {  	v2 =	vld [tilespmem:s25+$0x18450]  }
0x135: {  	v1 =	vld [tilespmem:s25+$0x18460]  }
0x136: {  	v0 =	vld [tilespmem:s25+$0x18470]  }
0x137: {  	v12 =	vld [tilespmem:s25+$0xA400]  }
0x138: {  	v13 =	vld [tilespmem:s25+$0xA410]  }
0x139: {  	v10 =	vld [tilespmem:s25+$0xA420]  }
0x13a: {  	v9 =	vld [tilespmem:s25+$0xA430]  }
0x13b: {  	v8 =	vld [tilespmem:s25+$0xA440]  }
0x13c: {  	v6 =	vld [tilespmem:s25+$0xA450];
	v12 =	vmul.f32 v7, v12  }
0x13d: {  	s12 =	simm.s32 $0x200;
	v11 =	vmul.f32 v11, v13;
	v7 =	vld [tilespmem:s25+$0xA460]  }
.LBB2_12:
0x13e: {  	s13 =	sshra.s32 s12, $0x2;
	p0 =	sne.s32 s12, $0x7E00;
	[tilespmem:s25+$0xA400] =	vst v12;
	v5 =	vmul.f32 v5, v10;
	v10 =	vld [tilespmem:s25+$0xA470]  }
0x13f: {  	v12 =	vld [tilespmem:s13+$0x18400];
	[tilespmem:s25+$0xA410] =	vst v11;
	v4 =	vmul.f32 v4, v9  }
0x140: {  	v11 =	vld [tilespmem:s13+$0x18410];
	[tilespmem:s25+$0xA420] =	vst v5;
	v3 =	vmul.f32 v3, v8  }
0x141: {  	v5 =	vld [tilespmem:s13+$0x18420];
	[tilespmem:s25+$0xA430] =	vst v4;
	v2 =	vmul.f32 v2, v6  }
0x142: {  	v4 =	vld [tilespmem:s13+$0x18430];
	[tilespmem:s25+$0xA440] =	vst v3;
	v1 =	vmul.f32 v1, v7  }
0x143: {  	v3 =	vld [tilespmem:s13+$0x18440];
	[tilespmem:s25+$0xA450] =	vst v2;
	v0 =	vmul.f32 v0, v10  }
0x144: {  	v2 =	vld [tilespmem:s13+$0x18450];
	[tilespmem:s25+$0xA460] =	vst v1  }
0x145: {  	v1 =	vld [tilespmem:s13+$0x18460];
	[tilespmem:s25+$0xA470] =	vst v0;
	s25 =	smov.u32 s13  }
0x146: {  	v0 =	vld [tilespmem:s25+$0x18470]  }
0x147: {  	v6 =	vld [tilespmem:s25+$0xA400]  }
0x148: {  	v7 =	vld [tilespmem:s25+$0xA410]  }
.Ltmp5:
0x149: {  	v10 =	vld [tilespmem:s25+$0xA420];
	(pc) =	sbr.rel @p0 .LBB2_12-.Ltmp5, $4  }
0x14a: {  	v9 =	vld [tilespmem:s25+$0xA430]  }
0x14b: {  	v8 =	vld [tilespmem:s25+$0xA440]  }
0x14c: {  	v12 =	vmul.f32 v12, v6;
	v6 =	vld [tilespmem:s25+$0xA450]  }
0x14d: {  	s12 =	sadd.s32 $0x200, s12;
	v11 =	vmul.f32 v11, v7;
	v7 =	vld [tilespmem:s25+$0xA460]  }
0x14e: {  	[tilespmem:s25+$0xA400] =	vst v12;
	v5 =	vmul.f32 v5, v10;
	v10 =	vld [tilespmem:s25+$0xA470]  }
0x14f: {  	[tilespmem:s25+$0xA410] =	vst v11;
	v4 =	vmul.f32 v4, v9  }
0x150: {  	[tilespmem:s25+$0xA420] =	vst v5;
	v3 =	vmul.f32 v3, v8  }
0x151: {  	[tilespmem:s25+$0xA430] =	vst v4;
	v2 =	vmul.f32 v2, v6  }
0x152: {  	[tilespmem:s25+$0xA440] =	vst v3;
	v1 =	vmul.f32 v1, v7  }
0x153: {  	[tilespmem:s25+$0xA450] =	vst v2;
	v0 =	vmul.f32 v0, v10  }
0x154: {  	[tilespmem:s25+$0xA460] =	vst v1  }
0x155: {  	s12 =	simm.s32 $0x0;
	s13 =	rddreg [dreg:$0xc];
	[tilespmem:s25+$0xA470] =	vst v0  }
0x156: {  	[hbm4b:s13+s12] =	stream.linear.scatter [tilespmem:s28], [sflag:$0xD], $0x2000, $0x38;
	[tilespmem:$0x1C400] =	vst v63  }
0x157: {  	_ =	swait.ge [sflag:s5], $0x2000  }
0x158: {  	[sflag:s5] =	ssyncset.done $0x0  }
0x159: {  	[sflag:s5] =	ssyncadd.s32 $0xFFFFE000  }
0x15a: {  	_ =	swait.ge [sflag:s5], $0x2000  }
0x15b: {  	[sflag:s5] =	ssyncset.done $0x0  }
0x15c: {  	s25 =	simm.s32 $0x0;
	[sflag:s5] =	ssyncadd.s32 $0xFFFFE000  }
0x15d: {  	v7 =	vld [tilespmem:s25+$0x1A400]  }
0x15e: {  	v11 =	vld [tilespmem:s25+$0x1A410]  }
0x15f: {  	v5 =	vld [tilespmem:s25+$0x1A420]  }
0x160: {  	v4 =	vld [tilespmem:s25+$0x1A430]  }
0x161: {  	v3 =	vld [tilespmem:s25+$0x1A440]  }
0x162: {  	v2 =	vld [tilespmem:s25+$0x1A450]  }
0x163: {  	v1 =	vld [tilespmem:s25+$0x1A460]  }
0x164: {  	v0 =	vld [tilespmem:s25+$0x1A470]  }
0x165: {  	v12 =	vld [tilespmem:s25+$0xC400]  }
0x166: {  	v13 =	vld [tilespmem:s25+$0xC410]  }
0x167: {  	v10 =	vld [tilespmem:s25+$0xC420]  }
0x168: {  	v9 =	vld [tilespmem:s25+$0xC430]  }
0x169: {  	v8 =	vld [tilespmem:s25+$0xC440]  }
0x16a: {  	v6 =	vld [tilespmem:s25+$0xC450];
	v12 =	vmul.f32 v7, v12  }
0x16b: {  	s12 =	simm.s32 $0x200;
	v11 =	vmul.f32 v11, v13;
	v7 =	vld [tilespmem:s25+$0xC460]  }
.LBB2_14:
0x16c: {  	s13 =	sshra.s32 s12, $0x2;
	p0 =	sne.s32 s12, $0x7E00;
	[tilespmem:s25+$0xC400] =	vst v12;
	v5 =	vmul.f32 v5, v10;
	v10 =	vld [tilespmem:s25+$0xC470]  }
0x16d: {  	v12 =	vld [tilespmem:s13+$0x1A400];
	[tilespmem:s25+$0xC410] =	vst v11;
	v4 =	vmul.f32 v4, v9  }
0x16e: {  	v11 =	vld [tilespmem:s13+$0x1A410];
	[tilespmem:s25+$0xC420] =	vst v5;
	v3 =	vmul.f32 v3, v8  }
0x16f: {  	v5 =	vld [tilespmem:s13+$0x1A420];
	[tilespmem:s25+$0xC430] =	vst v4;
	v2 =	vmul.f32 v2, v6  }
0x170: {  	v4 =	vld [tilespmem:s13+$0x1A430];
	[tilespmem:s25+$0xC440] =	vst v3;
	v1 =	vmul.f32 v1, v7  }
0x171: {  	v3 =	vld [tilespmem:s13+$0x1A440];
	[tilespmem:s25+$0xC450] =	vst v2;
	v0 =	vmul.f32 v0, v10  }
0x172: {  	v2 =	vld [tilespmem:s13+$0x1A450];
	[tilespmem:s25+$0xC460] =	vst v1  }
0x173: {  	v1 =	vld [tilespmem:s13+$0x1A460];
	[tilespmem:s25+$0xC470] =	vst v0;
	s25 =	smov.u32 s13  }
0x174: {  	v0 =	vld [tilespmem:s25+$0x1A470]  }
0x175: {  	v6 =	vld [tilespmem:s25+$0xC400]  }
0x176: {  	v7 =	vld [tilespmem:s25+$0xC410]  }
.Ltmp6:
0x177: {  	v10 =	vld [tilespmem:s25+$0xC420];
	(pc) =	sbr.rel @p0 .LBB2_14-.Ltmp6, $4  }
0x178: {  	v9 =	vld [tilespmem:s25+$0xC430]  }
0x179: {  	v8 =	vld [tilespmem:s25+$0xC440]  }
0x17a: {  	v12 =	vmul.f32 v12, v6;
	v6 =	vld [tilespmem:s25+$0xC450]  }
0x17b: {  	s12 =	sadd.s32 $0x200, s12;
	v11 =	vmul.f32 v11, v7;
	v7 =	vld [tilespmem:s25+$0xC460]  }
0x17c: {  	[tilespmem:s25+$0xC400] =	vst v12;
	v5 =	vmul.f32 v5, v10;
	v10 =	vld [tilespmem:s25+$0xC470]  }
0x17d: {  	[tilespmem:s25+$0xC410] =	vst v11;
	v4 =	vmul.f32 v4, v9  }
0x17e: {  	[tilespmem:s25+$0xC420] =	vst v5;
	v3 =	vmul.f32 v3, v8  }
0x17f: {  	[tilespmem:s25+$0xC430] =	vst v4;
	v2 =	vmul.f32 v2, v6  }
0x180: {  	[tilespmem:s25+$0xC440] =	vst v3;
	v1 =	vmul.f32 v1, v7  }
0x181: {  	[tilespmem:s25+$0xC450] =	vst v2;
	v0 =	vmul.f32 v0, v10  }
0x182: {  	[tilespmem:s25+$0xC460] =	vst v1  }
0x183: {  	s12 =	simm.s32 $0x0;
	s13 =	rddreg [dreg:$0xd];
	[tilespmem:s25+$0xC470] =	vst v0  }
0x184: {  	[hbm4b:s13+s12] =	stream.linear.scatter [tilespmem:s3], [sflag:$0xE], $0x2000, $0x38;
	[tilespmem:$0x1C400] =	vst v63  }
0x185: {  	_ =	swait.ge [sflag:s26], $0x2000  }
0x186: {  	[sflag:s26] =	ssyncset.done $0x0  }
0x187: {  	[sflag:s26] =	ssyncadd.s32 $0xFFFFE000  }
0x188: {  	_ =	swait.ge [sflag:s26], $0x2000  }
0x189: {  	[sflag:s26] =	ssyncset.done $0x0  }
0x18a: {  	s25 =	simm.s32 $0x0;
	[sflag:s26] =	ssyncadd.s32 $0xFFFFE000  }
0x18b: {  	v7 =	vld [tilespmem:s25+$0xE400]  }
0x18c: {  	v11 =	vld [tilespmem:s25+$0xE410]  }
0x18d: {  	v5 =	vld [tilespmem:s25+$0xE420]  }
0x18e: {  	v4 =	vld [tilespmem:s25+$0xE430]  }
0x18f: {  	v3 =	vld [tilespmem:s25+$0xE440]  }
0x190: {  	v2 =	vld [tilespmem:s25+$0xE450]  }
0x191: {  	v1 =	vld [tilespmem:s25+$0xE460]  }
0x192: {  	v0 =	vld [tilespmem:s25+$0xE470]  }
0x193: {  	v12 =	vld [tilespmem:s25+$0x400]  }
0x194: {  	v13 =	vld [tilespmem:s25+$0x410]  }
0x195: {  	v10 =	vld [tilespmem:s25+$0x420]  }
0x196: {  	v9 =	vld [tilespmem:s25+$0x430]  }
0x197: {  	v8 =	vld [tilespmem:s25+$0x440]  }
0x198: {  	v6 =	vld [tilespmem:s25+$0x450];
	v12 =	vmul.f32 v7, v12  }
0x199: {  	s12 =	simm.s32 $0x200;
	v11 =	vmul.f32 v11, v13;
	v7 =	vld [tilespmem:s25+$0x460]  }
.LBB2_16:
0x19a: {  	s13 =	sshra.s32 s12, $0x2;
	p0 =	sne.s32 s12, $0x7E00;
	[tilespmem:s25+$0x400] =	vst v12;
	v5 =	vmul.f32 v5, v10;
	v10 =	vld [tilespmem:s25+$0x470]  }
0x19b: {  	v12 =	vld [tilespmem:s13+$0xE400];
	[tilespmem:s25+$0x410] =	vst v11;
	v4 =	vmul.f32 v4, v9  }
0x19c: {  	v11 =	vld [tilespmem:s13+$0xE410];
	[tilespmem:s25+$0x420] =	vst v5;
	v3 =	vmul.f32 v3, v8  }
0x19d: {  	v5 =	vld [tilespmem:s13+$0xE420];
	[tilespmem:s25+$0x430] =	vst v4;
	v2 =	vmul.f32 v2, v6  }
0x19e: {  	v4 =	vld [tilespmem:s13+$0xE430];
	[tilespmem:s25+$0x440] =	vst v3;
	v1 =	vmul.f32 v1, v7  }
0x19f: {  	v3 =	vld [tilespmem:s13+$0xE440];
	[tilespmem:s25+$0x450] =	vst v2;
	v0 =	vmul.f32 v0, v10  }
0x1a0: {  	v2 =	vld [tilespmem:s13+$0xE450];
	[tilespmem:s25+$0x460] =	vst v1  }
0x1a1: {  	v1 =	vld [tilespmem:s13+$0xE460];
	[tilespmem:s25+$0x470] =	vst v0;
	s25 =	smov.u32 s13  }
0x1a2: {  	v0 =	vld [tilespmem:s25+$0xE470]  }
0x1a3: {  	v6 =	vld [tilespmem:s25+$0x400]  }
0x1a4: {  	v7 =	vld [tilespmem:s25+$0x410]  }
.Ltmp7:
0x1a5: {  	v10 =	vld [tilespmem:s25+$0x420];
	(pc) =	sbr.rel @p0 .LBB2_16-.Ltmp7, $4  }
0x1a6: {  	v9 =	vld [tilespmem:s25+$0x430]  }
0x1a7: {  	v8 =	vld [tilespmem:s25+$0x440]  }
0x1a8: {  	v12 =	vmul.f32 v12, v6;
	v6 =	vld [tilespmem:s25+$0x450]  }
0x1a9: {  	s12 =	sadd.s32 $0x200, s12;
	v11 =	vmul.f32 v11, v7;
	v7 =	vld [tilespmem:s25+$0x460]  }
0x1aa: {  	[tilespmem:s25+$0x400] =	vst v12;
	v5 =	vmul.f32 v5, v10;
	v63 =	vld [tilespmem:s25+$0x470]  }
0x1ab: {  	[tilespmem:s25+$0x410] =	vst v11;
	v4 =	vmul.f32 v4, v9  }
0x1ac: {  	[tilespmem:s25+$0x420] =	vst v5;
	v3 =	vmul.f32 v3, v8  }
0x1ad: {  	[tilespmem:s25+$0x430] =	vst v4;
	v2 =	vmul.f32 v2, v6  }
0x1ae: {  	[tilespmem:s25+$0x440] =	vst v3;
	v1 =	vmul.f32 v1, v7  }
0x1af: {  	[tilespmem:s25+$0x450] =	vst v2;
	v0 =	vmul.f32 v0, v63  }
0x1b0: {  	[tilespmem:s25+$0x460] =	vst v1  }
0x1b1: {  	[tilespmem:s25+$0x470] =	vst v0  }
0x1b2: {  	[hbm4b:s14+s4] =	stream.linear.scatter [tilespmem:s19], [sflag:$0x8], $0x2000, $0x38;
	[tilespmem:$0x1C400] =	vst v63  }
0x1b3: {  	_ =	swait.ge [sflag:s29], $0x2000  }
0x1b4: {  	[sflag:s29] =	ssyncset.done $0x0  }
0x1b5: {  	[sflag:s29] =	ssyncadd.s32 $0xFFFFE000  }
0x1b6: {  	_ =	swait.ge [sflag:s20], $0x2000  }
0x1b7: {  	[sflag:s20] =	ssyncset.done $0x0  }
0x1b8: {  	[sflag:s20] =	ssyncadd.s32 $0xFFFFE000  }
0x1b9: {  	_ =	swait.ge [sflag:s7], $0x2000  }
0x1ba: {  	[sflag:s7] =	ssyncset.done $0x0  }
0x1bb: {  	[sflag:s7] =	ssyncadd.s32 $0xFFFFE000  }
0x1bc: {  	_ =	swait.ge [sflag:s21], $0x2000  }
0x1bd: {  	[sflag:s21] =	ssyncset.done $0x0  }
0x1be: {  	[sflag:s21] =	ssyncadd.s32 $0xFFFFE000  }
0x1bf: {  	_ =	swait.ge [sflag:s8], $0x2000  }
0x1c0: {  	[sflag:s8] =	ssyncset.done $0x0  }
0x1c1: {  	s11 =	sadd.s32 $0x1, s11;
	[sflag:s8] =	ssyncadd.s32 $0xFFFFE000  }
0x1c2: {  	p0 =	sne.s32 s11, s15;
	_ =	swait.ge [sflag:s9], $0x2000  }
.Ltmp8:
0x1c3: {  	[sflag:s9] =	ssyncset.done $0x0;
	(pc) =	sbr.rel @p0 .LBB2_1-.Ltmp8, $4  }
0x1c4: {  	[sflag:s9] =	ssyncadd.s32 $0xFFFFE000  }
0x1c5: {  	_ =	swait.ge [sflag:s10], $0x2000  }
0x1c6: {  	[sflag:s10] =	ssyncset.done $0x0  }
0x1c7: {  	[sflag:s10] =	ssyncadd.s32 $0xFFFFE000  }
0x1c8: {  	_ =	sfence.sel $0x180000  }
0x1c9: {  	[bflag:$0x0] =	sbarrier.arrive $0xFFFF  }
0x1ca: {  	_ =	strace $0x90000047  }
0x1cb: {  	s0 =	stileid.u32;
	[bflag:$0x2] =	sbarrier.arrive $0xFFFF  }
0x1cc: {  	p0 =	sne.s32 s0, $0x0;
	s0 =	rddreg [dreg:$0x5]  }
0x1cd: {  	s0 =	sadd.s32 @!p0 $0x100000, s0  }
0x1ce: {  	[sflag:s0] =	ssyncadd.tile.s32 @!p0 $0x1;
	_ =	shalt  }
.Lfunc_end2:
_tile_overlayer_lowered:
.L_overlay_start_2:
0x1cf: {  	(tag) =	ssettag $0x2  }
0x1d0: {  	s0 =	rddreg [dreg:$0x0];
	s2 =	stileid.u32  }
0x1d1: {  	s1 =	rddreg [dreg:$0x1];
	p0 =	sne.s32 s2, $0x0  }
0x1d2: {  	s3 =	rddreg [dreg:$0x2];
	[bflag:$0x3] =	sbarrier.arrive $0xFFFF;
	s2 =	simm.s32 @!p0 $0x1C10  }
0x1d3: {  	[timem:s3], [sflag:s2] =	dma.local @!p0 [hbm:s0], s1  }
0x1d4: {  	s0 =	simm.s32 @!p0 $0x10  }
0x1d5: {  	_ =	swait.ge @!p0 [sflag:s0], s1  }
0x1d6: {  	s1 =	ssub.s32 @!p0 $0x0, s1;
	[sflag:s0] =	ssyncset.done @!p0 $0x0  }
0x1d7: {  	[sflag:s0] =	ssyncadd.s32 @!p0 s1  }
0x1d8: {  	[bflag:$0x3] =	sbarrier.arrive $0xFFFF  }
0x1d9: {  	_ =	shalt  }

</sc_bundles>
